<compile_context>
chip_gen: v7x
topology: tpu7x:2x2x1
jax: 0.10.2.dev20260603
libtpu: 0.0.44.dev20260713+nightly
codegen_flags: <defaults>
</compile_context>

<pallas_src>
import functools

import jax
import jax.numpy as jnp
from jax import lax
from jax.experimental import pallas as pl
from jax.experimental.pallas import tpu as pltpu
from jax.experimental.pallas import tpu_sc as plsc

N = 10000
D = 128
G = 64
C = 10

NC = 2
NS = 16
NW = NC * NS
CHUNK = 128
N_ACC = 10240
ROWS_PT = N_ACC // NS
NBUF = 2
NPHASE = 2
ACHUNK = 128
BR = 1000


def _sc_mesh():
    return plsc.VectorSubcoreMesh(core_axis_name="c", subcore_axis_name="s")



def _make_deg(cpt):
    @functools.partial(
        pl.kernel,
        mesh=_sc_mesh(),
        out_type=jax.ShapeDtypeStruct((NC, 1, N_ACC), jnp.float32),
        scratch_types=[
            pltpu.VMEM((cpt, CHUNK), jnp.int32),
            pltpu.VMEM((CHUNK,), jnp.float32),
            pltpu.VMEM((ROWS_PT,), jnp.float32),
            pltpu.VMEM_SHARED((N_ACC,), jnp.float32),
        ],
    )
    def deg_kernel(ei_hbm, deg_out, dst_v, ones_v, stage_v, acc_sh):
        ci = lax.axis_index("c")
        si = lax.axis_index("s")
        w = si * NC + ci
        zf = jnp.zeros((16,), jnp.float32)
        of = jnp.ones((16,), jnp.float32)

        def zbody(i, carry):
            stage_v[pl.ds(i * 16, 16)] = zf
            return carry

        lax.fori_loop(0, ROWS_PT // 16, zbody, 0)
        for i in range(CHUNK // 16):
            ones_v[pl.ds(i * 16, 16)] = of
        pltpu.sync_copy(stage_v, acc_sh.at[pl.ds(si * ROWS_PT, ROWS_PT)])
        plsc.subcore_barrier()

        pltpu.sync_copy(ei_hbm.at[1, w], dst_v)

        def body(cn, carry):
            pltpu.sync_copy(ones_v, acc_sh.at[dst_v.at[cn]], add=True)
            return carry

        lax.fori_loop(0, cpt, body, 0)
        plsc.subcore_barrier()
        pltpu.sync_copy(acc_sh.at[pl.ds(si * ROWS_PT, ROWS_PT)],
                        deg_out.at[ci, 0, pl.ds(si * ROWS_PT, ROWS_PT)])

    return deg_kernel



def _make_agg(cpt):
    @functools.partial(
        pl.kernel,
        mesh=_sc_mesh(),
        out_type=jax.ShapeDtypeStruct((NC, N_ACC, D), jnp.float32),
        scratch_types=(
            [pltpu.VMEM((cpt // NPHASE, ACHUNK), jnp.int32),
             pltpu.VMEM((cpt // NPHASE, ACHUNK), jnp.int32)]
            + [pltpu.VMEM((ACHUNK, D), jnp.float32)] * NBUF
            + [pltpu.VMEM_SHARED((N_ACC, D), jnp.float32)]
            + [pltpu.SemaphoreType.DMA] * (2 * NBUF)
        ),
    )
    def agg_kernel(h_hbm, ei_hbm, agg_out, src_v, dst_v, *rest):
        bufs = rest[:NBUF]
        acc_sh = rest[NBUF]
        semg = rest[NBUF + 1:2 * NBUF + 1]
        semw = rest[2 * NBUF + 1:]
        ci = lax.axis_index("c")
        si = lax.axis_index("s")
        w = si * NC + ci
        zf = jnp.zeros((16,), jnp.float32)

        def zbody(i, carry):
            for l in range(D // 16):
                bufs[0][i, pl.ds(l * 16, 16)] = zf
            return carry

        lax.fori_loop(0, ACHUNK, zbody, 0)
        for j in range(ROWS_PT // ACHUNK):
            pltpu.sync_copy(
                bufs[0], acc_sh.at[pl.ds(si * ROWS_PT + j * ACHUNK, ACHUNK)])

        cpp = cpt // NPHASE

        def load_slabs(ph):
            pltpu.sync_copy(ei_hbm.at[0, w, pl.ds(ph * cpp, cpp)], src_v)
            pltpu.sync_copy(ei_hbm.at[1, w, pl.ds(ph * cpp, cpp)], dst_v)

        def prime():
            for b in range(NBUF):
                pltpu.async_copy(h_hbm.at[src_v.at[b]], bufs[b], semg[b])

        def run_ring():
            def outer(g, carry):
                for b in range(NBUF):
                    cn = g * NBUF + b
                    pltpu.make_async_copy(
                        h_hbm.at[src_v.at[cn]], bufs[b], semg[b]).wait()
                    pltpu.sync_copy(bufs[b], acc_sh.at[dst_v.at[cn]], add=True)
                    nxt = cn + NBUF

                    @pl.when(nxt < cpp)
                    def _start_next():
                        pltpu.async_copy(
                            h_hbm.at[src_v.at[nxt]], bufs[b], semg[b])
                return carry

            lax.fori_loop(0, cpp // NBUF, outer, 0)

        load_slabs(0)
        prime()
        plsc.subcore_barrier()
        run_ring()
        for ph in range(1, NPHASE):
            load_slabs(ph)
            prime()
            run_ring()
        plsc.subcore_barrier()

        nst = ROWS_PT // ACHUNK

        def rd(j):
            off = si * ROWS_PT + j * ACHUNK
            return (acc_sh.at[pl.ds(off, ACHUNK)], bufs[j % 2], semg[j % 2])

        def wr(j):
            off = si * ROWS_PT + j * ACHUNK
            return (bufs[j % 2], agg_out.at[ci, pl.ds(off, ACHUNK)],
                    semw[j % 2])

        pltpu.async_copy(*rd(0))
        pltpu.async_copy(*rd(1))
        pltpu.make_async_copy(*rd(0)).wait()
        pltpu.async_copy(*wr(0))
        pltpu.make_async_copy(*rd(1)).wait()
        pltpu.async_copy(*wr(1))
        for j in range(2, nst):
            pltpu.make_async_copy(*wr(j - 2)).wait()
            pltpu.async_copy(*rd(j))
            pltpu.make_async_copy(*rd(j)).wait()
            pltpu.async_copy(*wr(j))
        pltpu.make_async_copy(*wr(nst - 2)).wait()
        pltpu.make_async_copy(*wr(nst - 1)).wait()

    return agg_kernel



def _bdot(a, b):
    return jnp.dot(a.astype(jnp.bfloat16), b.astype(jnp.bfloat16),
                   preferred_element_type=jnp.float32)


def _mm1_body(x_ref, w_ref, deg_ref, o_ref):
    dinv = lax.rsqrt(deg_ref[...])
    o_ref[...] = _bdot(x_ref[...], w_ref[...]) * dinv


def _mm1(x, W1, deg_col):
    return pl.pallas_call(
        _mm1_body,
        grid=(N // BR,),
        in_specs=[
            pl.BlockSpec((BR, D), lambda i: (i, 0)),
            pl.BlockSpec((D, D), lambda i: (0, 0)),
            pl.BlockSpec((BR, 1), lambda i: (i, 0)),
        ],
        out_specs=pl.BlockSpec((BR, D), lambda i: (i, 0)),
        out_shape=jax.ShapeDtypeStruct((N, D), jnp.float32),
    )(x, W1, deg_col)


def _mid_body(agg_ref, h_ref, deg_ref, b_ref, w_ref, o_ref):
    dinv = lax.rsqrt(deg_ref[...])
    aggs = (agg_ref[0] + agg_ref[1]).astype(jnp.float32)
    t = (aggs + h_ref[...]) * dinv + b_ref[...]
    r = jnp.maximum(t, 0.0)
    o_ref[...] = _bdot(r, w_ref[...]) * dinv


def _mid(agg, h1p, deg_col, b1, W2):
    return pl.pallas_call(
        _mid_body,
        grid=(N // BR,),
        in_specs=[
            pl.BlockSpec((NC, BR, D), lambda i: (0, i, 0)),
            pl.BlockSpec((BR, D), lambda i: (i, 0)),
            pl.BlockSpec((BR, 1), lambda i: (i, 0)),
            pl.BlockSpec((1, D), lambda i: (0, 0)),
            pl.BlockSpec((D, D), lambda i: (0, 0)),
        ],
        out_specs=pl.BlockSpec((BR, D), lambda i: (i, 0)),
        out_shape=jax.ShapeDtypeStruct((N, D), jnp.float32),
    )(agg, h1p, deg_col, b1, W2)


def _final_body(agg_ref, h_ref, deg_ref, b_ref, batch_ref, wout_ref, bout_ref,
                o_ref, pooled):
    i = pl.program_id(0)
    dinv = lax.rsqrt(deg_ref[...])
    aggs = (agg_ref[0] + agg_ref[1]).astype(jnp.float32)
    t = (aggs + h_ref[...]) * dinv + b_ref[...]
    gids = lax.broadcasted_iota(jnp.int32, (G, BR), 0)
    onehot = jnp.where(batch_ref[0] == gids, 1.0, 0.0)
    part = _bdot(onehot, t)

    @pl.when(i == 0)
    def _init():
        pooled[...] = part

    @pl.when(i > 0)
    def _acc():
        pooled[...] += part

    @pl.when(i == pl.num_programs(0) - 1)
    def _fin():
        logits = jnp.dot(pooled[...], wout_ref[...],
                         preferred_element_type=jnp.float32) + bout_ref[...]
        m = jnp.max(logits, axis=-1, keepdims=True)
        s = logits - m
        lse = jnp.log(jnp.sum(jnp.exp(s), axis=-1, keepdims=True))
        o_ref[...] = s - lse


def _final(agg, h2p, deg_col, b2, batch2d, W_out, b_out):
    return pl.pallas_call(
        _final_body,
        grid=(N // BR,),
        in_specs=[
            pl.BlockSpec((NC, BR, D), lambda i: (0, i, 0)),
            pl.BlockSpec((BR, D), lambda i: (i, 0)),
            pl.BlockSpec((BR, 1), lambda i: (i, 0)),
            pl.BlockSpec((1, D), lambda i: (0, 0)),
            pl.BlockSpec((1, 1, BR), lambda i: (i, 0, 0)),
            pl.BlockSpec((D, C), lambda i: (0, 0)),
            pl.BlockSpec((1, C), lambda i: (0, 0)),
        ],
        out_specs=pl.BlockSpec((G, C), lambda i: (0, 0)),
        out_shape=jax.ShapeDtypeStruct((G, C), jnp.float32),
        scratch_shapes=[pltpu.VMEM((G, D), jnp.float32)],
    )(agg, h2p, deg_col, b2, batch2d, W_out, b_out)



def kernel(x, edge_index, batch, W1, b1, W2, b2, W_out, b_out):
    e = edge_index.shape[1]
    cpt = -(-e // (NW * CHUNK))
    cpt += (-cpt) % (NBUF * NPHASE * 4)
    padlen = NW * cpt * CHUNK - e
    ar = jnp.arange(padlen, dtype=jnp.int32)
    ei3 = jnp.concatenate(
        [edge_index, jnp.stack([ar % N, N + ar % (N_ACC - N)])], axis=1,
    ).reshape(2, NW, cpt, CHUNK)

    deg2 = _make_deg(cpt)(ei3)
    deg_col = (deg2[0, 0, :N] + deg2[1, 0, :N] + 1.0).reshape(N, 1)

    h1p = _mm1(x, W1, deg_col)
    agg1 = _make_agg(cpt)(h1p, ei3)
    h2p = _mid(agg1, h1p, deg_col, b1.reshape(1, D), W2)
    agg2 = _make_agg(cpt)(h2p, ei3)
    batch3d = batch.reshape(N // BR, 1, BR)
    return _final(agg2, h2p, deg_col, b2.reshape(1, D), batch3d,
                  W_out, b_out.reshape(1, C))

# --- scband reference (transcript-rebuilt; emitter-appended) ---
"""Pipeline reference for scband-graph-senn-51153060495380 (READ-ONLY COPY).

The authoritative reference and input builder live on the scoring server;
editing this copy changes nothing except your own understanding.
"""

import jax, jax.numpy as jnp
import numpy as np

N = 10000
E = 320000
D = 128
G = 64
C = 10


def gcn_conv(x, edge_index, W, b, n_nodes):
    # Faithful PyG GCNConv: linear transform, add self-loops, sym-normalized scatter-add, bias.
    src = edge_index[0]
    dst = edge_index[1]
    loop = jnp.arange(n_nodes, dtype=src.dtype)
    src = jnp.concatenate([src, loop])
    dst = jnp.concatenate([dst, loop])
    deg = jnp.zeros((n_nodes,), dtype=x.dtype).at[dst].add(1.0)
    dinv = jnp.where(deg > 0, jax.lax.rsqrt(jnp.maximum(deg, 1e-12)), 0.0)
    norm = dinv[src] * dinv[dst]
    h = x @ W
    msg = h[src] * norm[:, None]
    out = jnp.zeros((n_nodes, W.shape[1]), dtype=x.dtype).at[dst].add(msg)
    return out + b


def setup_inputs(seed: int = 0) -> dict:
    key = jax.random.key(seed)
    ks = jax.random.split(key, 10)
    x = jax.random.normal(ks[0], (N, D), dtype=jnp.float32)
    edge_index = jax.random.randint(ks[1], (2, E), 0, N, dtype=jnp.int32)
    batch = jnp.sort(jax.random.randint(ks[2], (N,), 0, G, dtype=jnp.int32))
    W1 = jax.random.normal(ks[3], (D, D), dtype=jnp.float32) * 0.05
    b1 = jnp.zeros((D,), dtype=jnp.float32)
    W2 = jax.random.normal(ks[4], (D, D), dtype=jnp.float32) * 0.05
    b2 = jnp.zeros((D,), dtype=jnp.float32)
    W_out = jax.random.normal(ks[5], (D, C), dtype=jnp.float32) * 0.05
    b_out = jnp.zeros((C,), dtype=jnp.float32)
    return {"x": x, "edge_index": edge_index, "batch": batch,
            "W1": W1, "b1": b1, "W2": W2, "b2": b2,
            "W_out": W_out, "b_out": b_out}


def reference(x, edge_index, batch, W1, b1, W2, b2, W_out, b_out):
    # layer 1 + activation
    h = jax.nn.relu(gcn_conv(x, edge_index, W1, b1, N))
    # last GCN layer (no activation)
    h = gcn_conv(h, edge_index, W2, b2, N)
    # SumAggregation over batch index -> per-graph embeddings
    pooled = jnp.zeros((G, D), dtype=h.dtype).at[batch].add(h)
    # output linear + log_softmax
    logits = pooled @ W_out + b_out
    return jax.nn.log_softmax(logits, axis=-1)

if __name__ == "__main__":
    import jax
    _d = setup_inputs()
    print(jax.jit(kernel)(*tuple(_d.values())))

</pallas_src>

<mosaic_0001>
#map = affine_map<(d0, d1) -> (0, 0, 0, 0)>
#map1 = affine_map<(d0, d1) -> (0, 0, 0)>
module attributes {stable_mosaic.version = 14 : i64} {
  func.func @deg_kernel(%arg0: i32, %arg1: i32, %arg2: memref<2x32x80x128xi32, #tpu.memory_space<hbm>>, %arg3: memref<2x1x10240xf32, #tpu.memory_space<hbm>>, %arg4: memref<80x128xi32, #tpu.memory_space<vmem>>, %arg5: memref<128xf32, #tpu.memory_space<vmem>>, %arg6: memref<640xf32, #tpu.memory_space<vmem>>, %arg7: memref<10240xf32, #tpu.memory_space<vmem_shared>>) attributes {dimension_semantics = [#tpu.dimension_semantics<core_parallel>, #tpu.dimension_semantics<subcore_parallel>], iteration_bounds = array<i64: 2, 16>, scalar_prefetch = 0 : i64, scratch_operands = 4 : i64, tpu.core_type = #tpu.core_type<sc_vector_subcore>, window_params = [{transform_indices = #map}, {transform_indices = #map1}]} {
    %mul3A = arith.constant 2 : i32
    %mul3A_0 = arith.muli %arg1, %mul3A : i32
    %add3A = arith.addi %mul3A_0, %arg0 : i32
    %broadcast_in_dim3A = arith.constant 0.000000e+00 : f32
    %broadcast_in_dim3A_1 = vector.broadcast %broadcast_in_dim3A : f32 to vector<16xf32>
    %broadcast_in_dim3A_2 = arith.constant 1.000000e+00 : f32
    %broadcast_in_dim3A_3 = vector.broadcast %broadcast_in_dim3A_2 : f32 to vector<16xf32>
    %scan3A = arith.constant 0 : i32
    %scan3A_4 = arith.constant 0 : i32
    %scan3A_5 = arith.constant 40 : i32
    %scan3A_6 = arith.addi %scan3A_4, %scan3A_5 : i32
    %scan3A_7 = arith.constant 1 : i32
    scf.for %scan3A_54 = %scan3A_4 to %scan3A_6 step %scan3A_7  : i32 {
      %mul3A_55 = arith.constant 16 : i32
      %mul3A_56 = arith.muli %scan3A_54, %mul3A_55 : i32
      %swap3A_57 = arith.index_cast %mul3A_56 : i32 to index
      %swap3A_58 = tpu.vector_load %arg6[%swap3A_57] {strides = array<i32>} : memref<640xf32, #tpu.memory_space<vmem>>, vector<16xf32>,
      %swap3A_59 = vector.shape_cast %swap3A_58 : vector<16xf32> to vector<16xf32>
      %swap3A_60 = vector.shape_cast %broadcast_in_dim3A_1 : vector<16xf32> to vector<16xf32>
      tpu.vector_store %arg6[%swap3A_57], %swap3A_60 {strides = array<i32>} : memref<640xf32, #tpu.memory_space<vmem>>, vector<16xf32>,
    }
    %scan3A_8 = arith.constant 40 : i32
    %swap3A = arith.constant 0 : index
    %swap3A_9 = tpu.vector_load %arg5[%swap3A] {strides = array<i32>} : memref<128xf32, #tpu.memory_space<vmem>>, vector<16xf32>,
    %swap3A_10 = vector.shape_cast %swap3A_9 : vector<16xf32> to vector<16xf32>
    %swap3A_11 = vector.shape_cast %broadcast_in_dim3A_3 : vector<16xf32> to vector<16xf32>
    tpu.vector_store %arg5[%swap3A], %swap3A_11 {strides = array<i32>} : memref<128xf32, #tpu.memory_space<vmem>>, vector<16xf32>,
    %swap3A_12 = arith.constant 16 : index
    %swap3A_13 = tpu.vector_load %arg5[%swap3A_12] {strides = array<i32>} : memref<128xf32, #tpu.memory_space<vmem>>, vector<16xf32>,
    %swap3A_14 = vector.shape_cast %swap3A_13 : vector<16xf32> to vector<16xf32>
    %swap3A_15 = vector.shape_cast %broadcast_in_dim3A_3 : vector<16xf32> to vector<16xf32>
    tpu.vector_store %arg5[%swap3A_12], %swap3A_15 {strides = array<i32>} : memref<128xf32, #tpu.memory_space<vmem>>, vector<16xf32>,
    %swap3A_16 = arith.constant 32 : index
    %swap3A_17 = tpu.vector_load %arg5[%swap3A_16] {strides = array<i32>} : memref<128xf32, #tpu.memory_space<vmem>>, vector<16xf32>,
    %swap3A_18 = vector.shape_cast %swap3A_17 : vector<16xf32> to vector<16xf32>
    %swap3A_19 = vector.shape_cast %broadcast_in_dim3A_3 : vector<16xf32> to vector<16xf32>
    tpu.vector_store %arg5[%swap3A_16], %swap3A_19 {strides = array<i32>} : memref<128xf32, #tpu.memory_space<vmem>>, vector<16xf32>,
    %swap3A_20 = arith.constant 48 : index
    %swap3A_21 = tpu.vector_load %arg5[%swap3A_20] {strides = array<i32>} : memref<128xf32, #tpu.memory_space<vmem>>, vector<16xf32>,
    %swap3A_22 = vector.shape_cast %swap3A_21 : vector<16xf32> to vector<16xf32>
    %swap3A_23 = vector.shape_cast %broadcast_in_dim3A_3 : vector<16xf32> to vector<16xf32>
    tpu.vector_store %arg5[%swap3A_20], %swap3A_23 {strides = array<i32>} : memref<128xf32, #tpu.memory_space<vmem>>, vector<16xf32>,
    %swap3A_24 = arith.constant 64 : index
    %swap3A_25 = tpu.vector_load %arg5[%swap3A_24] {strides = array<i32>} : memref<128xf32, #tpu.memory_space<vmem>>, vector<16xf32>,
    %swap3A_26 = vector.shape_cast %swap3A_25 : vector<16xf32> to vector<16xf32>
    %swap3A_27 = vector.shape_cast %broadcast_in_dim3A_3 : vector<16xf32> to vector<16xf32>
    tpu.vector_store %arg5[%swap3A_24], %swap3A_27 {strides = array<i32>} : memref<128xf32, #tpu.memory_space<vmem>>, vector<16xf32>,
    %swap3A_28 = arith.constant 80 : index
    %swap3A_29 = tpu.vector_load %arg5[%swap3A_28] {strides = array<i32>} : memref<128xf32, #tpu.memory_space<vmem>>, vector<16xf32>,
    %swap3A_30 = vector.shape_cast %swap3A_29 : vector<16xf32> to vector<16xf32>
    %swap3A_31 = vector.shape_cast %broadcast_in_dim3A_3 : vector<16xf32> to vector<16xf32>
    tpu.vector_store %arg5[%swap3A_28], %swap3A_31 {strides = array<i32>} : memref<128xf32, #tpu.memory_space<vmem>>, vector<16xf32>,
    %swap3A_32 = arith.constant 96 : index
    %swap3A_33 = tpu.vector_load %arg5[%swap3A_32] {strides = array<i32>} : memref<128xf32, #tpu.memory_space<vmem>>, vector<16xf32>,
    %swap3A_34 = vector.shape_cast %swap3A_33 : vector<16xf32> to vector<16xf32>
    %swap3A_35 = vector.shape_cast %broadcast_in_dim3A_3 : vector<16xf32> to vector<16xf32>
    tpu.vector_store %arg5[%swap3A_32], %swap3A_35 {strides = array<i32>} : memref<128xf32, #tpu.memory_space<vmem>>, vector<16xf32>,
    %swap3A_36 = arith.constant 112 : index
    %swap3A_37 = tpu.vector_load %arg5[%swap3A_36] {strides = array<i32>} : memref<128xf32, #tpu.memory_space<vmem>>, vector<16xf32>,
    %swap3A_38 = vector.shape_cast %swap3A_37 : vector<16xf32> to vector<16xf32>
    %swap3A_39 = vector.shape_cast %broadcast_in_dim3A_3 : vector<16xf32> to vector<16xf32>
    tpu.vector_store %arg5[%swap3A_36], %swap3A_39 {strides = array<i32>} : memref<128xf32, #tpu.memory_space<vmem>>, vector<16xf32>,
    %mul3A_40 = arith.constant 640 : i32
    %mul3A_41 = arith.muli %arg1, %mul3A_40 : i32
    "tpu.region"() ({
      %run_scoped3A_54 = tpu.sem_alloc : memref<!tpu.dma_semaphore, #tpu.memory_space<semaphore_mem>>
      %dma_start3A = tpu.memref_slice %arg7[%mul3A_41] : memref<10240xf32, #tpu.memory_space<vmem_shared>> -> memref<640xf32, #tpu.memory_space<vmem_shared>>
      %dma_start3A_55 = tpu.memref_slice %arg7[%mul3A_41] : memref<10240xf32, #tpu.memory_space<vmem_shared>> -> memref<640xf32, #tpu.memory_space<vmem_shared>>
      tpu.enqueue_dma source(%arg6 : memref<640xf32, #tpu.memory_space<vmem>>) target(%dma_start3A_55 : memref<640xf32, #tpu.memory_space<vmem_shared>>) target_semaphore(%run_scoped3A_54 : memref<!tpu.dma_semaphore, #tpu.memory_space<semaphore_mem>>)
      %dma_wait3A = tpu.memref_slice %arg7[%mul3A_41] : memref<10240xf32, #tpu.memory_space<vmem_shared>> -> memref<640xf32, #tpu.memory_space<vmem_shared>>
      %dma_wait3A_56 = tpu.memref_slice %arg7[%mul3A_41] : memref<10240xf32, #tpu.memory_space<vmem_shared>> -> memref<640xf32, #tpu.memory_space<vmem_shared>>
      tpu.wait_dma2 semaphore(%run_scoped3A_54 : memref<!tpu.dma_semaphore, #tpu.memory_space<semaphore_mem>>) src(%arg6 : memref<640xf32, #tpu.memory_space<vmem>>) dst(%dma_wait3A_56 : memref<640xf32, #tpu.memory_space<vmem_shared>>)
      tpu.yield
    }) : () -> ()
    %barrier3A = arith.constant 0 : index
    tpu.barrier barrier_id(%barrier3A)
    %run_scoped3A = arith.constant 1 : i32
    "tpu.region"() ({
      %run_scoped3A_54 = tpu.sem_alloc : memref<!tpu.dma_semaphore, #tpu.memory_space<semaphore_mem>>
      %dma_start3A = arith.constant 0 : i32
      %dma_start3A_55 = arith.constant 0 : i32
      %dma_start3A_56 = tpu.memref_slice %arg2[%run_scoped3A, %add3A, %dma_start3A, %dma_start3A_55] : memref<2x32x80x128xi32, #tpu.memory_space<hbm>> -> memref<1x1x80x128xi32, #tpu.memory_space<hbm>>
      %dma_start3A_57 = tpu.memref_squeeze %dma_start3A_56 : memref<1x1x80x128xi32, #tpu.memory_space<hbm>> -> memref<80x128xi32, #tpu.memory_space<hbm>>
      %dma_start3A_58 = arith.constant 0 : i32
      %dma_start3A_59 = arith.constant 0 : i32
      %dma_start3A_60 = tpu.memref_slice %arg2[%run_scoped3A, %add3A, %dma_start3A_58, %dma_start3A_59] : memref<2x32x80x128xi32, #tpu.memory_space<hbm>> -> memref<1x1x80x128xi32, #tpu.memory_space<hbm>>
      %dma_start3A_61 = tpu.memref_squeeze %dma_start3A_60 : memref<1x1x80x128xi32, #tpu.memory_space<hbm>> -> memref<80x128xi32, #tpu.memory_space<hbm>>
      tpu.enqueue_dma source(%dma_start3A_61 : memref<80x128xi32, #tpu.memory_space<hbm>>) target(%arg4 : memref<80x128xi32, #tpu.memory_space<vmem>>) target_semaphore(%run_scoped3A_54 : memref<!tpu.dma_semaphore, #tpu.memory_space<semaphore_mem>>)
      %dma_wait3A = arith.constant 0 : i32
      %dma_wait3A_62 = arith.constant 0 : i32
      %dma_wait3A_63 = tpu.memref_slice %arg2[%run_scoped3A, %add3A, %dma_wait3A, %dma_wait3A_62] : memref<2x32x80x128xi32, #tpu.memory_space<hbm>> -> memref<1x1x80x128xi32, #tpu.memory_space<hbm>>
      %dma_wait3A_64 = tpu.memref_squeeze %dma_wait3A_63 : memref<1x1x80x128xi32, #tpu.memory_space<hbm>> -> memref<80x128xi32, #tpu.memory_space<hbm>>
      %dma_wait3A_65 = arith.constant 0 : i32
      %dma_wait3A_66 = arith.constant 0 : i32
      %dma_wait3A_67 = tpu.memref_slice %arg2[%run_scoped3A, %add3A, %dma_wait3A_65, %dma_wait3A_66] : memref<2x32x80x128xi32, #tpu.memory_space<hbm>> -> memref<1x1x80x128xi32, #tpu.memory_space<hbm>>
      %dma_wait3A_68 = tpu.memref_squeeze %dma_wait3A_67 : memref<1x1x80x128xi32, #tpu.memory_space<hbm>> -> memref<80x128xi32, #tpu.memory_space<hbm>>
      tpu.wait_dma2 semaphore(%run_scoped3A_54 : memref<!tpu.dma_semaphore, #tpu.memory_space<semaphore_mem>>) src(%dma_wait3A_68 : memref<80x128xi32, #tpu.memory_space<hbm>>) dst(%arg4 : memref<80x128xi32, #tpu.memory_space<vmem>>)
      tpu.yield
    }) : () -> ()
    %scan3A_42 = arith.constant 0 : i32
    %scan3A_43 = arith.constant 0 : i32
    %scan3A_44 = arith.constant 80 : i32
    %scan3A_45 = arith.addi %scan3A_43, %scan3A_44 : i32
    %scan3A_46 = arith.constant 1 : i32
    scf.for %scan3A_54 = %scan3A_43 to %scan3A_45 step %scan3A_46  : i32 {
      "tpu.region"() ({
        %run_scoped3A_55 = tpu.sem_alloc : memref<!tpu.dma_semaphore, #tpu.memory_space<semaphore_mem>>
        %dma_start3A = arith.constant 0 : i32
        %dma_start3A_56 = tpu.memref_slice %arg4[%scan3A_54, %dma_start3A] : memref<80x128xi32, #tpu.memory_space<vmem>> -> memref<1x128xi32, #tpu.memory_space<vmem>>
        %dma_start3A_57 = tpu.memref_squeeze %dma_start3A_56 : memref<1x128xi32, #tpu.memory_space<vmem>> -> memref<128xi32, #tpu.memory_space<vmem>>
        %dma_start3A_58 = arith.constant 0 : i32
        %dma_start3A_59 = tpu.memref_slice %arg7[%dma_start3A_58] : memref<10240xf32, #tpu.memory_space<vmem_shared>> -> memref<10240xf32, #tpu.memory_space<vmem_shared>>
        tpu.enqueue_indirect_dma source(%arg5 : memref<128xf32, #tpu.memory_space<vmem>>) target(%dma_start3A_59 : memref<10240xf32, #tpu.memory_space<vmem_shared>>) offsets(%dma_start3A_57 : memref<128xi32, #tpu.memory_space<vmem>>) semaphore(%run_scoped3A_55 : memref<!tpu.dma_semaphore, #tpu.memory_space<semaphore_mem>>) {add = true}
        %dma_wait3A = arith.constant 0 : i32
        %dma_wait3A_60 = tpu.memref_slice %arg4[%scan3A_54, %dma_wait3A] : memref<80x128xi32, #tpu.memory_space<vmem>> -> memref<1x128xi32, #tpu.memory_space<vmem>>
        %dma_wait3A_61 = tpu.memref_squeeze %dma_wait3A_60 : memref<1x128xi32, #tpu.memory_space<vmem>> -> memref<128xi32, #tpu.memory_space<vmem>>
        %dma_wait3A_62 = arith.constant 0 : i32
        %dma_wait3A_63 = tpu.memref_slice %arg7[%dma_wait3A_62] : memref<10240xf32, #tpu.memory_space<vmem_shared>> -> memref<10240xf32, #tpu.memory_space<vmem_shared>>
        tpu.wait_indirect_dma semaphore(%run_scoped3A_55 : memref<!tpu.dma_semaphore, #tpu.memory_space<semaphore_mem>>) src(%arg5 : memref<128xf32, #tpu.memory_space<vmem>>) dst(%dma_wait3A_63 : memref<10240xf32, #tpu.memory_space<vmem_shared>>)
        tpu.yield
      }) : () -> ()
    }
    %scan3A_47 = arith.constant 80 : i32
    %barrier3A_48 = arith.constant 0 : index
    tpu.barrier barrier_id(%barrier3A_48)
    %mul3A_49 = arith.constant 640 : i32
    %mul3A_50 = arith.muli %arg1, %mul3A_49 : i32
    %mul3A_51 = arith.constant 640 : i32
    %mul3A_52 = arith.muli %arg1, %mul3A_51 : i32
    %run_scoped3A_53 = arith.constant 0 : i32
    "tpu.region"() ({
      %run_scoped3A_54 = tpu.sem_alloc : memref<!tpu.dma_semaphore, #tpu.memory_space<semaphore_mem>>
      %dma_start3A = tpu.memref_slice %arg3[%arg0, %run_scoped3A_53, %mul3A_52] : memref<2x1x10240xf32, #tpu.memory_space<hbm>> -> memref<1x1x640xf32, #tpu.memory_space<hbm>>
      %dma_start3A_55 = tpu.memref_squeeze %dma_start3A : memref<1x1x640xf32, #tpu.memory_space<hbm>> -> memref<640xf32, #tpu.memory_space<hbm>>
      %dma_start3A_56 = tpu.memref_slice %arg7[%mul3A_50] : memref<10240xf32, #tpu.memory_space<vmem_shared>> -> memref<640xf32, #tpu.memory_space<vmem_shared>>
      tpu.enqueue_dma source(%dma_start3A_56 : memref<640xf32, #tpu.memory_space<vmem_shared>>) target(%dma_start3A_55 : memref<640xf32, #tpu.memory_space<hbm>>) target_semaphore(%run_scoped3A_54 : memref<!tpu.dma_semaphore, #tpu.memory_space<semaphore_mem>>)
      %dma_wait3A = tpu.memref_slice %arg3[%arg0, %run_scoped3A_53, %mul3A_52] : memref<2x1x10240xf32, #tpu.memory_space<hbm>> -> memref<1x1x640xf32, #tpu.memory_space<hbm>>
      %dma_wait3A_57 = tpu.memref_squeeze %dma_wait3A : memref<1x1x640xf32, #tpu.memory_space<hbm>> -> memref<640xf32, #tpu.memory_space<hbm>>
      %dma_wait3A_58 = tpu.memref_slice %arg7[%mul3A_50] : memref<10240xf32, #tpu.memory_space<vmem_shared>> -> memref<640xf32, #tpu.memory_space<vmem_shared>>
      tpu.wait_dma2 semaphore(%run_scoped3A_54 : memref<!tpu.dma_semaphore, #tpu.memory_space<semaphore_mem>>) src(%dma_wait3A_58 : memref<640xf32, #tpu.memory_space<vmem_shared>>) dst(%dma_wait3A_57 : memref<640xf32, #tpu.memory_space<hbm>>)
      tpu.yield
    }) : () -> ()
    return
  }
}

#map = affine_map<(d0, d1) -> (0, 0)>
#map1 = affine_map<(d0, d1) -> (0, 0, 0, 0)>
#map2 = affine_map<(d0, d1) -> (0, 0, 0)>
module attributes {stable_mosaic.version = 14 : i64} {
  func.func @agg_kernel(%arg0: i32, %arg1: i32, %arg2: memref<10000x128xf32, #tpu.memory_space<hbm>>, %arg3: memref<2x32x80x128xi32, #tpu.memory_space<hbm>>, %arg4: memref<2x10240x128xf32, #tpu.memory_space<hbm>>, %arg5: memref<40x128xi32, #tpu.memory_space<vmem>>, %arg6: memref<40x128xi32, #tpu.memory_space<vmem>>, %arg7: memref<128x128xf32, #tpu.memory_space<vmem>>, %arg8: memref<128x128xf32, #tpu.memory_space<vmem>>, %arg9: memref<10240x128xf32, #tpu.memory_space<vmem_shared>>, %arg10: memref<!tpu.dma_semaphore, #tpu.memory_space<semaphore_mem>>, %arg11: memref<!tpu.dma_semaphore, #tpu.memory_space<semaphore_mem>>, %arg12: memref<!tpu.dma_semaphore, #tpu.memory_space<semaphore_mem>>, %arg13: memref<!tpu.dma_semaphore, #tpu.memory_space<semaphore_mem>>) attributes {dimension_semantics = [#tpu.dimension_semantics<core_parallel>, #tpu.dimension_semantics<subcore_parallel>], iteration_bounds = array<i64: 2, 16>, scalar_prefetch = 0 : i64, scratch_operands = 9 : i64, tpu.core_type = #tpu.core_type<sc_vector_subcore>, window_params = [{transform_indices = #map}, {transform_indices = #map1}, {transform_indices = #map2}]} {
    %mul3A = arith.constant 2 : i32
    %mul3A_0 = arith.muli %arg1, %mul3A : i32
    %add3A = arith.addi %mul3A_0, %arg0 : i32
    %broadcast_in_dim3A = arith.constant 0.000000e+00 : f32
    %broadcast_in_dim3A_1 = vector.broadcast %broadcast_in_dim3A : f32 to vector<16xf32>
    %scan3A = arith.constant 0 : i32
    %scan3A_2 = arith.constant 0 : i32
    %scan3A_3 = arith.constant 128 : i32
    %scan3A_4 = arith.addi %scan3A_2, %scan3A_3 : i32
    %scan3A_5 = arith.constant 1 : i32
    scf.for %scan3A_249 = %scan3A_2 to %scan3A_4 step %scan3A_5  : i32 {
      %swap3A = arith.index_cast %scan3A_249 : i32 to index
      %swap3A_250 = arith.constant 0 : index
      %swap3A_251 = tpu.vector_load %arg7[%swap3A, %swap3A_250] {strides = array<i32>} : memref<128x128xf32, #tpu.memory_space<vmem>>, vector<1x16xf32>,
      %swap3A_252 = vector.shape_cast %swap3A_251 : vector<1x16xf32> to vector<16xf32>
      %swap3A_253 = vector.shape_cast %broadcast_in_dim3A_1 : vector<16xf32> to vector<1x16xf32>
      tpu.vector_store %arg7[%swap3A, %swap3A_250], %swap3A_253 {strides = array<i32>} : memref<128x128xf32, #tpu.memory_space<vmem>>, vector<1x16xf32>,
      %swap3A_254 = arith.index_cast %scan3A_249 : i32 to index
      %swap3A_255 = arith.constant 16 : index
      %swap3A_256 = tpu.vector_load %arg7[%swap3A_254, %swap3A_255] {strides = array<i32>} : memref<128x128xf32, #tpu.memory_space<vmem>>, vector<1x16xf32>,
      %swap3A_257 = vector.shape_cast %swap3A_256 : vector<1x16xf32> to vector<16xf32>
      %swap3A_258 = vector.shape_cast %broadcast_in_dim3A_1 : vector<16xf32> to vector<1x16xf32>
      tpu.vector_store %arg7[%swap3A_254, %swap3A_255], %swap3A_258 {strides = array<i32>} : memref<128x128xf32, #tpu.memory_space<vmem>>, vector<1x16xf32>,
      %swap3A_259 = arith.index_cast %scan3A_249 : i32 to index
      %swap3A_260 = arith.constant 32 : index
      %swap3A_261 = tpu.vector_load %arg7[%swap3A_259, %swap3A_260] {strides = array<i32>} : memref<128x128xf32, #tpu.memory_space<vmem>>, vector<1x16xf32>,
      %swap3A_262 = vector.shape_cast %swap3A_261 : vector<1x16xf32> to vector<16xf32>
      %swap3A_263 = vector.shape_cast %broadcast_in_dim3A_1 : vector<16xf32> to vector<1x16xf32>
      tpu.vector_store %arg7[%swap3A_259, %swap3A_260], %swap3A_263 {strides = array<i32>} : memref<128x128xf32, #tpu.memory_space<vmem>>, vector<1x16xf32>,
      %swap3A_264 = arith.index_cast %scan3A_249 : i32 to index
      %swap3A_265 = arith.constant 48 : index
      %swap3A_266 = tpu.vector_load %arg7[%swap3A_264, %swap3A_265] {strides = array<i32>} : memref<128x128xf32, #tpu.memory_space<vmem>>, vector<1x16xf32>,
      %swap3A_267 = vector.shape_cast %swap3A_266 : vector<1x16xf32> to vector<16xf32>
      %swap3A_268 = vector.shape_cast %broadcast_in_dim3A_1 : vector<16xf32> to vector<1x16xf32>
      tpu.vector_store %arg7[%swap3A_264, %swap3A_265], %swap3A_268 {strides = array<i32>} : memref<128x128xf32, #tpu.memory_space<vmem>>, vector<1x16xf32>,
      %swap3A_269 = arith.index_cast %scan3A_249 : i32 to index
      %swap3A_270 = arith.constant 64 : index
      %swap3A_271 = tpu.vector_load %arg7[%swap3A_269, %swap3A_270] {strides = array<i32>} : memref<128x128xf32, #tpu.memory_space<vmem>>, vector<1x16xf32>,
      %swap3A_272 = vector.shape_cast %swap3A_271 : vector<1x16xf32> to vector<16xf32>
      %swap3A_273 = vector.shape_cast %broadcast_in_dim3A_1 : vector<16xf32> to vector<1x16xf32>
      tpu.vector_store %arg7[%swap3A_269, %swap3A_270], %swap3A_273 {strides = array<i32>} : memref<128x128xf32, #tpu.memory_space<vmem>>, vector<1x16xf32>,
      %swap3A_274 = arith.index_cast %scan3A_249 : i32 to index
      %swap3A_275 = arith.constant 80 : index
      %swap3A_276 = tpu.vector_load %arg7[%swap3A_274, %swap3A_275] {strides = array<i32>} : memref<128x128xf32, #tpu.memory_space<vmem>>, vector<1x16xf32>,
      %swap3A_277 = vector.shape_cast %swap3A_276 : vector<1x16xf32> to vector<16xf32>
      %swap3A_278 = vector.shape_cast %broadcast_in_dim3A_1 : vector<16xf32> to vector<1x16xf32>
      tpu.vector_store %arg7[%swap3A_274, %swap3A_275], %swap3A_278 {strides = array<i32>} : memref<128x128xf32, #tpu.memory_space<vmem>>, vector<1x16xf32>,
      %swap3A_279 = arith.index_cast %scan3A_249 : i32 to index
      %swap3A_280 = arith.constant 96 : index
      %swap3A_281 = tpu.vector_load %arg7[%swap3A_279, %swap3A_280] {strides = array<i32>} : memref<128x128xf32, #tpu.memory_space<vmem>>, vector<1x16xf32>,
      %swap3A_282 = vector.shape_cast %swap3A_281 : vector<1x16xf32> to vector<16xf32>
      %swap3A_283 = vector.shape_cast %broadcast_in_dim3A_1 : vector<16xf32> to vector<1x16xf32>
      tpu.vector_store %arg7[%swap3A_279, %swap3A_280], %swap3A_283 {strides = array<i32>} : memref<128x128xf32, #tpu.memory_space<vmem>>, vector<1x16xf32>,
      %swap3A_284 = arith.index_cast %scan3A_249 : i32 to index
      %swap3A_285 = arith.constant 112 : index
      %swap3A_286 = tpu.vector_load %arg7[%swap3A_284, %swap3A_285] {strides = array<i32>} : memref<128x128xf32, #tpu.memory_space<vmem>>, vector<1x16xf32>,
      %swap3A_287 = vector.shape_cast %swap3A_286 : vector<1x16xf32> to vector<16xf32>
      %swap3A_288 = vector.shape_cast %broadcast_in_dim3A_1 : vector<16xf32> to vector<1x16xf32>
      tpu.vector_store %arg7[%swap3A_284, %swap3A_285], %swap3A_288 {strides = array<i32>} : memref<128x128xf32, #tpu.memory_space<vmem>>, vector<1x16xf32>,
    }
    %scan3A_6 = arith.constant 128 : i32
    %mul3A_7 = arith.constant 640 : i32
    %mul3A_8 = arith.muli %arg1, %mul3A_7 : i32
    %add3A_9 = arith.constant 0 : i32
    %add3A_10 = arith.addi %mul3A_8, %add3A_9 : i32
    "tpu.region"() ({
      %run_scoped3A_249 = tpu.sem_alloc : memref<!tpu.dma_semaphore, #tpu.memory_space<semaphore_mem>>
      %dma_start3A_250 = arith.constant 0 : i32
      %dma_start3A_251 = tpu.memref_slice %arg9[%add3A_10, %dma_start3A_250] : memref<10240x128xf32, #tpu.memory_space<vmem_shared>> -> memref<128x128xf32, #tpu.memory_space<vmem_shared>>
      %dma_start3A_252 = arith.constant 0 : i32
      %dma_start3A_253 = tpu.memref_slice %arg9[%add3A_10, %dma_start3A_252] : memref<10240x128xf32, #tpu.memory_space<vmem_shared>> -> memref<128x128xf32, #tpu.memory_space<vmem_shared>>
      tpu.enqueue_dma source(%arg7 : memref<128x128xf32, #tpu.memory_space<vmem>>) target(%dma_start3A_253 : memref<128x128xf32, #tpu.memory_space<vmem_shared>>) target_semaphore(%run_scoped3A_249 : memref<!tpu.dma_semaphore, #tpu.memory_space<semaphore_mem>>)
      %dma_wait3A_254 = arith.constant 0 : i32
      %dma_wait3A_255 = tpu.memref_slice %arg9[%add3A_10, %dma_wait3A_254] : memref<10240x128xf32, #tpu.memory_space<vmem_shared>> -> memref<128x128xf32, #tpu.memory_space<vmem_shared>>
      %dma_wait3A_256 = arith.constant 0 : i32
      %dma_wait3A_257 = tpu.memref_slice %arg9[%add3A_10, %dma_wait3A_256] : memref<10240x128xf32, #tpu.memory_space<vmem_shared>> -> memref<128x128xf32, #tpu.memory_space<vmem_shared>>
      tpu.wait_dma2 semaphore(%run_scoped3A_249 : memref<!tpu.dma_semaphore, #tpu.memory_space<semaphore_mem>>) src(%arg7 : memref<128x128xf32, #tpu.memory_space<vmem>>) dst(%dma_wait3A_257 : memref<128x128xf32, #tpu.memory_space<vmem_shared>>)
      tpu.yield
    }) : () -> ()
    %mul3A_11 = arith.constant 640 : i32
    %mul3A_12 = arith.muli %arg1, %mul3A_11 : i32
    %add3A_13 = arith.constant 128 : i32
    %add3A_14 = arith.addi %mul3A_12, %add3A_13 : i32
    "tpu.region"() ({
      %run_scoped3A_249 = tpu.sem_alloc : memref<!tpu.dma_semaphore, #tpu.memory_space<semaphore_mem>>
      %dma_start3A_250 = arith.constant 0 : i32
      %dma_start3A_251 = tpu.memref_slice %arg9[%add3A_14, %dma_start3A_250] : memref<10240x128xf32, #tpu.memory_space<vmem_shared>> -> memref<128x128xf32, #tpu.memory_space<vmem_shared>>
      %dma_start3A_252 = arith.constant 0 : i32
      %dma_start3A_253 = tpu.memref_slice %arg9[%add3A_14, %dma_start3A_252] : memref<10240x128xf32, #tpu.memory_space<vmem_shared>> -> memref<128x128xf32, #tpu.memory_space<vmem_shared>>
      tpu.enqueue_dma source(%arg7 : memref<128x128xf32, #tpu.memory_space<vmem>>) target(%dma_start3A_253 : memref<128x128xf32, #tpu.memory_space<vmem_shared>>) target_semaphore(%run_scoped3A_249 : memref<!tpu.dma_semaphore, #tpu.memory_space<semaphore_mem>>)
      %dma_wait3A_254 = arith.constant 0 : i32
      %dma_wait3A_255 = tpu.memref_slice %arg9[%add3A_14, %dma_wait3A_254] : memref<10240x128xf32, #tpu.memory_space<vmem_shared>> -> memref<128x128xf32, #tpu.memory_space<vmem_shared>>
      %dma_wait3A_256 = arith.constant 0 : i32
      %dma_wait3A_257 = tpu.memref_slice %arg9[%add3A_14, %dma_wait3A_256] : memref<10240x128xf32, #tpu.memory_space<vmem_shared>> -> memref<128x128xf32, #tpu.memory_space<vmem_shared>>
      tpu.wait_dma2 semaphore(%run_scoped3A_249 : memref<!tpu.dma_semaphore, #tpu.memory_space<semaphore_mem>>) src(%arg7 : memref<128x128xf32, #tpu.memory_space<vmem>>) dst(%dma_wait3A_257 : memref<128x128xf32, #tpu.memory_space<vmem_shared>>)
      tpu.yield
    }) : () -> ()
    %mul3A_15 = arith.constant 640 : i32
    %mul3A_16 = arith.muli %arg1, %mul3A_15 : i32
    %add3A_17 = arith.constant 256 : i32
    %add3A_18 = arith.addi %mul3A_16, %add3A_17 : i32
    "tpu.region"() ({
      %run_scoped3A_249 = tpu.sem_alloc : memref<!tpu.dma_semaphore, #tpu.memory_space<semaphore_mem>>
      %dma_start3A_250 = arith.constant 0 : i32
      %dma_start3A_251 = tpu.memref_slice %arg9[%add3A_18, %dma_start3A_250] : memref<10240x128xf32, #tpu.memory_space<vmem_shared>> -> memref<128x128xf32, #tpu.memory_space<vmem_shared>>
      %dma_start3A_252 = arith.constant 0 : i32
      %dma_start3A_253 = tpu.memref_slice %arg9[%add3A_18, %dma_start3A_252] : memref<10240x128xf32, #tpu.memory_space<vmem_shared>> -> memref<128x128xf32, #tpu.memory_space<vmem_shared>>
      tpu.enqueue_dma source(%arg7 : memref<128x128xf32, #tpu.memory_space<vmem>>) target(%dma_start3A_253 : memref<128x128xf32, #tpu.memory_space<vmem_shared>>) target_semaphore(%run_scoped3A_249 : memref<!tpu.dma_semaphore, #tpu.memory_space<semaphore_mem>>)
      %dma_wait3A_254 = arith.constant 0 : i32
      %dma_wait3A_255 = tpu.memref_slice %arg9[%add3A_18, %dma_wait3A_254] : memref<10240x128xf32, #tpu.memory_space<vmem_shared>> -> memref<128x128xf32, #tpu.memory_space<vmem_shared>>
      %dma_wait3A_256 = arith.constant 0 : i32
      %dma_wait3A_257 = tpu.memref_slice %arg9[%add3A_18, %dma_wait3A_256] : memref<10240x128xf32, #tpu.memory_space<vmem_shared>> -> memref<128x128xf32, #tpu.memory_space<vmem_shared>>
      tpu.wait_dma2 semaphore(%run_scoped3A_249 : memref<!tpu.dma_semaphore, #tpu.memory_space<semaphore_mem>>) src(%arg7 : memref<128x128xf32, #tpu.memory_space<vmem>>) dst(%dma_wait3A_257 : memref<128x128xf32, #tpu.memory_space<vmem_shared>>)
      tpu.yield
    }) : () -> ()
    %mul3A_19 = arith.constant 640 : i32
    %mul3A_20 = arith.muli %arg1, %mul3A_19 : i32
    %add3A_21 = arith.constant 384 : i32
    %add3A_22 = arith.addi %mul3A_20, %add3A_21 : i32
    "tpu.region"() ({
      %run_scoped3A_249 = tpu.sem_alloc : memref<!tpu.dma_semaphore, #tpu.memory_space<semaphore_mem>>
      %dma_start3A_250 = arith.constant 0 : i32
      %dma_start3A_251 = tpu.memref_slice %arg9[%add3A_22, %dma_start3A_250] : memref<10240x128xf32, #tpu.memory_space<vmem_shared>> -> memref<128x128xf32, #tpu.memory_space<vmem_shared>>
      %dma_start3A_252 = arith.constant 0 : i32
      %dma_start3A_253 = tpu.memref_slice %arg9[%add3A_22, %dma_start3A_252] : memref<10240x128xf32, #tpu.memory_space<vmem_shared>> -> memref<128x128xf32, #tpu.memory_space<vmem_shared>>
      tpu.enqueue_dma source(%arg7 : memref<128x128xf32, #tpu.memory_space<vmem>>) target(%dma_start3A_253 : memref<128x128xf32, #tpu.memory_space<vmem_shared>>) target_semaphore(%run_scoped3A_249 : memref<!tpu.dma_semaphore, #tpu.memory_space<semaphore_mem>>)
      %dma_wait3A_254 = arith.constant 0 : i32
      %dma_wait3A_255 = tpu.memref_slice %arg9[%add3A_22, %dma_wait3A_254] : memref<10240x128xf32, #tpu.memory_space<vmem_shared>> -> memref<128x128xf32, #tpu.memory_space<vmem_shared>>
      %dma_wait3A_256 = arith.constant 0 : i32
      %dma_wait3A_257 = tpu.memref_slice %arg9[%add3A_22, %dma_wait3A_256] : memref<10240x128xf32, #tpu.memory_space<vmem_shared>> -> memref<128x128xf32, #tpu.memory_space<vmem_shared>>
      tpu.wait_dma2 semaphore(%run_scoped3A_249 : memref<!tpu.dma_semaphore, #tpu.memory_space<semaphore_mem>>) src(%arg7 : memref<128x128xf32, #tpu.memory_space<vmem>>) dst(%dma_wait3A_257 : memref<128x128xf32, #tpu.memory_space<vmem_shared>>)
      tpu.yield
    }) : () -> ()
    %mul3A_23 = arith.constant 640 : i32
    %mul3A_24 = arith.muli %arg1, %mul3A_23 : i32
    %add3A_25 = arith.constant 512 : i32
    %add3A_26 = arith.addi %mul3A_24, %add3A_25 : i32
    "tpu.region"() ({
      %run_scoped3A_249 = tpu.sem_alloc : memref<!tpu.dma_semaphore, #tpu.memory_space<semaphore_mem>>
      %dma_start3A_250 = arith.constant 0 : i32
      %dma_start3A_251 = tpu.memref_slice %arg9[%add3A_26, %dma_start3A_250] : memref<10240x128xf32, #tpu.memory_space<vmem_shared>> -> memref<128x128xf32, #tpu.memory_space<vmem_shared>>
      %dma_start3A_252 = arith.constant 0 : i32
      %dma_start3A_253 = tpu.memref_slice %arg9[%add3A_26, %dma_start3A_252] : memref<10240x128xf32, #tpu.memory_space<vmem_shared>> -> memref<128x128xf32, #tpu.memory_space<vmem_shared>>
      tpu.enqueue_dma source(%arg7 : memref<128x128xf32, #tpu.memory_space<vmem>>) target(%dma_start3A_253 : memref<128x128xf32, #tpu.memory_space<vmem_shared>>) target_semaphore(%run_scoped3A_249 : memref<!tpu.dma_semaphore, #tpu.memory_space<semaphore_mem>>)
      %dma_wait3A_254 = arith.constant 0 : i32
      %dma_wait3A_255 = tpu.memref_slice %arg9[%add3A_26, %dma_wait3A_254] : memref<10240x128xf32, #tpu.memory_space<vmem_shared>> -> memref<128x128xf32, #tpu.memory_space<vmem_shared>>
      %dma_wait3A_256 = arith.constant 0 : i32
      %dma_wait3A_257 = tpu.memref_slice %arg9[%add3A_26, %dma_wait3A_256] : memref<10240x128xf32, #tpu.memory_space<vmem_shared>> -> memref<128x128xf32, #tpu.memory_space<vmem_shared>>
      tpu.wait_dma2 semaphore(%run_scoped3A_249 : memref<!tpu.dma_semaphore, #tpu.memory_space<semaphore_mem>>) src(%arg7 : memref<128x128xf32, #tpu.memory_space<vmem>>) dst(%dma_wait3A_257 : memref<128x128xf32, #tpu.memory_space<vmem_shared>>)
      tpu.yield
    }) : () -> ()
    %run_scoped3A = arith.constant 0 : i32
    "tpu.region"() ({
      %run_scoped3A_249 = tpu.sem_alloc : memref<!tpu.dma_semaphore, #tpu.memory_space<semaphore_mem>>
      %dma_start3A_250 = arith.constant 0 : i32
      %dma_start3A_251 = arith.constant 0 : i32
      %dma_start3A_252 = tpu.memref_slice %arg3[%run_scoped3A, %add3A, %dma_start3A_250, %dma_start3A_251] : memref<2x32x80x128xi32, #tpu.memory_space<hbm>> -> memref<1x1x40x128xi32, #tpu.memory_space<hbm>>
      %dma_start3A_253 = tpu.memref_squeeze %dma_start3A_252 : memref<1x1x40x128xi32, #tpu.memory_space<hbm>> -> memref<40x128xi32, #tpu.memory_space<hbm>>
      %dma_start3A_254 = arith.constant 0 : i32
      %dma_start3A_255 = arith.constant 0 : i32
      %dma_start3A_256 = tpu.memref_slice %arg3[%run_scoped3A, %add3A, %dma_start3A_254, %dma_start3A_255] : memref<2x32x80x128xi32, #tpu.memory_space<hbm>> -> memref<1x1x40x128xi32, #tpu.memory_space<hbm>>
      %dma_start3A_257 = tpu.memref_squeeze %dma_start3A_256 : memref<1x1x40x128xi32, #tpu.memory_space<hbm>> -> memref<40x128xi32, #tpu.memory_space<hbm>>
      tpu.enqueue_dma source(%dma_start3A_257 : memref<40x128xi32, #tpu.memory_space<hbm>>) target(%arg5 : memref<40x128xi32, #tpu.memory_space<vmem>>) target_semaphore(%run_scoped3A_249 : memref<!tpu.dma_semaphore, #tpu.memory_space<semaphore_mem>>)
      %dma_wait3A_258 = arith.constant 0 : i32
      %dma_wait3A_259 = arith.constant 0 : i32
      %dma_wait3A_260 = tpu.memref_slice %arg3[%run_scoped3A, %add3A, %dma_wait3A_258, %dma_wait3A_259] : memref<2x32x80x128xi32, #tpu.memory_space<hbm>> -> memref<1x1x40x128xi32, #tpu.memory_space<hbm>>
      %dma_wait3A_261 = tpu.memref_squeeze %dma_wait3A_260 : memref<1x1x40x128xi32, #tpu.memory_space<hbm>> -> memref<40x128xi32, #tpu.memory_space<hbm>>
      %dma_wait3A_262 = arith.constant 0 : i32
      %dma_wait3A_263 = arith.constant 0 : i32
      %dma_wait3A_264 = tpu.memref_slice %arg3[%run_scoped3A, %add3A, %dma_wait3A_262, %dma_wait3A_263] : memref<2x32x80x128xi32, #tpu.memory_space<hbm>> -> memref<1x1x40x128xi32, #tpu.memory_space<hbm>>
      %dma_wait3A_265 = tpu.memref_squeeze %dma_wait3A_264 : memref<1x1x40x128xi32, #tpu.memory_space<hbm>> -> memref<40x128xi32, #tpu.memory_space<hbm>>
      tpu.wait_dma2 semaphore(%run_scoped3A_249 : memref<!tpu.dma_semaphore, #tpu.memory_space<semaphore_mem>>) src(%dma_wait3A_265 : memref<40x128xi32, #tpu.memory_space<hbm>>) dst(%arg5 : memref<40x128xi32, #tpu.memory_space<vmem>>)
      tpu.yield
    }) : () -> ()
    %run_scoped3A_27 = arith.constant 1 : i32
    "tpu.region"() ({
      %run_scoped3A_249 = tpu.sem_alloc : memref<!tpu.dma_semaphore, #tpu.memory_space<semaphore_mem>>
      %dma_start3A_250 = arith.constant 0 : i32
      %dma_start3A_251 = arith.constant 0 : i32
      %dma_start3A_252 = tpu.memref_slice %arg3[%run_scoped3A_27, %add3A, %dma_start3A_250, %dma_start3A_251] : memref<2x32x80x128xi32, #tpu.memory_space<hbm>> -> memref<1x1x40x128xi32, #tpu.memory_space<hbm>>
      %dma_start3A_253 = tpu.memref_squeeze %dma_start3A_252 : memref<1x1x40x128xi32, #tpu.memory_space<hbm>> -> memref<40x128xi32, #tpu.memory_space<hbm>>
      %dma_start3A_254 = arith.constant 0 : i32
      %dma_start3A_255 = arith.constant 0 : i32
      %dma_start3A_256 = tpu.memref_slice %arg3[%run_scoped3A_27, %add3A, %dma_start3A_254, %dma_start3A_255] : memref<2x32x80x128xi32, #tpu.memory_space<hbm>> -> memref<1x1x40x128xi32, #tpu.memory_space<hbm>>
      %dma_start3A_257 = tpu.memref_squeeze %dma_start3A_256 : memref<1x1x40x128xi32, #tpu.memory_space<hbm>> -> memref<40x128xi32, #tpu.memory_space<hbm>>
      tpu.enqueue_dma source(%dma_start3A_257 : memref<40x128xi32, #tpu.memory_space<hbm>>) target(%arg6 : memref<40x128xi32, #tpu.memory_space<vmem>>) target_semaphore(%run_scoped3A_249 : memref<!tpu.dma_semaphore, #tpu.memory_space<semaphore_mem>>)
      %dma_wait3A_258 = arith.constant 0 : i32
      %dma_wait3A_259 = arith.constant 0 : i32
      %dma_wait3A_260 = tpu.memref_slice %arg3[%run_scoped3A_27, %add3A, %dma_wait3A_258, %dma_wait3A_259] : memref<2x32x80x128xi32, #tpu.memory_space<hbm>> -> memref<1x1x40x128xi32, #tpu.memory_space<hbm>>
      %dma_wait3A_261 = tpu.memref_squeeze %dma_wait3A_260 : memref<1x1x40x128xi32, #tpu.memory_space<hbm>> -> memref<40x128xi32, #tpu.memory_space<hbm>>
      %dma_wait3A_262 = arith.constant 0 : i32
      %dma_wait3A_263 = arith.constant 0 : i32
      %dma_wait3A_264 = tpu.memref_slice %arg3[%run_scoped3A_27, %add3A, %dma_wait3A_262, %dma_wait3A_263] : memref<2x32x80x128xi32, #tpu.memory_space<hbm>> -> memref<1x1x40x128xi32, #tpu.memory_space<hbm>>
      %dma_wait3A_265 = tpu.memref_squeeze %dma_wait3A_264 : memref<1x1x40x128xi32, #tpu.memory_space<hbm>> -> memref<40x128xi32, #tpu.memory_space<hbm>>
      tpu.wait_dma2 semaphore(%run_scoped3A_249 : memref<!tpu.dma_semaphore, #tpu.memory_space<semaphore_mem>>) src(%dma_wait3A_265 : memref<40x128xi32, #tpu.memory_space<hbm>>) dst(%arg6 : memref<40x128xi32, #tpu.memory_space<vmem>>)
      tpu.yield
    }) : () -> ()
    %dma_start3A = arith.constant 0 : i32
    %dma_start3A_28 = arith.constant 0 : i32
    %dma_start3A_29 = tpu.memref_slice %arg5[%dma_start3A, %dma_start3A_28] : memref<40x128xi32, #tpu.memory_space<vmem>> -> memref<1x128xi32, #tpu.memory_space<vmem>>
    %dma_start3A_30 = tpu.memref_squeeze %dma_start3A_29 : memref<1x128xi32, #tpu.memory_space<vmem>> -> memref<128xi32, #tpu.memory_space<vmem>>
    %dma_start3A_31 = arith.constant 0 : i32
    %dma_start3A_32 = arith.constant 0 : i32
    %dma_start3A_33 = tpu.memref_slice %arg2[%dma_start3A_31, %dma_start3A_32] : memref<10000x128xf32, #tpu.memory_space<hbm>> -> memref<10000x128xf32, #tpu.memory_space<hbm>>
    tpu.enqueue_indirect_dma source(%dma_start3A_33 : memref<10000x128xf32, #tpu.memory_space<hbm>>) target(%arg7 : memref<128x128xf32, #tpu.memory_space<vmem>>) offsets(%dma_start3A_30 : memref<128xi32, #tpu.memory_space<vmem>>) semaphore(%arg10 : memref<!tpu.dma_semaphore, #tpu.memory_space<semaphore_mem>>)
    %dma_start3A_34 = arith.constant 1 : i32
    %dma_start3A_35 = arith.constant 0 : i32
    %dma_start3A_36 = tpu.memref_slice %arg5[%dma_start3A_34, %dma_start3A_35] : memref<40x128xi32, #tpu.memory_space<vmem>> -> memref<1x128xi32, #tpu.memory_space<vmem>>
    %dma_start3A_37 = tpu.memref_squeeze %dma_start3A_36 : memref<1x128xi32, #tpu.memory_space<vmem>> -> memref<128xi32, #tpu.memory_space<vmem>>
    %dma_start3A_38 = arith.constant 0 : i32
    %dma_start3A_39 = arith.constant 0 : i32
    %dma_start3A_40 = tpu.memref_slice %arg2[%dma_start3A_38, %dma_start3A_39] : memref<10000x128xf32, #tpu.memory_space<hbm>> -> memref<10000x128xf32, #tpu.memory_space<hbm>>
    tpu.enqueue_indirect_dma source(%dma_start3A_40 : memref<10000x128xf32, #tpu.memory_space<hbm>>) target(%arg8 : memref<128x128xf32, #tpu.memory_space<vmem>>) offsets(%dma_start3A_37 : memref<128xi32, #tpu.memory_space<vmem>>) semaphore(%arg11 : memref<!tpu.dma_semaphore, #tpu.memory_space<semaphore_mem>>)
    %barrier3A = arith.constant 0 : index
    tpu.barrier barrier_id(%barrier3A)
    %scan3A_41 = arith.constant 0 : i32
    %scan3A_42 = arith.constant 0 : i32
    %scan3A_43 = arith.constant 20 : i32
    %scan3A_44 = arith.addi %scan3A_42, %scan3A_43 : i32
    %scan3A_45 = arith.constant 1 : i32
    scf.for %scan3A_249 = %scan3A_42 to %scan3A_44 step %scan3A_45  : i32 {
      %mul3A_250 = arith.constant 2 : i32
      %mul3A_251 = arith.muli %scan3A_249, %mul3A_250 : i32
      %add3A_252 = arith.constant 0 : i32
      %add3A_253 = arith.addi %mul3A_251, %add3A_252 : i32
      %dma_wait3A_254 = arith.constant 0 : i32
      %dma_wait3A_255 = tpu.memref_slice %arg5[%add3A_253, %dma_wait3A_254] : memref<40x128xi32, #tpu.memory_space<vmem>> -> memref<1x128xi32, #tpu.memory_space<vmem>>
      %dma_wait3A_256 = tpu.memref_squeeze %dma_wait3A_255 : memref<1x128xi32, #tpu.memory_space<vmem>> -> memref<128xi32, #tpu.memory_space<vmem>>
      %dma_wait3A_257 = arith.constant 0 : i32
      %dma_wait3A_258 = arith.constant 0 : i32
      %dma_wait3A_259 = tpu.memref_slice %arg2[%dma_wait3A_257, %dma_wait3A_258] : memref<10000x128xf32, #tpu.memory_space<hbm>> -> memref<10000x128xf32, #tpu.memory_space<hbm>>
      tpu.wait_indirect_dma semaphore(%arg10 : memref<!tpu.dma_semaphore, #tpu.memory_space<semaphore_mem>>) src(%dma_wait3A_259 : memref<10000x128xf32, #tpu.memory_space<hbm>>) dst(%arg7 : memref<128x128xf32, #tpu.memory_space<vmem>>)
      "tpu.region"() ({
        %run_scoped3A_281 = tpu.sem_alloc : memref<!tpu.dma_semaphore, #tpu.memory_space<semaphore_mem>>
        %dma_start3A_282 = arith.constant 0 : i32
        %dma_start3A_283 = tpu.memref_slice %arg6[%add3A_253, %dma_start3A_282] : memref<40x128xi32, #tpu.memory_space<vmem>> -> memref<1x128xi32, #tpu.memory_space<vmem>>
        %dma_start3A_284 = tpu.memref_squeeze %dma_start3A_283 : memref<1x128xi32, #tpu.memory_space<vmem>> -> memref<128xi32, #tpu.memory_space<vmem>>
        %dma_start3A_285 = arith.constant 0 : i32
        %dma_start3A_286 = arith.constant 0 : i32
        %dma_start3A_287 = tpu.memref_slice %arg9[%dma_start3A_285, %dma_start3A_286] : memref<10240x128xf32, #tpu.memory_space<vmem_shared>> -> memref<10240x128xf32, #tpu.memory_space<vmem_shared>>
        tpu.enqueue_indirect_dma source(%arg7 : memref<128x128xf32, #tpu.memory_space<vmem>>) target(%dma_start3A_287 : memref<10240x128xf32, #tpu.memory_space<vmem_shared>>) offsets(%dma_start3A_284 : memref<128xi32, #tpu.memory_space<vmem>>) semaphore(%run_scoped3A_281 : memref<!tpu.dma_semaphore, #tpu.memory_space<semaphore_mem>>) {add = true}
        %dma_wait3A_288 = arith.constant 0 : i32
        %dma_wait3A_289 = tpu.memref_slice %arg6[%add3A_253, %dma_wait3A_288] : memref<40x128xi32, #tpu.memory_space<vmem>> -> memref<1x128xi32, #tpu.memory_space<vmem>>
        %dma_wait3A_290 = tpu.memref_squeeze %dma_wait3A_289 : memref<1x128xi32, #tpu.memory_space<vmem>> -> memref<128xi32, #tpu.memory_space<vmem>>
        %dma_wait3A_291 = arith.constant 0 : i32
        %dma_wait3A_292 = arith.constant 0 : i32
        %dma_wait3A_293 = tpu.memref_slice %arg9[%dma_wait3A_291, %dma_wait3A_292] : memref<10240x128xf32, #tpu.memory_space<vmem_shared>> -> memref<10240x128xf32, #tpu.memory_space<vmem_shared>>
        tpu.wait_indirect_dma semaphore(%run_scoped3A_281 : memref<!tpu.dma_semaphore, #tpu.memory_space<semaphore_mem>>) src(%arg7 : memref<128x128xf32, #tpu.memory_space<vmem>>) dst(%dma_wait3A_293 : memref<10240x128xf32, #tpu.memory_space<vmem_shared>>)
        tpu.yield
      }) : () -> ()
      %add3A_260 = arith.constant 2 : i32
      %add3A_261 = arith.addi %add3A_253, %add3A_260 : i32
      %lt3A = arith.constant 40 : i32
      %lt3A_262 = arith.cmpi slt, %add3A_261, %lt3A : i32
      %convert_element_type3A = arith.extui %lt3A_262 : i1 to i32
      %cond3A = arith.constant 0 : i32
      %cond3A_263 = arith.cmpi ne, %convert_element_type3A, %cond3A : i32
      scf.if %cond3A_263 {
        %dma_start3A_281 = arith.constant 0 : i32
        %dma_start3A_282 = tpu.memref_slice %arg5[%add3A_261, %dma_start3A_281] : memref<40x128xi32, #tpu.memory_space<vmem>> -> memref<1x128xi32, #tpu.memory_space<vmem>>
        %dma_start3A_283 = tpu.memref_squeeze %dma_start3A_282 : memref<1x128xi32, #tpu.memory_space<vmem>> -> memref<128xi32, #tpu.memory_space<vmem>>
        %dma_start3A_284 = arith.constant 0 : i32
        %dma_start3A_285 = arith.constant 0 : i32
        %dma_start3A_286 = tpu.memref_slice %arg2[%dma_start3A_284, %dma_start3A_285] : memref<10000x128xf32, #tpu.memory_space<hbm>> -> memref<10000x128xf32, #tpu.memory_space<hbm>>
        tpu.enqueue_indirect_dma source(%dma_start3A_286 : memref<10000x128xf32, #tpu.memory_space<hbm>>) target(%arg7 : memref<128x128xf32, #tpu.memory_space<vmem>>) offsets(%dma_start3A_283 : memref<128xi32, #tpu.memory_space<vmem>>) semaphore(%arg10 : memref<!tpu.dma_semaphore, #tpu.memory_space<semaphore_mem>>)
      } else {
      }
      %mul3A_264 = arith.constant 2 : i32
      %mul3A_265 = arith.muli %scan3A_249, %mul3A_264 : i32
      %add3A_266 = arith.constant 1 : i32
      %add3A_267 = arith.addi %mul3A_265, %add3A_266 : i32
      %dma_wait3A_268 = arith.constant 0 : i32
      %dma_wait3A_269 = tpu.memref_slice %arg5[%add3A_267, %dma_wait3A_268] : memref<40x128xi32, #tpu.memory_space<vmem>> -> memref<1x128xi32, #tpu.memory_space<vmem>>
      %dma_wait3A_270 = tpu.memref_squeeze %dma_wait3A_269 : memref<1x128xi32, #tpu.memory_space<vmem>> -> memref<128xi32, #tpu.memory_space<vmem>>
      %dma_wait3A_271 = arith.constant 0 : i32
      %dma_wait3A_272 = arith.constant 0 : i32
      %dma_wait3A_273 = tpu.memref_slice %arg2[%dma_wait3A_271, %dma_wait3A_272] : memref<10000x128xf32, #tpu.memory_space<hbm>> -> memref<10000x128xf32, #tpu.memory_space<hbm>>
      tpu.wait_indirect_dma semaphore(%arg11 : memref<!tpu.dma_semaphore, #tpu.memory_space<semaphore_mem>>) src(%dma_wait3A_273 : memref<10000x128xf32, #tpu.memory_space<hbm>>) dst(%arg8 : memref<128x128xf32, #tpu.memory_space<vmem>>)
      "tpu.region"() ({
        %run_scoped3A_281 = tpu.sem_alloc : memref<!tpu.dma_semaphore, #tpu.memory_space<semaphore_mem>>
        %dma_start3A_282 = arith.constant 0 : i32
        %dma_start3A_283 = tpu.memref_slice %arg6[%add3A_267, %dma_start3A_282] : memref<40x128xi32, #tpu.memory_space<vmem>> -> memref<1x128xi32, #tpu.memory_space<vmem>>
        %dma_start3A_284 = tpu.memref_squeeze %dma_start3A_283 : memref<1x128xi32, #tpu.memory_space<vmem>> -> memref<128xi32, #tpu.memory_space<vmem>>
        %dma_start3A_285 = arith.constant 0 : i32
        %dma_start3A_286 = arith.constant 0 : i32
        %dma_start3A_287 = tpu.memref_slice %arg9[%dma_start3A_285, %dma_start3A_286] : memref<10240x128xf32, #tpu.memory_space<vmem_shared>> -> memref<10240x128xf32, #tpu.memory_space<vmem_shared>>
        tpu.enqueue_indirect_dma source(%arg8 : memref<128x128xf32, #tpu.memory_space<vmem>>) target(%dma_start3A_287 : memref<10240x128xf32, #tpu.memory_space<vmem_shared>>) offsets(%dma_start3A_284 : memref<128xi32, #tpu.memory_space<vmem>>) semaphore(%run_scoped3A_281 : memref<!tpu.dma_semaphore, #tpu.memory_space<semaphore_mem>>) {add = true}
        %dma_wait3A_288 = arith.constant 0 : i32
        %dma_wait3A_289 = tpu.memref_slice %arg6[%add3A_267, %dma_wait3A_288] : memref<40x128xi32, #tpu.memory_space<vmem>> -> memref<1x128xi32, #tpu.memory_space<vmem>>
        %dma_wait3A_290 = tpu.memref_squeeze %dma_wait3A_289 : memref<1x128xi32, #tpu.memory_space<vmem>> -> memref<128xi32, #tpu.memory_space<vmem>>
        %dma_wait3A_291 = arith.constant 0 : i32
        %dma_wait3A_292 = arith.constant 0 : i32
        %dma_wait3A_293 = tpu.memref_slice %arg9[%dma_wait3A_291, %dma_wait3A_292] : memref<10240x128xf32, #tpu.memory_space<vmem_shared>> -> memref<10240x128xf32, #tpu.memory_space<vmem_shared>>
        tpu.wait_indirect_dma semaphore(%run_scoped3A_281 : memref<!tpu.dma_semaphore, #tpu.memory_space<semaphore_mem>>) src(%arg8 : memref<128x128xf32, #tpu.memory_space<vmem>>) dst(%dma_wait3A_293 : memref<10240x128xf32, #tpu.memory_space<vmem_shared>>)
        tpu.yield
      }) : () -> ()
      %add3A_274 = arith.constant 2 : i32
      %add3A_275 = arith.addi %add3A_267, %add3A_274 : i32
      %lt3A_276 = arith.constant 40 : i32
      %lt3A_277 = arith.cmpi slt, %add3A_275, %lt3A_276 : i32
      %convert_element_type3A_278 = arith.extui %lt3A_277 : i1 to i32
      %cond3A_279 = arith.constant 0 : i32
      %cond3A_280 = arith.cmpi ne, %convert_element_type3A_278, %cond3A_279 : i32
      scf.if %cond3A_280 {
        %dma_start3A_281 = arith.constant 0 : i32
        %dma_start3A_282 = tpu.memref_slice %arg5[%add3A_275, %dma_start3A_281] : memref<40x128xi32, #tpu.memory_space<vmem>> -> memref<1x128xi32, #tpu.memory_space<vmem>>
        %dma_start3A_283 = tpu.memref_squeeze %dma_start3A_282 : memref<1x128xi32, #tpu.memory_space<vmem>> -> memref<128xi32, #tpu.memory_space<vmem>>
        %dma_start3A_284 = arith.constant 0 : i32
        %dma_start3A_285 = arith.constant 0 : i32
        %dma_start3A_286 = tpu.memref_slice %arg2[%dma_start3A_284, %dma_start3A_285] : memref<10000x128xf32, #tpu.memory_space<hbm>> -> memref<10000x128xf32, #tpu.memory_space<hbm>>
        tpu.enqueue_indirect_dma source(%dma_start3A_286 : memref<10000x128xf32, #tpu.memory_space<hbm>>) target(%arg8 : memref<128x128xf32, #tpu.memory_space<vmem>>) offsets(%dma_start3A_283 : memref<128xi32, #tpu.memory_space<vmem>>) semaphore(%arg11 : memref<!tpu.dma_semaphore, #tpu.memory_space<semaphore_mem>>)
      } else {
      }
    }
    %scan3A_46 = arith.constant 20 : i32
    %run_scoped3A_47 = arith.constant 0 : i32
    "tpu.region"() ({
      %run_scoped3A_249 = tpu.sem_alloc : memref<!tpu.dma_semaphore, #tpu.memory_space<semaphore_mem>>
      %dma_start3A_250 = arith.constant 40 : i32
      %dma_start3A_251 = arith.constant 0 : i32
      %dma_start3A_252 = tpu.memref_slice %arg3[%run_scoped3A_47, %add3A, %dma_start3A_250, %dma_start3A_251] : memref<2x32x80x128xi32, #tpu.memory_space<hbm>> -> memref<1x1x40x128xi32, #tpu.memory_space<hbm>>
      %dma_start3A_253 = tpu.memref_squeeze %dma_start3A_252 : memref<1x1x40x128xi32, #tpu.memory_space<hbm>> -> memref<40x128xi32, #tpu.memory_space<hbm>>
      %dma_start3A_254 = arith.constant 40 : i32
      %dma_start3A_255 = arith.constant 0 : i32
      %dma_start3A_256 = tpu.memref_slice %arg3[%run_scoped3A_47, %add3A, %dma_start3A_254, %dma_start3A_255] : memref<2x32x80x128xi32, #tpu.memory_space<hbm>> -> memref<1x1x40x128xi32, #tpu.memory_space<hbm>>
      %dma_start3A_257 = tpu.memref_squeeze %dma_start3A_256 : memref<1x1x40x128xi32, #tpu.memory_space<hbm>> -> memref<40x128xi32, #tpu.memory_space<hbm>>
      tpu.enqueue_dma source(%dma_start3A_257 : memref<40x128xi32, #tpu.memory_space<hbm>>) target(%arg5 : memref<40x128xi32, #tpu.memory_space<vmem>>) target_semaphore(%run_scoped3A_249 : memref<!tpu.dma_semaphore, #tpu.memory_space<semaphore_mem>>)
      %dma_wait3A_258 = arith.constant 40 : i32
      %dma_wait3A_259 = arith.constant 0 : i32
      %dma_wait3A_260 = tpu.memref_slice %arg3[%run_scoped3A_47, %add3A, %dma_wait3A_258, %dma_wait3A_259] : memref<2x32x80x128xi32, #tpu.memory_space<hbm>> -> memref<1x1x40x128xi32, #tpu.memory_space<hbm>>
      %dma_wait3A_261 = tpu.memref_squeeze %dma_wait3A_260 : memref<1x1x40x128xi32, #tpu.memory_space<hbm>> -> memref<40x128xi32, #tpu.memory_space<hbm>>
      %dma_wait3A_262 = arith.constant 40 : i32
      %dma_wait3A_263 = arith.constant 0 : i32
      %dma_wait3A_264 = tpu.memref_slice %arg3[%run_scoped3A_47, %add3A, %dma_wait3A_262, %dma_wait3A_263] : memref<2x32x80x128xi32, #tpu.memory_space<hbm>> -> memref<1x1x40x128xi32, #tpu.memory_space<hbm>>
      %dma_wait3A_265 = tpu.memref_squeeze %dma_wait3A_264 : memref<1x1x40x128xi32, #tpu.memory_space<hbm>> -> memref<40x128xi32, #tpu.memory_space<hbm>>
      tpu.wait_dma2 semaphore(%run_scoped3A_249 : memref<!tpu.dma_semaphore, #tpu.memory_space<semaphore_mem>>) src(%dma_wait3A_265 : memref<40x128xi32, #tpu.memory_space<hbm>>) dst(%arg5 : memref<40x128xi32, #tpu.memory_space<vmem>>)
      tpu.yield
    }) : () -> ()
    %run_scoped3A_48 = arith.constant 1 : i32
    "tpu.region"() ({
      %run_scoped3A_249 = tpu.sem_alloc : memref<!tpu.dma_semaphore, #tpu.memory_space<semaphore_mem>>
      %dma_start3A_250 = arith.constant 40 : i32
      %dma_start3A_251 = arith.constant 0 : i32
      %dma_start3A_252 = tpu.memref_slice %arg3[%run_scoped3A_48, %add3A, %dma_start3A_250, %dma_start3A_251] : memref<2x32x80x128xi32, #tpu.memory_space<hbm>> -> memref<1x1x40x128xi32, #tpu.memory_space<hbm>>
      %dma_start3A_253 = tpu.memref_squeeze %dma_start3A_252 : memref<1x1x40x128xi32, #tpu.memory_space<hbm>> -> memref<40x128xi32, #tpu.memory_space<hbm>>
      %dma_start3A_254 = arith.constant 40 : i32
      %dma_start3A_255 = arith.constant 0 : i32
      %dma_start3A_256 = tpu.memref_slice %arg3[%run_scoped3A_48, %add3A, %dma_start3A_254, %dma_start3A_255] : memref<2x32x80x128xi32, #tpu.memory_space<hbm>> -> memref<1x1x40x128xi32, #tpu.memory_space<hbm>>
      %dma_start3A_257 = tpu.memref_squeeze %dma_start3A_256 : memref<1x1x40x128xi32, #tpu.memory_space<hbm>> -> memref<40x128xi32, #tpu.memory_space<hbm>>
      tpu.enqueue_dma source(%dma_start3A_257 : memref<40x128xi32, #tpu.memory_space<hbm>>) target(%arg6 : memref<40x128xi32, #tpu.memory_space<vmem>>) target_semaphore(%run_scoped3A_249 : memref<!tpu.dma_semaphore, #tpu.memory_space<semaphore_mem>>)
      %dma_wait3A_258 = arith.constant 40 : i32
      %dma_wait3A_259 = arith.constant 0 : i32
      %dma_wait3A_260 = tpu.memref_slice %arg3[%run_scoped3A_48, %add3A, %dma_wait3A_258, %dma_wait3A_259] : memref<2x32x80x128xi32, #tpu.memory_space<hbm>> -> memref<1x1x40x128xi32, #tpu.memory_space<hbm>>
      %dma_wait3A_261 = tpu.memref_squeeze %dma_wait3A_260 : memref<1x1x40x128xi32, #tpu.memory_space<hbm>> -> memref<40x128xi32, #tpu.memory_space<hbm>>
      %dma_wait3A_262 = arith.constant 40 : i32
      %dma_wait3A_263 = arith.constant 0 : i32
      %dma_wait3A_264 = tpu.memref_slice %arg3[%run_scoped3A_48, %add3A, %dma_wait3A_262, %dma_wait3A_263] : memref<2x32x80x128xi32, #tpu.memory_space<hbm>> -> memref<1x1x40x128xi32, #tpu.memory_space<hbm>>
      %dma_wait3A_265 = tpu.memref_squeeze %dma_wait3A_264 : memref<1x1x40x128xi32, #tpu.memory_space<hbm>> -> memref<40x128xi32, #tpu.memory_space<hbm>>
      tpu.wait_dma2 semaphore(%run_scoped3A_249 : memref<!tpu.dma_semaphore, #tpu.memory_space<semaphore_mem>>) src(%dma_wait3A_265 : memref<40x128xi32, #tpu.memory_space<hbm>>) dst(%arg6 : memref<40x128xi32, #tpu.memory_space<vmem>>)
      tpu.yield
    }) : () -> ()
    %dma_start3A_49 = arith.constant 0 : i32
    %dma_start3A_50 = arith.constant 0 : i32
    %dma_start3A_51 = tpu.memref_slice %arg5[%dma_start3A_49, %dma_start3A_50] : memref<40x128xi32, #tpu.memory_space<vmem>> -> memref<1x128xi32, #tpu.memory_space<vmem>>
    %dma_start3A_52 = tpu.memref_squeeze %dma_start3A_51 : memref<1x128xi32, #tpu.memory_space<vmem>> -> memref<128xi32, #tpu.memory_space<vmem>>
    %dma_start3A_53 = arith.constant 0 : i32
    %dma_start3A_54 = arith.constant 0 : i32
    %dma_start3A_55 = tpu.memref_slice %arg2[%dma_start3A_53, %dma_start3A_54] : memref<10000x128xf32, #tpu.memory_space<hbm>> -> memref<10000x128xf32, #tpu.memory_space<hbm>>
    tpu.enqueue_indirect_dma source(%dma_start3A_55 : memref<10000x128xf32, #tpu.memory_space<hbm>>) target(%arg7 : memref<128x128xf32, #tpu.memory_space<vmem>>) offsets(%dma_start3A_52 : memref<128xi32, #tpu.memory_space<vmem>>) semaphore(%arg10 : memref<!tpu.dma_semaphore, #tpu.memory_space<semaphore_mem>>)
    %dma_start3A_56 = arith.constant 1 : i32
    %dma_start3A_57 = arith.constant 0 : i32
    %dma_start3A_58 = tpu.memref_slice %arg5[%dma_start3A_56, %dma_start3A_57] : memref<40x128xi32, #tpu.memory_space<vmem>> -> memref<1x128xi32, #tpu.memory_space<vmem>>
    %dma_start3A_59 = tpu.memref_squeeze %dma_start3A_58 : memref<1x128xi32, #tpu.memory_space<vmem>> -> memref<128xi32, #tpu.memory_space<vmem>>
    %dma_start3A_60 = arith.constant 0 : i32
    %dma_start3A_61 = arith.constant 0 : i32
    %dma_start3A_62 = tpu.memref_slice %arg2[%dma_start3A_60, %dma_start3A_61] : memref<10000x128xf32, #tpu.memory_space<hbm>> -> memref<10000x128xf32, #tpu.memory_space<hbm>>
    tpu.enqueue_indirect_dma source(%dma_start3A_62 : memref<10000x128xf32, #tpu.memory_space<hbm>>) target(%arg8 : memref<128x128xf32, #tpu.memory_space<vmem>>) offsets(%dma_start3A_59 : memref<128xi32, #tpu.memory_space<vmem>>) semaphore(%arg11 : memref<!tpu.dma_semaphore, #tpu.memory_space<semaphore_mem>>)
    %scan3A_63 = arith.constant 0 : i32
    %scan3A_64 = arith.constant 0 : i32
    %scan3A_65 = arith.constant 20 : i32
    %scan3A_66 = arith.addi %scan3A_64, %scan3A_65 : i32
    %scan3A_67 = arith.constant 1 : i32
    scf.for %scan3A_249 = %scan3A_64 to %scan3A_66 step %scan3A_67  : i32 {
      %mul3A_250 = arith.constant 2 : i32
      %mul3A_251 = arith.muli %scan3A_249, %mul3A_250 : i32
      %add3A_252 = arith.constant 0 : i32
      %add3A_253 = arith.addi %mul3A_251, %add3A_252 : i32
      %dma_wait3A_254 = arith.constant 0 : i32
      %dma_wait3A_255 = tpu.memref_slice %arg5[%add3A_253, %dma_wait3A_254] : memref<40x128xi32, #tpu.memory_space<vmem>> -> memref<1x128xi32, #tpu.memory_space<vmem>>
      %dma_wait3A_256 = tpu.memref_squeeze %dma_wait3A_255 : memref<1x128xi32, #tpu.memory_space<vmem>> -> memref<128xi32, #tpu.memory_space<vmem>>
      %dma_wait3A_257 = arith.constant 0 : i32
      %dma_wait3A_258 = arith.constant 0 : i32
      %dma_wait3A_259 = tpu.memref_slice %arg2[%dma_wait3A_257, %dma_wait3A_258] : memref<10000x128xf32, #tpu.memory_space<hbm>> -> memref<10000x128xf32, #tpu.memory_space<hbm>>
      tpu.wait_indirect_dma semaphore(%arg10 : memref<!tpu.dma_semaphore, #tpu.memory_space<semaphore_mem>>) src(%dma_wait3A_259 : memref<10000x128xf32, #tpu.memory_space<hbm>>) dst(%arg7 : memref<128x128xf32, #tpu.memory_space<vmem>>)
      "tpu.region"() ({
        %run_scoped3A_281 = tpu.sem_alloc : memref<!tpu.dma_semaphore, #tpu.memory_space<semaphore_mem>>
        %dma_start3A_282 = arith.constant 0 : i32
        %dma_start3A_283 = tpu.memref_slice %arg6[%add3A_253, %dma_start3A_282] : memref<40x128xi32, #tpu.memory_space<vmem>> -> memref<1x128xi32, #tpu.memory_space<vmem>>
        %dma_start3A_284 = tpu.memref_squeeze %dma_start3A_283 : memref<1x128xi32, #tpu.memory_space<vmem>> -> memref<128xi32, #tpu.memory_space<vmem>>
        %dma_start3A_285 = arith.constant 0 : i32
        %dma_start3A_286 = arith.constant 0 : i32
        %dma_start3A_287 = tpu.memref_slice %arg9[%dma_start3A_285, %dma_start3A_286] : memref<10240x128xf32, #tpu.memory_space<vmem_shared>> -> memref<10240x128xf32, #tpu.memory_space<vmem_shared>>
        tpu.enqueue_indirect_dma source(%arg7 : memref<128x128xf32, #tpu.memory_space<vmem>>) target(%dma_start3A_287 : memref<10240x128xf32, #tpu.memory_space<vmem_shared>>) offsets(%dma_start3A_284 : memref<128xi32, #tpu.memory_space<vmem>>) semaphore(%run_scoped3A_281 : memref<!tpu.dma_semaphore, #tpu.memory_space<semaphore_mem>>) {add = true}
        %dma_wait3A_288 = arith.constant 0 : i32
        %dma_wait3A_289 = tpu.memref_slice %arg6[%add3A_253, %dma_wait3A_288] : memref<40x128xi32, #tpu.memory_space<vmem>> -> memref<1x128xi32, #tpu.memory_space<vmem>>
        %dma_wait3A_290 = tpu.memref_squeeze %dma_wait3A_289 : memref<1x128xi32, #tpu.memory_space<vmem>> -> memref<128xi32, #tpu.memory_space<vmem>>
        %dma_wait3A_291 = arith.constant 0 : i32
        %dma_wait3A_292 = arith.constant 0 : i32
        %dma_wait3A_293 = tpu.memref_slice %arg9[%dma_wait3A_291, %dma_wait3A_292] : memref<10240x128xf32, #tpu.memory_space<vmem_shared>> -> memref<10240x128xf32, #tpu.memory_space<vmem_shared>>
        tpu.wait_indirect_dma semaphore(%run_scoped3A_281 : memref<!tpu.dma_semaphore, #tpu.memory_space<semaphore_mem>>) src(%arg7 : memref<128x128xf32, #tpu.memory_space<vmem>>) dst(%dma_wait3A_293 : memref<10240x128xf32, #tpu.memory_space<vmem_shared>>)
        tpu.yield
      }) : () -> ()
      %add3A_260 = arith.constant 2 : i32
      %add3A_261 = arith.addi %add3A_253, %add3A_260 : i32
      %lt3A = arith.constant 40 : i32
      %lt3A_262 = arith.cmpi slt, %add3A_261, %lt3A : i32
      %convert_element_type3A = arith.extui %lt3A_262 : i1 to i32
      %cond3A = arith.constant 0 : i32
      %cond3A_263 = arith.cmpi ne, %convert_element_type3A, %cond3A : i32
      scf.if %cond3A_263 {
        %dma_start3A_281 = arith.constant 0 : i32
        %dma_start3A_282 = tpu.memref_slice %arg5[%add3A_261, %dma_start3A_281] : memref<40x128xi32, #tpu.memory_space<vmem>> -> memref<1x128xi32, #tpu.memory_space<vmem>>
        %dma_start3A_283 = tpu.memref_squeeze %dma_start3A_282 : memref<1x128xi32, #tpu.memory_space<vmem>> -> memref<128xi32, #tpu.memory_space<vmem>>
        %dma_start3A_284 = arith.constant 0 : i32
        %dma_start3A_285 = arith.constant 0 : i32
        %dma_start3A_286 = tpu.memref_slice %arg2[%dma_start3A_284, %dma_start3A_285] : memref<10000x128xf32, #tpu.memory_space<hbm>> -> memref<10000x128xf32, #tpu.memory_space<hbm>>
        tpu.enqueue_indirect_dma source(%dma_start3A_286 : memref<10000x128xf32, #tpu.memory_space<hbm>>) target(%arg7 : memref<128x128xf32, #tpu.memory_space<vmem>>) offsets(%dma_start3A_283 : memref<128xi32, #tpu.memory_space<vmem>>) semaphore(%arg10 : memref<!tpu.dma_semaphore, #tpu.memory_space<semaphore_mem>>)
      } else {
      }
      %mul3A_264 = arith.constant 2 : i32
      %mul3A_265 = arith.muli %scan3A_249, %mul3A_264 : i32
      %add3A_266 = arith.constant 1 : i32
      %add3A_267 = arith.addi %mul3A_265, %add3A_266 : i32
      %dma_wait3A_268 = arith.constant 0 : i32
      %dma_wait3A_269 = tpu.memref_slice %arg5[%add3A_267, %dma_wait3A_268] : memref<40x128xi32, #tpu.memory_space<vmem>> -> memref<1x128xi32, #tpu.memory_space<vmem>>
      %dma_wait3A_270 = tpu.memref_squeeze %dma_wait3A_269 : memref<1x128xi32, #tpu.memory_space<vmem>> -> memref<128xi32, #tpu.memory_space<vmem>>
      %dma_wait3A_271 = arith.constant 0 : i32
      %dma_wait3A_272 = arith.constant 0 : i32
      %dma_wait3A_273 = tpu.memref_slice %arg2[%dma_wait3A_271, %dma_wait3A_272] : memref<10000x128xf32, #tpu.memory_space<hbm>> -> memref<10000x128xf32, #tpu.memory_space<hbm>>
      tpu.wait_indirect_dma semaphore(%arg11 : memref<!tpu.dma_semaphore, #tpu.memory_space<semaphore_mem>>) src(%dma_wait3A_273 : memref<10000x128xf32, #tpu.memory_space<hbm>>) dst(%arg8 : memref<128x128xf32, #tpu.memory_space<vmem>>)
      "tpu.region"() ({
        %run_scoped3A_281 = tpu.sem_alloc : memref<!tpu.dma_semaphore, #tpu.memory_space<semaphore_mem>>
        %dma_start3A_282 = arith.constant 0 : i32
        %dma_start3A_283 = tpu.memref_slice %arg6[%add3A_267, %dma_start3A_282] : memref<40x128xi32, #tpu.memory_space<vmem>> -> memref<1x128xi32, #tpu.memory_space<vmem>>
        %dma_start3A_284 = tpu.memref_squeeze %dma_start3A_283 : memref<1x128xi32, #tpu.memory_space<vmem>> -> memref<128xi32, #tpu.memory_space<vmem>>
        %dma_start3A_285 = arith.constant 0 : i32
        %dma_start3A_286 = arith.constant 0 : i32
        %dma_start3A_287 = tpu.memref_slice %arg9[%dma_start3A_285, %dma_start3A_286] : memref<10240x128xf32, #tpu.memory_space<vmem_shared>> -> memref<10240x128xf32, #tpu.memory_space<vmem_shared>>
        tpu.enqueue_indirect_dma source(%arg8 : memref<128x128xf32, #tpu.memory_space<vmem>>) target(%dma_start3A_287 : memref<10240x128xf32, #tpu.memory_space<vmem_shared>>) offsets(%dma_start3A_284 : memref<128xi32, #tpu.memory_space<vmem>>) semaphore(%run_scoped3A_281 : memref<!tpu.dma_semaphore, #tpu.memory_space<semaphore_mem>>) {add = true}
        %dma_wait3A_288 = arith.constant 0 : i32
        %dma_wait3A_289 = tpu.memref_slice %arg6[%add3A_267, %dma_wait3A_288] : memref<40x128xi32, #tpu.memory_space<vmem>> -> memref<1x128xi32, #tpu.memory_space<vmem>>
        %dma_wait3A_290 = tpu.memref_squeeze %dma_wait3A_289 : memref<1x128xi32, #tpu.memory_space<vmem>> -> memref<128xi32, #tpu.memory_space<vmem>>
        %dma_wait3A_291 = arith.constant 0 : i32
        %dma_wait3A_292 = arith.constant 0 : i32
        %dma_wait3A_293 = tpu.memref_slice %arg9[%dma_wait3A_291, %dma_wait3A_292] : memref<10240x128xf32, #tpu.memory_space<vmem_shared>> -> memref<10240x128xf32, #tpu.memory_space<vmem_shared>>
        tpu.wait_indirect_dma semaphore(%run_scoped3A_281 : memref<!tpu.dma_semaphore, #tpu.memory_space<semaphore_mem>>) src(%arg8 : memref<128x128xf32, #tpu.memory_space<vmem>>) dst(%dma_wait3A_293 : memref<10240x128xf32, #tpu.memory_space<vmem_shared>>)
        tpu.yield
      }) : () -> ()
      %add3A_274 = arith.constant 2 : i32
      %add3A_275 = arith.addi %add3A_267, %add3A_274 : i32
      %lt3A_276 = arith.constant 40 : i32
      %lt3A_277 = arith.cmpi slt, %add3A_275, %lt3A_276 : i32
      %convert_element_type3A_278 = arith.extui %lt3A_277 : i1 to i32
      %cond3A_279 = arith.constant 0 : i32
      %cond3A_280 = arith.cmpi ne, %convert_element_type3A_278, %cond3A_279 : i32
      scf.if %cond3A_280 {
        %dma_start3A_281 = arith.constant 0 : i32
        %dma_start3A_282 = tpu.memref_slice %arg5[%add3A_275, %dma_start3A_281] : memref<40x128xi32, #tpu.memory_space<vmem>> -> memref<1x128xi32, #tpu.memory_space<vmem>>
        %dma_start3A_283 = tpu.memref_squeeze %dma_start3A_282 : memref<1x128xi32, #tpu.memory_space<vmem>> -> memref<128xi32, #tpu.memory_space<vmem>>
        %dma_start3A_284 = arith.constant 0 : i32
        %dma_start3A_285 = arith.constant 0 : i32
        %dma_start3A_286 = tpu.memref_slice %arg2[%dma_start3A_284, %dma_start3A_285] : memref<10000x128xf32, #tpu.memory_space<hbm>> -> memref<10000x128xf32, #tpu.memory_space<hbm>>
        tpu.enqueue_indirect_dma source(%dma_start3A_286 : memref<10000x128xf32, #tpu.memory_space<hbm>>) target(%arg8 : memref<128x128xf32, #tpu.memory_space<vmem>>) offsets(%dma_start3A_283 : memref<128xi32, #tpu.memory_space<vmem>>) semaphore(%arg11 : memref<!tpu.dma_semaphore, #tpu.memory_space<semaphore_mem>>)
      } else {
      }
    }
    %scan3A_68 = arith.constant 20 : i32
    %barrier3A_69 = arith.constant 0 : index
    tpu.barrier barrier_id(%barrier3A_69)
    %mul3A_70 = arith.constant 640 : i32
    %mul3A_71 = arith.muli %arg1, %mul3A_70 : i32
    %add3A_72 = arith.constant 0 : i32
    %add3A_73 = arith.addi %mul3A_71, %add3A_72 : i32
    %dma_start3A_74 = arith.constant 0 : i32
    %dma_start3A_75 = tpu.memref_slice %arg9[%add3A_73, %dma_start3A_74] : memref<10240x128xf32, #tpu.memory_space<vmem_shared>> -> memref<128x128xf32, #tpu.memory_space<vmem_shared>>
    %dma_start3A_76 = arith.constant 0 : i32
    %dma_start3A_77 = tpu.memref_slice %arg9[%add3A_73, %dma_start3A_76] : memref<10240x128xf32, #tpu.memory_space<vmem_shared>> -> memref<128x128xf32, #tpu.memory_space<vmem_shared>>
    tpu.enqueue_dma source(%dma_start3A_77 : memref<128x128xf32, #tpu.memory_space<vmem_shared>>) target(%arg7 : memref<128x128xf32, #tpu.memory_space<vmem>>) target_semaphore(%arg10 : memref<!tpu.dma_semaphore, #tpu.memory_space<semaphore_mem>>)
    %mul3A_78 = arith.constant 640 : i32
    %mul3A_79 = arith.muli %arg1, %mul3A_78 : i32
    %add3A_80 = arith.constant 128 : i32
    %add3A_81 = arith.addi %mul3A_79, %add3A_80 : i32
    %dma_start3A_82 = arith.constant 0 : i32
    %dma_start3A_83 = tpu.memref_slice %arg9[%add3A_81, %dma_start3A_82] : memref<10240x128xf32, #tpu.memory_space<vmem_shared>> -> memref<128x128xf32, #tpu.memory_space<vmem_shared>>
    %dma_start3A_84 = arith.constant 0 : i32
    %dma_start3A_85 = tpu.memref_slice %arg9[%add3A_81, %dma_start3A_84] : memref<10240x128xf32, #tpu.memory_space<vmem_shared>> -> memref<128x128xf32, #tpu.memory_space<vmem_shared>>
    tpu.enqueue_dma source(%dma_start3A_85 : memref<128x128xf32, #tpu.memory_space<vmem_shared>>) target(%arg8 : memref<128x128xf32, #tpu.memory_space<vmem>>) target_semaphore(%arg11 : memref<!tpu.dma_semaphore, #tpu.memory_space<semaphore_mem>>)
    %mul3A_86 = arith.constant 640 : i32
    %mul3A_87 = arith.muli %arg1, %mul3A_86 : i32
    %add3A_88 = arith.constant 0 : i32
    %add3A_89 = arith.addi %mul3A_87, %add3A_88 : i32
    %dma_wait3A = arith.constant 0 : i32
    %dma_wait3A_90 = tpu.memref_slice %arg9[%add3A_89, %dma_wait3A] : memref<10240x128xf32, #tpu.memory_space<vmem_shared>> -> memref<128x128xf32, #tpu.memory_space<vmem_shared>>
    %dma_wait3A_91 = arith.constant 0 : i32
    %dma_wait3A_92 = tpu.memref_slice %arg9[%add3A_89, %dma_wait3A_91] : memref<10240x128xf32, #tpu.memory_space<vmem_shared>> -> memref<128x128xf32, #tpu.memory_space<vmem_shared>>
    tpu.wait_dma2 semaphore(%arg10 : memref<!tpu.dma_semaphore, #tpu.memory_space<semaphore_mem>>) src(%dma_wait3A_92 : memref<128x128xf32, #tpu.memory_space<vmem_shared>>) dst(%arg7 : memref<128x128xf32, #tpu.memory_space<vmem>>)
    %mul3A_93 = arith.constant 640 : i32
    %mul3A_94 = arith.muli %arg1, %mul3A_93 : i32
    %add3A_95 = arith.constant 0 : i32
    %add3A_96 = arith.addi %mul3A_94, %add3A_95 : i32
    %dma_start3A_97 = arith.constant 0 : i32
    %dma_start3A_98 = tpu.memref_slice %arg4[%arg0, %add3A_96, %dma_start3A_97] : memref<2x10240x128xf32, #tpu.memory_space<hbm>> -> memref<1x128x128xf32, #tpu.memory_space<hbm>>
    %dma_start3A_99 = tpu.memref_squeeze %dma_start3A_98 : memref<1x128x128xf32, #tpu.memory_space<hbm>> -> memref<128x128xf32, #tpu.memory_space<hbm>>
    %dma_start3A_100 = arith.constant 0 : i32
    %dma_start3A_101 = tpu.memref_slice %arg4[%arg0, %add3A_96, %dma_start3A_100] : memref<2x10240x128xf32, #tpu.memory_space<hbm>> -> memref<1x128x128xf32, #tpu.memory_space<hbm>>
    %dma_start3A_102 = tpu.memref_squeeze %dma_start3A_101 : memref<1x128x128xf32, #tpu.memory_space<hbm>> -> memref<128x128xf32, #tpu.memory_space<hbm>>
    tpu.enqueue_dma source(%arg7 : memref<128x128xf32, #tpu.memory_space<vmem>>) target(%dma_start3A_102 : memref<128x128xf32, #tpu.memory_space<hbm>>) target_semaphore(%arg12 : memref<!tpu.dma_semaphore, #tpu.memory_space<semaphore_mem>>)
    %mul3A_103 = arith.constant 640 : i32
    %mul3A_104 = arith.muli %arg1, %mul3A_103 : i32
    %add3A_105 = arith.constant 128 : i32
    %add3A_106 = arith.addi %mul3A_104, %add3A_105 : i32
    %dma_wait3A_107 = arith.constant 0 : i32
    %dma_wait3A_108 = tpu.memref_slice %arg9[%add3A_106, %dma_wait3A_107] : memref<10240x128xf32, #tpu.memory_space<vmem_shared>> -> memref<128x128xf32, #tpu.memory_space<vmem_shared>>
    %dma_wait3A_109 = arith.constant 0 : i32
    %dma_wait3A_110 = tpu.memref_slice %arg9[%add3A_106, %dma_wait3A_109] : memref<10240x128xf32, #tpu.memory_space<vmem_shared>> -> memref<128x128xf32, #tpu.memory_space<vmem_shared>>
    tpu.wait_dma2 semaphore(%arg11 : memref<!tpu.dma_semaphore, #tpu.memory_space<semaphore_mem>>) src(%dma_wait3A_110 : memref<128x128xf32, #tpu.memory_space<vmem_shared>>) dst(%arg8 : memref<128x128xf32, #tpu.memory_space<vmem>>)
    %mul3A_111 = arith.constant 640 : i32
    %mul3A_112 = arith.muli %arg1, %mul3A_111 : i32
    %add3A_113 = arith.constant 128 : i32
    %add3A_114 = arith.addi %mul3A_112, %add3A_113 : i32
    %dma_start3A_115 = arith.constant 0 : i32
    %dma_start3A_116 = tpu.memref_slice %arg4[%arg0, %add3A_114, %dma_start3A_115] : memref<2x10240x128xf32, #tpu.memory_space<hbm>> -> memref<1x128x128xf32, #tpu.memory_space<hbm>>
    %dma_start3A_117 = tpu.memref_squeeze %dma_start3A_116 : memref<1x128x128xf32, #tpu.memory_space<hbm>> -> memref<128x128xf32, #tpu.memory_space<hbm>>
    %dma_start3A_118 = arith.constant 0 : i32
    %dma_start3A_119 = tpu.memref_slice %arg4[%arg0, %add3A_114, %dma_start3A_118] : memref<2x10240x128xf32, #tpu.memory_space<hbm>> -> memref<1x128x128xf32, #tpu.memory_space<hbm>>
    %dma_start3A_120 = tpu.memref_squeeze %dma_start3A_119 : memref<1x128x128xf32, #tpu.memory_space<hbm>> -> memref<128x128xf32, #tpu.memory_space<hbm>>
    tpu.enqueue_dma source(%arg8 : memref<128x128xf32, #tpu.memory_space<vmem>>) target(%dma_start3A_120 : memref<128x128xf32, #tpu.memory_space<hbm>>) target_semaphore(%arg13 : memref<!tpu.dma_semaphore, #tpu.memory_space<semaphore_mem>>)
    %mul3A_121 = arith.constant 640 : i32
    %mul3A_122 = arith.muli %arg1, %mul3A_121 : i32
    %add3A_123 = arith.constant 0 : i32
    %add3A_124 = arith.addi %mul3A_122, %add3A_123 : i32
    %dma_wait3A_125 = arith.constant 0 : i32
    %dma_wait3A_126 = tpu.memref_slice %arg4[%arg0, %add3A_124, %dma_wait3A_125] : memref<2x10240x128xf32, #tpu.memory_space<hbm>> -> memref<1x128x128xf32, #tpu.memory_space<hbm>>
    %dma_wait3A_127 = tpu.memref_squeeze %dma_wait3A_126 : memref<1x128x128xf32, #tpu.memory_space<hbm>> -> memref<128x128xf32, #tpu.memory_space<hbm>>
    %dma_wait3A_128 = arith.constant 0 : i32
    %dma_wait3A_129 = tpu.memref_slice %arg4[%arg0, %add3A_124, %dma_wait3A_128] : memref<2x10240x128xf32, #tpu.memory_space<hbm>> -> memref<1x128x128xf32, #tpu.memory_space<hbm>>
    %dma_wait3A_130 = tpu.memref_squeeze %dma_wait3A_129 : memref<1x128x128xf32, #tpu.memory_space<hbm>> -> memref<128x128xf32, #tpu.memory_space<hbm>>
    tpu.wait_dma2 semaphore(%arg12 : memref<!tpu.dma_semaphore, #tpu.memory_space<semaphore_mem>>) src(%arg7 : memref<128x128xf32, #tpu.memory_space<vmem>>) dst(%dma_wait3A_130 : memref<128x128xf32, #tpu.memory_space<hbm>>)
    %mul3A_131 = arith.constant 640 : i32
    %mul3A_132 = arith.muli %arg1, %mul3A_131 : i32
    %add3A_133 = arith.constant 256 : i32
    %add3A_134 = arith.addi %mul3A_132, %add3A_133 : i32
    %dma_start3A_135 = arith.constant 0 : i32
    %dma_start3A_136 = tpu.memref_slice %arg9[%add3A_134, %dma_start3A_135] : memref<10240x128xf32, #tpu.memory_space<vmem_shared>> -> memref<128x128xf32, #tpu.memory_space<vmem_shared>>
    %dma_start3A_137 = arith.constant 0 : i32
    %dma_start3A_138 = tpu.memref_slice %arg9[%add3A_134, %dma_start3A_137] : memref<10240x128xf32, #tpu.memory_space<vmem_shared>> -> memref<128x128xf32, #tpu.memory_space<vmem_shared>>
    tpu.enqueue_dma source(%dma_start3A_138 : memref<128x128xf32, #tpu.memory_space<vmem_shared>>) target(%arg7 : memref<128x128xf32, #tpu.memory_space<vmem>>) target_semaphore(%arg10 : memref<!tpu.dma_semaphore, #tpu.memory_space<semaphore_mem>>)
    %mul3A_139 = arith.constant 640 : i32
    %mul3A_140 = arith.muli %arg1, %mul3A_139 : i32
    %add3A_141 = arith.constant 256 : i32
    %add3A_142 = arith.addi %mul3A_140, %add3A_141 : i32
    %dma_wait3A_143 = arith.constant 0 : i32
    %dma_wait3A_144 = tpu.memref_slice %arg9[%add3A_142, %dma_wait3A_143] : memref<10240x128xf32, #tpu.memory_space<vmem_shared>> -> memref<128x128xf32, #tpu.memory_space<vmem_shared>>
    %dma_wait3A_145 = arith.constant 0 : i32
    %dma_wait3A_146 = tpu.memref_slice %arg9[%add3A_142, %dma_wait3A_145] : memref<10240x128xf32, #tpu.memory_space<vmem_shared>> -> memref<128x128xf32, #tpu.memory_space<vmem_shared>>
    tpu.wait_dma2 semaphore(%arg10 : memref<!tpu.dma_semaphore, #tpu.memory_space<semaphore_mem>>) src(%dma_wait3A_146 : memref<128x128xf32, #tpu.memory_space<vmem_shared>>) dst(%arg7 : memref<128x128xf32, #tpu.memory_space<vmem>>)
    %mul3A_147 = arith.constant 640 : i32
    %mul3A_148 = arith.muli %arg1, %mul3A_147 : i32
    %add3A_149 = arith.constant 256 : i32
    %add3A_150 = arith.addi %mul3A_148, %add3A_149 : i32
    %dma_start3A_151 = arith.constant 0 : i32
    %dma_start3A_152 = tpu.memref_slice %arg4[%arg0, %add3A_150, %dma_start3A_151] : memref<2x10240x128xf32, #tpu.memory_space<hbm>> -> memref<1x128x128xf32, #tpu.memory_space<hbm>>
    %dma_start3A_153 = tpu.memref_squeeze %dma_start3A_152 : memref<1x128x128xf32, #tpu.memory_space<hbm>> -> memref<128x128xf32, #tpu.memory_space<hbm>>
    %dma_start3A_154 = arith.constant 0 : i32
    %dma_start3A_155 = tpu.memref_slice %arg4[%arg0, %add3A_150, %dma_start3A_154] : memref<2x10240x128xf32, #tpu.memory_space<hbm>> -> memref<1x128x128xf32, #tpu.memory_space<hbm>>
    %dma_start3A_156 = tpu.memref_squeeze %dma_start3A_155 : memref<1x128x128xf32, #tpu.memory_space<hbm>> -> memref<128x128xf32, #tpu.memory_space<hbm>>
    tpu.enqueue_dma source(%arg7 : memref<128x128xf32, #tpu.memory_space<vmem>>) target(%dma_start3A_156 : memref<128x128xf32, #tpu.memory_space<hbm>>) target_semaphore(%arg12 : memref<!tpu.dma_semaphore, #tpu.memory_space<semaphore_mem>>)
    %mul3A_157 = arith.constant 640 : i32
    %mul3A_158 = arith.muli %arg1, %mul3A_157 : i32
    %add3A_159 = arith.constant 128 : i32
    %add3A_160 = arith.addi %mul3A_158, %add3A_159 : i32
    %dma_wait3A_161 = arith.constant 0 : i32
    %dma_wait3A_162 = tpu.memref_slice %arg4[%arg0, %add3A_160, %dma_wait3A_161] : memref<2x10240x128xf32, #tpu.memory_space<hbm>> -> memref<1x128x128xf32, #tpu.memory_space<hbm>>
    %dma_wait3A_163 = tpu.memref_squeeze %dma_wait3A_162 : memref<1x128x128xf32, #tpu.memory_space<hbm>> -> memref<128x128xf32, #tpu.memory_space<hbm>>
    %dma_wait3A_164 = arith.constant 0 : i32
    %dma_wait3A_165 = tpu.memref_slice %arg4[%arg0, %add3A_160, %dma_wait3A_164] : memref<2x10240x128xf32, #tpu.memory_space<hbm>> -> memref<1x128x128xf32, #tpu.memory_space<hbm>>
    %dma_wait3A_166 = tpu.memref_squeeze %dma_wait3A_165 : memref<1x128x128xf32, #tpu.memory_space<hbm>> -> memref<128x128xf32, #tpu.memory_space<hbm>>
    tpu.wait_dma2 semaphore(%arg13 : memref<!tpu.dma_semaphore, #tpu.memory_space<semaphore_mem>>) src(%arg8 : memref<128x128xf32, #tpu.memory_space<vmem>>) dst(%dma_wait3A_166 : memref<128x128xf32, #tpu.memory_space<hbm>>)
    %mul3A_167 = arith.constant 640 : i32
    %mul3A_168 = arith.muli %arg1, %mul3A_167 : i32
    %add3A_169 = arith.constant 384 : i32
    %add3A_170 = arith.addi %mul3A_168, %add3A_169 : i32
    %dma_start3A_171 = arith.constant 0 : i32
    %dma_start3A_172 = tpu.memref_slice %arg9[%add3A_170, %dma_start3A_171] : memref<10240x128xf32, #tpu.memory_space<vmem_shared>> -> memref<128x128xf32, #tpu.memory_space<vmem_shared>>
    %dma_start3A_173 = arith.constant 0 : i32
    %dma_start3A_174 = tpu.memref_slice %arg9[%add3A_170, %dma_start3A_173] : memref<10240x128xf32, #tpu.memory_space<vmem_shared>> -> memref<128x128xf32, #tpu.memory_space<vmem_shared>>
    tpu.enqueue_dma source(%dma_start3A_174 : memref<128x128xf32, #tpu.memory_space<vmem_shared>>) target(%arg8 : memref<128x128xf32, #tpu.memory_space<vmem>>) target_semaphore(%arg11 : memref<!tpu.dma_semaphore, #tpu.memory_space<semaphore_mem>>)
    %mul3A_175 = arith.constant 640 : i32
    %mul3A_176 = arith.muli %arg1, %mul3A_175 : i32
    %add3A_177 = arith.constant 384 : i32
    %add3A_178 = arith.addi %mul3A_176, %add3A_177 : i32
    %dma_wait3A_179 = arith.constant 0 : i32
    %dma_wait3A_180 = tpu.memref_slice %arg9[%add3A_178, %dma_wait3A_179] : memref<10240x128xf32, #tpu.memory_space<vmem_shared>> -> memref<128x128xf32, #tpu.memory_space<vmem_shared>>
    %dma_wait3A_181 = arith.constant 0 : i32
    %dma_wait3A_182 = tpu.memref_slice %arg9[%add3A_178, %dma_wait3A_181] : memref<10240x128xf32, #tpu.memory_space<vmem_shared>> -> memref<128x128xf32, #tpu.memory_space<vmem_shared>>
    tpu.wait_dma2 semaphore(%arg11 : memref<!tpu.dma_semaphore, #tpu.memory_space<semaphore_mem>>) src(%dma_wait3A_182 : memref<128x128xf32, #tpu.memory_space<vmem_shared>>) dst(%arg8 : memref<128x128xf32, #tpu.memory_space<vmem>>)
    %mul3A_183 = arith.constant 640 : i32
    %mul3A_184 = arith.muli %arg1, %mul3A_183 : i32
    %add3A_185 = arith.constant 384 : i32
    %add3A_186 = arith.addi %mul3A_184, %add3A_185 : i32
    %dma_start3A_187 = arith.constant 0 : i32
    %dma_start3A_188 = tpu.memref_slice %arg4[%arg0, %add3A_186, %dma_start3A_187] : memref<2x10240x128xf32, #tpu.memory_space<hbm>> -> memref<1x128x128xf32, #tpu.memory_space<hbm>>
    %dma_start3A_189 = tpu.memref_squeeze %dma_start3A_188 : memref<1x128x128xf32, #tpu.memory_space<hbm>> -> memref<128x128xf32, #tpu.memory_space<hbm>>
    %dma_start3A_190 = arith.constant 0 : i32
    %dma_start3A_191 = tpu.memref_slice %arg4[%arg0, %add3A_186, %dma_start3A_190] : memref<2x10240x128xf32, #tpu.memory_space<hbm>> -> memref<1x128x128xf32, #tpu.memory_space<hbm>>
    %dma_start3A_192 = tpu.memref_squeeze %dma_start3A_191 : memref<1x128x128xf32, #tpu.memory_space<hbm>> -> memref<128x128xf32, #tpu.memory_space<hbm>>
    tpu.enqueue_dma source(%arg8 : memref<128x128xf32, #tpu.memory_space<vmem>>) target(%dma_start3A_192 : memref<128x128xf32, #tpu.memory_space<hbm>>) target_semaphore(%arg13 : memref<!tpu.dma_semaphore, #tpu.memory_space<semaphore_mem>>)
    %mul3A_193 = arith.constant 640 : i32
    %mul3A_194 = arith.muli %arg1, %mul3A_193 : i32
    %add3A_195 = arith.constant 256 : i32
    %add3A_196 = arith.addi %mul3A_194, %add3A_195 : i32
    %dma_wait3A_197 = arith.constant 0 : i32
    %dma_wait3A_198 = tpu.memref_slice %arg4[%arg0, %add3A_196, %dma_wait3A_197] : memref<2x10240x128xf32, #tpu.memory_space<hbm>> -> memref<1x128x128xf32, #tpu.memory_space<hbm>>
    %dma_wait3A_199 = tpu.memref_squeeze %dma_wait3A_198 : memref<1x128x128xf32, #tpu.memory_space<hbm>> -> memref<128x128xf32, #tpu.memory_space<hbm>>
    %dma_wait3A_200 = arith.constant 0 : i32
    %dma_wait3A_201 = tpu.memref_slice %arg4[%arg0, %add3A_196, %dma_wait3A_200] : memref<2x10240x128xf32, #tpu.memory_space<hbm>> -> memref<1x128x128xf32, #tpu.memory_space<hbm>>
    %dma_wait3A_202 = tpu.memref_squeeze %dma_wait3A_201 : memref<1x128x128xf32, #tpu.memory_space<hbm>> -> memref<128x128xf32, #tpu.memory_space<hbm>>
    tpu.wait_dma2 semaphore(%arg12 : memref<!tpu.dma_semaphore, #tpu.memory_space<semaphore_mem>>) src(%arg7 : memref<128x128xf32, #tpu.memory_space<vmem>>) dst(%dma_wait3A_202 : memref<128x128xf32, #tpu.memory_space<hbm>>)
    %mul3A_203 = arith.constant 640 : i32
    %mul3A_204 = arith.muli %arg1, %mul3A_203 : i32
    %add3A_205 = arith.constant 512 : i32
    %add3A_206 = arith.addi %mul3A_204, %add3A_205 : i32
    %dma_start3A_207 = arith.constant 0 : i32
    %dma_start3A_208 = tpu.memref_slice %arg9[%add3A_206, %dma_start3A_207] : memref<10240x128xf32, #tpu.memory_space<vmem_shared>> -> memref<128x128xf32, #tpu.memory_space<vmem_shared>>
    %dma_start3A_209 = arith.constant 0 : i32
    %dma_start3A_210 = tpu.memref_slice %arg9[%add3A_206, %dma_start3A_209] : memref<10240x128xf32, #tpu.memory_space<vmem_shared>> -> memref<128x128xf32, #tpu.memory_space<vmem_shared>>
    tpu.enqueue_dma source(%dma_start3A_210 : memref<128x128xf32, #tpu.memory_space<vmem_shared>>) target(%arg7 : memref<128x128xf32, #tpu.memory_space<vmem>>) target_semaphore(%arg10 : memref<!tpu.dma_semaphore, #tpu.memory_space<semaphore_mem>>)
    %mul3A_211 = arith.constant 640 : i32
    %mul3A_212 = arith.muli %arg1, %mul3A_211 : i32
    %add3A_213 = arith.constant 512 : i32
    %add3A_214 = arith.addi %mul3A_212, %add3A_213 : i32
    %dma_wait3A_215 = arith.constant 0 : i32
    %dma_wait3A_216 = tpu.memref_slice %arg9[%add3A_214, %dma_wait3A_215] : memref<10240x128xf32, #tpu.memory_space<vmem_shared>> -> memref<128x128xf32, #tpu.memory_space<vmem_shared>>
    %dma_wait3A_217 = arith.constant 0 : i32
    %dma_wait3A_218 = tpu.memref_slice %arg9[%add3A_214, %dma_wait3A_217] : memref<10240x128xf32, #tpu.memory_space<vmem_shared>> -> memref<128x128xf32, #tpu.memory_space<vmem_shared>>
    tpu.wait_dma2 semaphore(%arg10 : memref<!tpu.dma_semaphore, #tpu.memory_space<semaphore_mem>>) src(%dma_wait3A_218 : memref<128x128xf32, #tpu.memory_space<vmem_shared>>) dst(%arg7 : memref<128x128xf32, #tpu.memory_space<vmem>>)
    %mul3A_219 = arith.constant 640 : i32
    %mul3A_220 = arith.muli %arg1, %mul3A_219 : i32
    %add3A_221 = arith.constant 512 : i32
    %add3A_222 = arith.addi %mul3A_220, %add3A_221 : i32
    %dma_start3A_223 = arith.constant 0 : i32
    %dma_start3A_224 = tpu.memref_slice %arg4[%arg0, %add3A_222, %dma_start3A_223] : memref<2x10240x128xf32, #tpu.memory_space<hbm>> -> memref<1x128x128xf32, #tpu.memory_space<hbm>>
    %dma_start3A_225 = tpu.memref_squeeze %dma_start3A_224 : memref<1x128x128xf32, #tpu.memory_space<hbm>> -> memref<128x128xf32, #tpu.memory_space<hbm>>
    %dma_start3A_226 = arith.constant 0 : i32
    %dma_start3A_227 = tpu.memref_slice %arg4[%arg0, %add3A_222, %dma_start3A_226] : memref<2x10240x128xf32, #tpu.memory_space<hbm>> -> memref<1x128x128xf32, #tpu.memory_space<hbm>>
    %dma_start3A_228 = tpu.memref_squeeze %dma_start3A_227 : memref<1x128x128xf32, #tpu.memory_space<hbm>> -> memref<128x128xf32, #tpu.memory_space<hbm>>
    tpu.enqueue_dma source(%arg7 : memref<128x128xf32, #tpu.memory_space<vmem>>) target(%dma_start3A_228 : memref<128x128xf32, #tpu.memory_space<hbm>>) target_semaphore(%arg12 : memref<!tpu.dma_semaphore, #tpu.memory_space<semaphore_mem>>)
    %mul3A_229 = arith.constant 640 : i32
    %mul3A_230 = arith.muli %arg1, %mul3A_229 : i32
    %add3A_231 = arith.constant 384 : i32
    %add3A_232 = arith.addi %mul3A_230, %add3A_231 : i32
    %dma_wait3A_233 = arith.constant 0 : i32
    %dma_wait3A_234 = tpu.memref_slice %arg4[%arg0, %add3A_232, %dma_wait3A_233] : memref<2x10240x128xf32, #tpu.memory_space<hbm>> -> memref<1x128x128xf32, #tpu.memory_space<hbm>>
    %dma_wait3A_235 = tpu.memref_squeeze %dma_wait3A_234 : memref<1x128x128xf32, #tpu.memory_space<hbm>> -> memref<128x128xf32, #tpu.memory_space<hbm>>
    %dma_wait3A_236 = arith.constant 0 : i32
    %dma_wait3A_237 = tpu.memref_slice %arg4[%arg0, %add3A_232, %dma_wait3A_236] : memref<2x10240x128xf32, #tpu.memory_space<hbm>> -> memref<1x128x128xf32, #tpu.memory_space<hbm>>
    %dma_wait3A_238 = tpu.memref_squeeze %dma_wait3A_237 : memref<1x128x128xf32, #tpu.memory_space<hbm>> -> memref<128x128xf32, #tpu.memory_space<hbm>>
    tpu.wait_dma2 semaphore(%arg13 : memref<!tpu.dma_semaphore, #tpu.memory_space<semaphore_mem>>) src(%arg8 : memref<128x128xf32, #tpu.memory_space<vmem>>) dst(%dma_wait3A_238 : memref<128x128xf32, #tpu.memory_space<hbm>>)
    %mul3A_239 = arith.constant 640 : i32
    %mul3A_240 = arith.muli %arg1, %mul3A_239 : i32
    %add3A_241 = arith.constant 512 : i32
    %add3A_242 = arith.addi %mul3A_240, %add3A_241 : i32
    %dma_wait3A_243 = arith.constant 0 : i32
    %dma_wait3A_244 = tpu.memref_slice %arg4[%arg0, %add3A_242, %dma_wait3A_243] : memref<2x10240x128xf32, #tpu.memory_space<hbm>> -> memref<1x128x128xf32, #tpu.memory_space<hbm>>
    %dma_wait3A_245 = tpu.memref_squeeze %dma_wait3A_244 : memref<1x128x128xf32, #tpu.memory_space<hbm>> -> memref<128x128xf32, #tpu.memory_space<hbm>>
    %dma_wait3A_246 = arith.constant 0 : i32
    %dma_wait3A_247 = tpu.memref_slice %arg4[%arg0, %add3A_242, %dma_wait3A_246] : memref<2x10240x128xf32, #tpu.memory_space<hbm>> -> memref<1x128x128xf32, #tpu.memory_space<hbm>>
    %dma_wait3A_248 = tpu.memref_squeeze %dma_wait3A_247 : memref<1x128x128xf32, #tpu.memory_space<hbm>> -> memref<128x128xf32, #tpu.memory_space<hbm>>
    tpu.wait_dma2 semaphore(%arg12 : memref<!tpu.dma_semaphore, #tpu.memory_space<semaphore_mem>>) src(%arg7 : memref<128x128xf32, #tpu.memory_space<vmem>>) dst(%dma_wait3A_248 : memref<128x128xf32, #tpu.memory_space<hbm>>)
    return
  }
}

#map = affine_map<(d0, d1) -> (0, 0)>
#map1 = affine_map<(d0, d1) -> (0, 0, 0, 0)>
#map2 = affine_map<(d0, d1) -> (0, 0, 0)>
module attributes {stable_mosaic.version = 14 : i64} {
  func.func @agg_kernel(%arg0: i32, %arg1: i32, %arg2: memref<10000x128xf32, #tpu.memory_space<hbm>>, %arg3: memref<2x32x80x128xi32, #tpu.memory_space<hbm>>, %arg4: memref<2x10240x128xf32, #tpu.memory_space<hbm>>, %arg5: memref<40x128xi32, #tpu.memory_space<vmem>>, %arg6: memref<40x128xi32, #tpu.memory_space<vmem>>, %arg7: memref<128x128xf32, #tpu.memory_space<vmem>>, %arg8: memref<128x128xf32, #tpu.memory_space<vmem>>, %arg9: memref<10240x128xf32, #tpu.memory_space<vmem_shared>>, %arg10: memref<!tpu.dma_semaphore, #tpu.memory_space<semaphore_mem>>, %arg11: memref<!tpu.dma_semaphore, #tpu.memory_space<semaphore_mem>>, %arg12: memref<!tpu.dma_semaphore, #tpu.memory_space<semaphore_mem>>, %arg13: memref<!tpu.dma_semaphore, #tpu.memory_space<semaphore_mem>>) attributes {dimension_semantics = [#tpu.dimension_semantics<core_parallel>, #tpu.dimension_semantics<subcore_parallel>], iteration_bounds = array<i64: 2, 16>, scalar_prefetch = 0 : i64, scratch_operands = 9 : i64, tpu.core_type = #tpu.core_type<sc_vector_subcore>, window_params = [{transform_indices = #map}, {transform_indices = #map1}, {transform_indices = #map2}]} {
    %mul3A = arith.constant 2 : i32
    %mul3A_0 = arith.muli %arg1, %mul3A : i32
    %add3A = arith.addi %mul3A_0, %arg0 : i32
    %broadcast_in_dim3A = arith.constant 0.000000e+00 : f32
    %broadcast_in_dim3A_1 = vector.broadcast %broadcast_in_dim3A : f32 to vector<16xf32>
    %scan3A = arith.constant 0 : i32
    %scan3A_2 = arith.constant 0 : i32
    %scan3A_3 = arith.constant 128 : i32
    %scan3A_4 = arith.addi %scan3A_2, %scan3A_3 : i32
    %scan3A_5 = arith.constant 1 : i32
    scf.for %scan3A_249 = %scan3A_2 to %scan3A_4 step %scan3A_5  : i32 {
      %swap3A = arith.index_cast %scan3A_249 : i32 to index
      %swap3A_250 = arith.constant 0 : index
      %swap3A_251 = tpu.vector_load %arg7[%swap3A, %swap3A_250] {strides = array<i32>} : memref<128x128xf32, #tpu.memory_space<vmem>>, vector<1x16xf32>,
      %swap3A_252 = vector.shape_cast %swap3A_251 : vector<1x16xf32> to vector<16xf32>
      %swap3A_253 = vector.shape_cast %broadcast_in_dim3A_1 : vector<16xf32> to vector<1x16xf32>
      tpu.vector_store %arg7[%swap3A, %swap3A_250], %swap3A_253 {strides = array<i32>} : memref<128x128xf32, #tpu.memory_space<vmem>>, vector<1x16xf32>,
      %swap3A_254 = arith.index_cast %scan3A_249 : i32 to index
      %swap3A_255 = arith.constant 16 : index
      %swap3A_256 = tpu.vector_load %arg7[%swap3A_254, %swap3A_255] {strides = array<i32>} : memref<128x128xf32, #tpu.memory_space<vmem>>, vector<1x16xf32>,
      %swap3A_257 = vector.shape_cast %swap3A_256 : vector<1x16xf32> to vector<16xf32>
      %swap3A_258 = vector.shape_cast %broadcast_in_dim3A_1 : vector<16xf32> to vector<1x16xf32>
      tpu.vector_store %arg7[%swap3A_254, %swap3A_255], %swap3A_258 {strides = array<i32>} : memref<128x128xf32, #tpu.memory_space<vmem>>, vector<1x16xf32>,
      %swap3A_259 = arith.index_cast %scan3A_249 : i32 to index
      %swap3A_260 = arith.constant 32 : index
      %swap3A_261 = tpu.vector_load %arg7[%swap3A_259, %swap3A_260] {strides = array<i32>} : memref<128x128xf32, #tpu.memory_space<vmem>>, vector<1x16xf32>,
      %swap3A_262 = vector.shape_cast %swap3A_261 : vector<1x16xf32> to vector<16xf32>
      %swap3A_263 = vector.shape_cast %broadcast_in_dim3A_1 : vector<16xf32> to vector<1x16xf32>
      tpu.vector_store %arg7[%swap3A_259, %swap3A_260], %swap3A_263 {strides = array<i32>} : memref<128x128xf32, #tpu.memory_space<vmem>>, vector<1x16xf32>,
      %swap3A_264 = arith.index_cast %scan3A_249 : i32 to index
      %swap3A_265 = arith.constant 48 : index
      %swap3A_266 = tpu.vector_load %arg7[%swap3A_264, %swap3A_265] {strides = array<i32>} : memref<128x128xf32, #tpu.memory_space<vmem>>, vector<1x16xf32>,
      %swap3A_267 = vector.shape_cast %swap3A_266 : vector<1x16xf32> to vector<16xf32>
      %swap3A_268 = vector.shape_cast %broadcast_in_dim3A_1 : vector<16xf32> to vector<1x16xf32>
      tpu.vector_store %arg7[%swap3A_264, %swap3A_265], %swap3A_268 {strides = array<i32>} : memref<128x128xf32, #tpu.memory_space<vmem>>, vector<1x16xf32>,
      %swap3A_269 = arith.index_cast %scan3A_249 : i32 to index
      %swap3A_270 = arith.constant 64 : index
      %swap3A_271 = tpu.vector_load %arg7[%swap3A_269, %swap3A_270] {strides = array<i32>} : memref<128x128xf32, #tpu.memory_space<vmem>>, vector<1x16xf32>,
      %swap3A_272 = vector.shape_cast %swap3A_271 : vector<1x16xf32> to vector<16xf32>
      %swap3A_273 = vector.shape_cast %broadcast_in_dim3A_1 : vector<16xf32> to vector<1x16xf32>
      tpu.vector_store %arg7[%swap3A_269, %swap3A_270], %swap3A_273 {strides = array<i32>} : memref<128x128xf32, #tpu.memory_space<vmem>>, vector<1x16xf32>,
      %swap3A_274 = arith.index_cast %scan3A_249 : i32 to index
      %swap3A_275 = arith.constant 80 : index
      %swap3A_276 = tpu.vector_load %arg7[%swap3A_274, %swap3A_275] {strides = array<i32>} : memref<128x128xf32, #tpu.memory_space<vmem>>, vector<1x16xf32>,
      %swap3A_277 = vector.shape_cast %swap3A_276 : vector<1x16xf32> to vector<16xf32>
      %swap3A_278 = vector.shape_cast %broadcast_in_dim3A_1 : vector<16xf32> to vector<1x16xf32>
      tpu.vector_store %arg7[%swap3A_274, %swap3A_275], %swap3A_278 {strides = array<i32>} : memref<128x128xf32, #tpu.memory_space<vmem>>, vector<1x16xf32>,
      %swap3A_279 = arith.index_cast %scan3A_249 : i32 to index
      %swap3A_280 = arith.constant 96 : index
      %swap3A_281 = tpu.vector_load %arg7[%swap3A_279, %swap3A_280] {strides = array<i32>} : memref<128x128xf32, #tpu.memory_space<vmem>>, vector<1x16xf32>,
      %swap3A_282 = vector.shape_cast %swap3A_281 : vector<1x16xf32> to vector<16xf32>
      %swap3A_283 = vector.shape_cast %broadcast_in_dim3A_1 : vector<16xf32> to vector<1x16xf32>
      tpu.vector_store %arg7[%swap3A_279, %swap3A_280], %swap3A_283 {strides = array<i32>} : memref<128x128xf32, #tpu.memory_space<vmem>>, vector<1x16xf32>,
      %swap3A_284 = arith.index_cast %scan3A_249 : i32 to index
      %swap3A_285 = arith.constant 112 : index
      %swap3A_286 = tpu.vector_load %arg7[%swap3A_284, %swap3A_285] {strides = array<i32>} : memref<128x128xf32, #tpu.memory_space<vmem>>, vector<1x16xf32>,
      %swap3A_287 = vector.shape_cast %swap3A_286 : vector<1x16xf32> to vector<16xf32>
      %swap3A_288 = vector.shape_cast %broadcast_in_dim3A_1 : vector<16xf32> to vector<1x16xf32>
      tpu.vector_store %arg7[%swap3A_284, %swap3A_285], %swap3A_288 {strides = array<i32>} : memref<128x128xf32, #tpu.memory_space<vmem>>, vector<1x16xf32>,
    }
    %scan3A_6 = arith.constant 128 : i32
    %mul3A_7 = arith.constant 640 : i32
    %mul3A_8 = arith.muli %arg1, %mul3A_7 : i32
    %add3A_9 = arith.constant 0 : i32
    %add3A_10 = arith.addi %mul3A_8, %add3A_9 : i32
    "tpu.region"() ({
      %run_scoped3A_249 = tpu.sem_alloc : memref<!tpu.dma_semaphore, #tpu.memory_space<semaphore_mem>>
      %dma_start3A_250 = arith.constant 0 : i32
      %dma_start3A_251 = tpu.memref_slice %arg9[%add3A_10, %dma_start3A_250] : memref<10240x128xf32, #tpu.memory_space<vmem_shared>> -> memref<128x128xf32, #tpu.memory_space<vmem_shared>>
      %dma_start3A_252 = arith.constant 0 : i32
      %dma_start3A_253 = tpu.memref_slice %arg9[%add3A_10, %dma_start3A_252] : memref<10240x128xf32, #tpu.memory_space<vmem_shared>> -> memref<128x128xf32, #tpu.memory_space<vmem_shared>>
      tpu.enqueue_dma source(%arg7 : memref<128x128xf32, #tpu.memory_space<vmem>>) target(%dma_start3A_253 : memref<128x128xf32, #tpu.memory_space<vmem_shared>>) target_semaphore(%run_scoped3A_249 : memref<!tpu.dma_semaphore, #tpu.memory_space<semaphore_mem>>)
      %dma_wait3A_254 = arith.constant 0 : i32
      %dma_wait3A_255 = tpu.memref_slice %arg9[%add3A_10, %dma_wait3A_254] : memref<10240x128xf32, #tpu.memory_space<vmem_shared>> -> memref<128x128xf32, #tpu.memory_space<vmem_shared>>
      %dma_wait3A_256 = arith.constant 0 : i32
      %dma_wait3A_257 = tpu.memref_slice %arg9[%add3A_10, %dma_wait3A_256] : memref<10240x128xf32, #tpu.memory_space<vmem_shared>> -> memref<128x128xf32, #tpu.memory_space<vmem_shared>>
      tpu.wait_dma2 semaphore(%run_scoped3A_249 : memref<!tpu.dma_semaphore, #tpu.memory_space<semaphore_mem>>) src(%arg7 : memref<128x128xf32, #tpu.memory_space<vmem>>) dst(%dma_wait3A_257 : memref<128x128xf32, #tpu.memory_space<vmem_shared>>)
      tpu.yield
    }) : () -> ()
    %mul3A_11 = arith.constant 640 : i32
    %mul3A_12 = arith.muli %arg1, %mul3A_11 : i32
    %add3A_13 = arith.constant 128 : i32
    %add3A_14 = arith.addi %mul3A_12, %add3A_13 : i32
    "tpu.region"() ({
      %run_scoped3A_249 = tpu.sem_alloc : memref<!tpu.dma_semaphore, #tpu.memory_space<semaphore_mem>>
      %dma_start3A_250 = arith.constant 0 : i32
      %dma_start3A_251 = tpu.memref_slice %arg9[%add3A_14, %dma_start3A_250] : memref<10240x128xf32, #tpu.memory_space<vmem_shared>> -> memref<128x128xf32, #tpu.memory_space<vmem_shared>>
      %dma_start3A_252 = arith.constant 0 : i32
      %dma_start3A_253 = tpu.memref_slice %arg9[%add3A_14, %dma_start3A_252] : memref<10240x128xf32, #tpu.memory_space<vmem_shared>> -> memref<128x128xf32, #tpu.memory_space<vmem_shared>>
      tpu.enqueue_dma source(%arg7 : memref<128x128xf32, #tpu.memory_space<vmem>>) target(%dma_start3A_253 : memref<128x128xf32, #tpu.memory_space<vmem_shared>>) target_semaphore(%run_scoped3A_249 : memref<!tpu.dma_semaphore, #tpu.memory_space<semaphore_mem>>)
      %dma_wait3A_254 = arith.constant 0 : i32
      %dma_wait3A_255 = tpu.memref_slice %arg9[%add3A_14, %dma_wait3A_254] : memref<10240x128xf32, #tpu.memory_space<vmem_shared>> -> memref<128x128xf32, #tpu.memory_space<vmem_shared>>
      %dma_wait3A_256 = arith.constant 0 : i32
      %dma_wait3A_257 = tpu.memref_slice %arg9[%add3A_14, %dma_wait3A_256] : memref<10240x128xf32, #tpu.memory_space<vmem_shared>> -> memref<128x128xf32, #tpu.memory_space<vmem_shared>>
      tpu.wait_dma2 semaphore(%run_scoped3A_249 : memref<!tpu.dma_semaphore, #tpu.memory_space<semaphore_mem>>) src(%arg7 : memref<128x128xf32, #tpu.memory_space<vmem>>) dst(%dma_wait3A_257 : memref<128x128xf32, #tpu.memory_space<vmem_shared>>)
      tpu.yield
    }) : () -> ()
    %mul3A_15 = arith.constant 640 : i32
    %mul3A_16 = arith.muli %arg1, %mul3A_15 : i32
    %add3A_17 = arith.constant 256 : i32
    %add3A_18 = arith.addi %mul3A_16, %add3A_17 : i32
    "tpu.region"() ({
      %run_scoped3A_249 = tpu.sem_alloc : memref<!tpu.dma_semaphore, #tpu.memory_space<semaphore_mem>>
      %dma_start3A_250 = arith.constant 0 : i32
      %dma_start3A_251 = tpu.memref_slice %arg9[%add3A_18, %dma_start3A_250] : memref<10240x128xf32, #tpu.memory_space<vmem_shared>> -> memref<128x128xf32, #tpu.memory_space<vmem_shared>>
      %dma_start3A_252 = arith.constant 0 : i32
      %dma_start3A_253 = tpu.memref_slice %arg9[%add3A_18, %dma_start3A_252] : memref<10240x128xf32, #tpu.memory_space<vmem_shared>> -> memref<128x128xf32, #tpu.memory_space<vmem_shared>>
      tpu.enqueue_dma source(%arg7 : memref<128x128xf32, #tpu.memory_space<vmem>>) target(%dma_start3A_253 : memref<128x128xf32, #tpu.memory_space<vmem_shared>>) target_semaphore(%run_scoped3A_249 : memref<!tpu.dma_semaphore, #tpu.memory_space<semaphore_mem>>)
      %dma_wait3A_254 = arith.constant 0 : i32
      %dma_wait3A_255 = tpu.memref_slice %arg9[%add3A_18, %dma_wait3A_254] : memref<10240x128xf32, #tpu.memory_space<vmem_shared>> -> memref<128x128xf32, #tpu.memory_space<vmem_shared>>
      %dma_wait3A_256 = arith.constant 0 : i32
      %dma_wait3A_257 = tpu.memref_slice %arg9[%add3A_18, %dma_wait3A_256] : memref<10240x128xf32, #tpu.memory_space<vmem_shared>> -> memref<128x128xf32, #tpu.memory_space<vmem_shared>>
      tpu.wait_dma2 semaphore(%run_scoped3A_249 : memref<!tpu.dma_semaphore, #tpu.memory_space<semaphore_mem>>) src(%arg7 : memref<128x128xf32, #tpu.memory_space<vmem>>) dst(%dma_wait3A_257 : memref<128x128xf32, #tpu.memory_space<vmem_shared>>)
      tpu.yield
    }) : () -> ()
    %mul3A_19 = arith.constant 640 : i32
    %mul3A_20 = arith.muli %arg1, %mul3A_19 : i32
    %add3A_21 = arith.constant 384 : i32
    %add3A_22 = arith.addi %mul3A_20, %add3A_21 : i32
    "tpu.region"() ({
      %run_scoped3A_249 = tpu.sem_alloc : memref<!tpu.dma_semaphore, #tpu.memory_space<semaphore_mem>>
      %dma_start3A_250 = arith.constant 0 : i32
      %dma_start3A_251 = tpu.memref_slice %arg9[%add3A_22, %dma_start3A_250] : memref<10240x128xf32, #tpu.memory_space<vmem_shared>> -> memref<128x128xf32, #tpu.memory_space<vmem_shared>>
      %dma_start3A_252 = arith.constant 0 : i32
      %dma_start3A_253 = tpu.memref_slice %arg9[%add3A_22, %dma_start3A_252] : memref<10240x128xf32, #tpu.memory_space<vmem_shared>> -> memref<128x128xf32, #tpu.memory_space<vmem_shared>>
      tpu.enqueue_dma source(%arg7 : memref<128x128xf32, #tpu.memory_space<vmem>>) target(%dma_start3A_253 : memref<128x128xf32, #tpu.memory_space<vmem_shared>>) target_semaphore(%run_scoped3A_249 : memref<!tpu.dma_semaphore, #tpu.memory_space<semaphore_mem>>)
      %dma_wait3A_254 = arith.constant 0 : i32
      %dma_wait3A_255 = tpu.memref_slice %arg9[%add3A_22, %dma_wait3A_254] : memref<10240x128xf32, #tpu.memory_space<vmem_shared>> -> memref<128x128xf32, #tpu.memory_space<vmem_shared>>
      %dma_wait3A_256 = arith.constant 0 : i32
      %dma_wait3A_257 = tpu.memref_slice %arg9[%add3A_22, %dma_wait3A_256] : memref<10240x128xf32, #tpu.memory_space<vmem_shared>> -> memref<128x128xf32, #tpu.memory_space<vmem_shared>>
      tpu.wait_dma2 semaphore(%run_scoped3A_249 : memref<!tpu.dma_semaphore, #tpu.memory_space<semaphore_mem>>) src(%arg7 : memref<128x128xf32, #tpu.memory_space<vmem>>) dst(%dma_wait3A_257 : memref<128x128xf32, #tpu.memory_space<vmem_shared>>)
      tpu.yield
    }) : () -> ()
    %mul3A_23 = arith.constant 640 : i32
    %mul3A_24 = arith.muli %arg1, %mul3A_23 : i32
    %add3A_25 = arith.constant 512 : i32
    %add3A_26 = arith.addi %mul3A_24, %add3A_25 : i32
    "tpu.region"() ({
      %run_scoped3A_249 = tpu.sem_alloc : memref<!tpu.dma_semaphore, #tpu.memory_space<semaphore_mem>>
      %dma_start3A_250 = arith.constant 0 : i32
      %dma_start3A_251 = tpu.memref_slice %arg9[%add3A_26, %dma_start3A_250] : memref<10240x128xf32, #tpu.memory_space<vmem_shared>> -> memref<128x128xf32, #tpu.memory_space<vmem_shared>>
      %dma_start3A_252 = arith.constant 0 : i32
      %dma_start3A_253 = tpu.memref_slice %arg9[%add3A_26, %dma_start3A_252] : memref<10240x128xf32, #tpu.memory_space<vmem_shared>> -> memref<128x128xf32, #tpu.memory_space<vmem_shared>>
      tpu.enqueue_dma source(%arg7 : memref<128x128xf32, #tpu.memory_space<vmem>>) target(%dma_start3A_253 : memref<128x128xf32, #tpu.memory_space<vmem_shared>>) target_semaphore(%run_scoped3A_249 : memref<!tpu.dma_semaphore, #tpu.memory_space<semaphore_mem>>)
      %dma_wait3A_254 = arith.constant 0 : i32
      %dma_wait3A_255 = tpu.memref_slice %arg9[%add3A_26, %dma_wait3A_254] : memref<10240x128xf32, #tpu.memory_space<vmem_shared>> -> memref<128x128xf32, #tpu.memory_space<vmem_shared>>
      %dma_wait3A_256 = arith.constant 0 : i32
      %dma_wait3A_257 = tpu.memref_slice %arg9[%add3A_26, %dma_wait3A_256] : memref<10240x128xf32, #tpu.memory_space<vmem_shared>> -> memref<128x128xf32, #tpu.memory_space<vmem_shared>>
      tpu.wait_dma2 semaphore(%run_scoped3A_249 : memref<!tpu.dma_semaphore, #tpu.memory_space<semaphore_mem>>) src(%arg7 : memref<128x128xf32, #tpu.memory_space<vmem>>) dst(%dma_wait3A_257 : memref<128x128xf32, #tpu.memory_space<vmem_shared>>)
      tpu.yield
    }) : () -> ()
    %run_scoped3A = arith.constant 0 : i32
    "tpu.region"() ({
      %run_scoped3A_249 = tpu.sem_alloc : memref<!tpu.dma_semaphore, #tpu.memory_space<semaphore_mem>>
      %dma_start3A_250 = arith.constant 0 : i32
      %dma_start3A_251 = arith.constant 0 : i32
      %dma_start3A_252 = tpu.memref_slice %arg3[%run_scoped3A, %add3A, %dma_start3A_250, %dma_start3A_251] : memref<2x32x80x128xi32, #tpu.memory_space<hbm>> -> memref<1x1x40x128xi32, #tpu.memory_space<hbm>>
      %dma_start3A_253 = tpu.memref_squeeze %dma_start3A_252 : memref<1x1x40x128xi32, #tpu.memory_space<hbm>> -> memref<40x128xi32, #tpu.memory_space<hbm>>
      %dma_start3A_254 = arith.constant 0 : i32
      %dma_start3A_255 = arith.constant 0 : i32
      %dma_start3A_256 = tpu.memref_slice %arg3[%run_scoped3A, %add3A, %dma_start3A_254, %dma_start3A_255] : memref<2x32x80x128xi32, #tpu.memory_space<hbm>> -> memref<1x1x40x128xi32, #tpu.memory_space<hbm>>
      %dma_start3A_257 = tpu.memref_squeeze %dma_start3A_256 : memref<1x1x40x128xi32, #tpu.memory_space<hbm>> -> memref<40x128xi32, #tpu.memory_space<hbm>>
      tpu.enqueue_dma source(%dma_start3A_257 : memref<40x128xi32, #tpu.memory_space<hbm>>) target(%arg5 : memref<40x128xi32, #tpu.memory_space<vmem>>) target_semaphore(%run_scoped3A_249 : memref<!tpu.dma_semaphore, #tpu.memory_space<semaphore_mem>>)
      %dma_wait3A_258 = arith.constant 0 : i32
      %dma_wait3A_259 = arith.constant 0 : i32
      %dma_wait3A_260 = tpu.memref_slice %arg3[%run_scoped3A, %add3A, %dma_wait3A_258, %dma_wait3A_259] : memref<2x32x80x128xi32, #tpu.memory_space<hbm>> -> memref<1x1x40x128xi32, #tpu.memory_space<hbm>>
      %dma_wait3A_261 = tpu.memref_squeeze %dma_wait3A_260 : memref<1x1x40x128xi32, #tpu.memory_space<hbm>> -> memref<40x128xi32, #tpu.memory_space<hbm>>
      %dma_wait3A_262 = arith.constant 0 : i32
      %dma_wait3A_263 = arith.constant 0 : i32
      %dma_wait3A_264 = tpu.memref_slice %arg3[%run_scoped3A, %add3A, %dma_wait3A_262, %dma_wait3A_263] : memref<2x32x80x128xi32, #tpu.memory_space<hbm>> -> memref<1x1x40x128xi32, #tpu.memory_space<hbm>>
      %dma_wait3A_265 = tpu.memref_squeeze %dma_wait3A_264 : memref<1x1x40x128xi32, #tpu.memory_space<hbm>> -> memref<40x128xi32, #tpu.memory_space<hbm>>
      tpu.wait_dma2 semaphore(%run_scoped3A_249 : memref<!tpu.dma_semaphore, #tpu.memory_space<semaphore_mem>>) src(%dma_wait3A_265 : memref<40x128xi32, #tpu.memory_space<hbm>>) dst(%arg5 : memref<40x128xi32, #tpu.memory_space<vmem>>)
      tpu.yield
    }) : () -> ()
    %run_scoped3A_27 = arith.constant 1 : i32
    "tpu.region"() ({
      %run_scoped3A_249 = tpu.sem_alloc : memref<!tpu.dma_semaphore, #tpu.memory_space<semaphore_mem>>
      %dma_start3A_250 = arith.constant 0 : i32
      %dma_start3A_251 = arith.constant 0 : i32
      %dma_start3A_252 = tpu.memref_slice %arg3[%run_scoped3A_27, %add3A, %dma_start3A_250, %dma_start3A_251] : memref<2x32x80x128xi32, #tpu.memory_space<hbm>> -> memref<1x1x40x128xi32, #tpu.memory_space<hbm>>
      %dma_start3A_253 = tpu.memref_squeeze %dma_start3A_252 : memref<1x1x40x128xi32, #tpu.memory_space<hbm>> -> memref<40x128xi32, #tpu.memory_space<hbm>>
      %dma_start3A_254 = arith.constant 0 : i32
      %dma_start3A_255 = arith.constant 0 : i32
      %dma_start3A_256 = tpu.memref_slice %arg3[%run_scoped3A_27, %add3A, %dma_start3A_254, %dma_start3A_255] : memref<2x32x80x128xi32, #tpu.memory_space<hbm>> -> memref<1x1x40x128xi32, #tpu.memory_space<hbm>>
      %dma_start3A_257 = tpu.memref_squeeze %dma_start3A_256 : memref<1x1x40x128xi32, #tpu.memory_space<hbm>> -> memref<40x128xi32, #tpu.memory_space<hbm>>
      tpu.enqueue_dma source(%dma_start3A_257 : memref<40x128xi32, #tpu.memory_space<hbm>>) target(%arg6 : memref<40x128xi32, #tpu.memory_space<vmem>>) target_semaphore(%run_scoped3A_249 : memref<!tpu.dma_semaphore, #tpu.memory_space<semaphore_mem>>)
      %dma_wait3A_258 = arith.constant 0 : i32
      %dma_wait3A_259 = arith.constant 0 : i32
      %dma_wait3A_260 = tpu.memref_slice %arg3[%run_scoped3A_27, %add3A, %dma_wait3A_258, %dma_wait3A_259] : memref<2x32x80x128xi32, #tpu.memory_space<hbm>> -> memref<1x1x40x128xi32, #tpu.memory_space<hbm>>
      %dma_wait3A_261 = tpu.memref_squeeze %dma_wait3A_260 : memref<1x1x40x128xi32, #tpu.memory_space<hbm>> -> memref<40x128xi32, #tpu.memory_space<hbm>>
      %dma_wait3A_262 = arith.constant 0 : i32
      %dma_wait3A_263 = arith.constant 0 : i32
      %dma_wait3A_264 = tpu.memref_slice %arg3[%run_scoped3A_27, %add3A, %dma_wait3A_262, %dma_wait3A_263] : memref<2x32x80x128xi32, #tpu.memory_space<hbm>> -> memref<1x1x40x128xi32, #tpu.memory_space<hbm>>
      %dma_wait3A_265 = tpu.memref_squeeze %dma_wait3A_264 : memref<1x1x40x128xi32, #tpu.memory_space<hbm>> -> memref<40x128xi32, #tpu.memory_space<hbm>>
      tpu.wait_dma2 semaphore(%run_scoped3A_249 : memref<!tpu.dma_semaphore, #tpu.memory_space<semaphore_mem>>) src(%dma_wait3A_265 : memref<40x128xi32, #tpu.memory_space<hbm>>) dst(%arg6 : memref<40x128xi32, #tpu.memory_space<vmem>>)
      tpu.yield
    }) : () -> ()
    %dma_start3A = arith.constant 0 : i32
    %dma_start3A_28 = arith.constant 0 : i32
    %dma_start3A_29 = tpu.memref_slice %arg5[%dma_start3A, %dma_start3A_28] : memref<40x128xi32, #tpu.memory_space<vmem>> -> memref<1x128xi32, #tpu.memory_space<vmem>>
    %dma_start3A_30 = tpu.memref_squeeze %dma_start3A_29 : memref<1x128xi32, #tpu.memory_space<vmem>> -> memref<128xi32, #tpu.memory_space<vmem>>
    %dma_start3A_31 = arith.constant 0 : i32
    %dma_start3A_32 = arith.constant 0 : i32
    %dma_start3A_33 = tpu.memref_slice %arg2[%dma_start3A_31, %dma_start3A_32] : memref<10000x128xf32, #tpu.memory_space<hbm>> -> memref<10000x128xf32, #tpu.memory_space<hbm>>
    tpu.enqueue_indirect_dma source(%dma_start3A_33 : memref<10000x128xf32, #tpu.memory_space<hbm>>) target(%arg7 : memref<128x128xf32, #tpu.memory_space<vmem>>) offsets(%dma_start3A_30 : memref<128xi32, #tpu.memory_space<vmem>>) semaphore(%arg10 : memref<!tpu.dma_semaphore, #tpu.memory_space<semaphore_mem>>)
    %dma_start3A_34 = arith.constant 1 : i32
    %dma_start3A_35 = arith.constant 0 : i32
    %dma_start3A_36 = tpu.memref_slice %arg5[%dma_start3A_34, %dma_start3A_35] : memref<40x128xi32, #tpu.memory_space<vmem>> -> memref<1x128xi32, #tpu.memory_space<vmem>>
    %dma_start3A_37 = tpu.memref_squeeze %dma_start3A_36 : memref<1x128xi32, #tpu.memory_space<vmem>> -> memref<128xi32, #tpu.memory_space<vmem>>
    %dma_start3A_38 = arith.constant 0 : i32
    %dma_start3A_39 = arith.constant 0 : i32
    %dma_start3A_40 = tpu.memref_slice %arg2[%dma_start3A_38, %dma_start3A_39] : memref<10000x128xf32, #tpu.memory_space<hbm>> -> memref<10000x128xf32, #tpu.memory_space<hbm>>
    tpu.enqueue_indirect_dma source(%dma_start3A_40 : memref<10000x128xf32, #tpu.memory_space<hbm>>) target(%arg8 : memref<128x128xf32, #tpu.memory_space<vmem>>) offsets(%dma_start3A_37 : memref<128xi32, #tpu.memory_space<vmem>>) semaphore(%arg11 : memref<!tpu.dma_semaphore, #tpu.memory_space<semaphore_mem>>)
    %barrier3A = arith.constant 0 : index
    tpu.barrier barrier_id(%barrier3A)
    %scan3A_41 = arith.constant 0 : i32
    %scan3A_42 = arith.constant 0 : i32
    %scan3A_43 = arith.constant 20 : i32
    %scan3A_44 = arith.addi %scan3A_42, %scan3A_43 : i32
    %scan3A_45 = arith.constant 1 : i32
    scf.for %scan3A_249 = %scan3A_42 to %scan3A_44 step %scan3A_45  : i32 {
      %mul3A_250 = arith.constant 2 : i32
      %mul3A_251 = arith.muli %scan3A_249, %mul3A_250 : i32
      %add3A_252 = arith.constant 0 : i32
      %add3A_253 = arith.addi %mul3A_251, %add3A_252 : i32
      %dma_wait3A_254 = arith.constant 0 : i32
      %dma_wait3A_255 = tpu.memref_slice %arg5[%add3A_253, %dma_wait3A_254] : memref<40x128xi32, #tpu.memory_space<vmem>> -> memref<1x128xi32, #tpu.memory_space<vmem>>
      %dma_wait3A_256 = tpu.memref_squeeze %dma_wait3A_255 : memref<1x128xi32, #tpu.memory_space<vmem>> -> memref<128xi32, #tpu.memory_space<vmem>>
      %dma_wait3A_257 = arith.constant 0 : i32
      %dma_wait3A_258 = arith.constant 0 : i32
      %dma_wait3A_259 = tpu.memref_slice %arg2[%dma_wait3A_257, %dma_wait3A_258] : memref<10000x128xf32, #tpu.memory_space<hbm>> -> memref<10000x128xf32, #tpu.memory_space<hbm>>
      tpu.wait_indirect_dma semaphore(%arg10 : memref<!tpu.dma_semaphore, #tpu.memory_space<semaphore_mem>>) src(%dma_wait3A_259 : memref<10000x128xf32, #tpu.memory_space<hbm>>) dst(%arg7 : memref<128x128xf32, #tpu.memory_space<vmem>>)
      "tpu.region"() ({
        %run_scoped3A_281 = tpu.sem_alloc : memref<!tpu.dma_semaphore, #tpu.memory_space<semaphore_mem>>
        %dma_start3A_282 = arith.constant 0 : i32
        %dma_start3A_283 = tpu.memref_slice %arg6[%add3A_253, %dma_start3A_282] : memref<40x128xi32, #tpu.memory_space<vmem>> -> memref<1x128xi32, #tpu.memory_space<vmem>>
        %dma_start3A_284 = tpu.memref_squeeze %dma_start3A_283 : memref<1x128xi32, #tpu.memory_space<vmem>> -> memref<128xi32, #tpu.memory_space<vmem>>
        %dma_start3A_285 = arith.constant 0 : i32
        %dma_start3A_286 = arith.constant 0 : i32
        %dma_start3A_287 = tpu.memref_slice %arg9[%dma_start3A_285, %dma_start3A_286] : memref<10240x128xf32, #tpu.memory_space<vmem_shared>> -> memref<10240x128xf32, #tpu.memory_space<vmem_shared>>
        tpu.enqueue_indirect_dma source(%arg7 : memref<128x128xf32, #tpu.memory_space<vmem>>) target(%dma_start3A_287 : memref<10240x128xf32, #tpu.memory_space<vmem_shared>>) offsets(%dma_start3A_284 : memref<128xi32, #tpu.memory_space<vmem>>) semaphore(%run_scoped3A_281 : memref<!tpu.dma_semaphore, #tpu.memory_space<semaphore_mem>>) {add = true}
        %dma_wait3A_288 = arith.constant 0 : i32
        %dma_wait3A_289 = tpu.memref_slice %arg6[%add3A_253, %dma_wait3A_288] : memref<40x128xi32, #tpu.memory_space<vmem>> -> memref<1x128xi32, #tpu.memory_space<vmem>>
        %dma_wait3A_290 = tpu.memref_squeeze %dma_wait3A_289 : memref<1x128xi32, #tpu.memory_space<vmem>> -> memref<128xi32, #tpu.memory_space<vmem>>
        %dma_wait3A_291 = arith.constant 0 : i32
        %dma_wait3A_292 = arith.constant 0 : i32
        %dma_wait3A_293 = tpu.memref_slice %arg9[%dma_wait3A_291, %dma_wait3A_292] : memref<10240x128xf32, #tpu.memory_space<vmem_shared>> -> memref<10240x128xf32, #tpu.memory_space<vmem_shared>>
        tpu.wait_indirect_dma semaphore(%run_scoped3A_281 : memref<!tpu.dma_semaphore, #tpu.memory_space<semaphore_mem>>) src(%arg7 : memref<128x128xf32, #tpu.memory_space<vmem>>) dst(%dma_wait3A_293 : memref<10240x128xf32, #tpu.memory_space<vmem_shared>>)
        tpu.yield
      }) : () -> ()
      %add3A_260 = arith.constant 2 : i32
      %add3A_261 = arith.addi %add3A_253, %add3A_260 : i32
      %lt3A = arith.constant 40 : i32
      %lt3A_262 = arith.cmpi slt, %add3A_261, %lt3A : i32
      %convert_element_type3A = arith.extui %lt3A_262 : i1 to i32
      %cond3A = arith.constant 0 : i32
      %cond3A_263 = arith.cmpi ne, %convert_element_type3A, %cond3A : i32
      scf.if %cond3A_263 {
        %dma_start3A_281 = arith.constant 0 : i32
        %dma_start3A_282 = tpu.memref_slice %arg5[%add3A_261, %dma_start3A_281] : memref<40x128xi32, #tpu.memory_space<vmem>> -> memref<1x128xi32, #tpu.memory_space<vmem>>
        %dma_start3A_283 = tpu.memref_squeeze %dma_start3A_282 : memref<1x128xi32, #tpu.memory_space<vmem>> -> memref<128xi32, #tpu.memory_space<vmem>>
        %dma_start3A_284 = arith.constant 0 : i32
        %dma_start3A_285 = arith.constant 0 : i32
        %dma_start3A_286 = tpu.memref_slice %arg2[%dma_start3A_284, %dma_start3A_285] : memref<10000x128xf32, #tpu.memory_space<hbm>> -> memref<10000x128xf32, #tpu.memory_space<hbm>>
        tpu.enqueue_indirect_dma source(%dma_start3A_286 : memref<10000x128xf32, #tpu.memory_space<hbm>>) target(%arg7 : memref<128x128xf32, #tpu.memory_space<vmem>>) offsets(%dma_start3A_283 : memref<128xi32, #tpu.memory_space<vmem>>) semaphore(%arg10 : memref<!tpu.dma_semaphore, #tpu.memory_space<semaphore_mem>>)
      } else {
      }
      %mul3A_264 = arith.constant 2 : i32
      %mul3A_265 = arith.muli %scan3A_249, %mul3A_264 : i32
      %add3A_266 = arith.constant 1 : i32
      %add3A_267 = arith.addi %mul3A_265, %add3A_266 : i32
      %dma_wait3A_268 = arith.constant 0 : i32
      %dma_wait3A_269 = tpu.memref_slice %arg5[%add3A_267, %dma_wait3A_268] : memref<40x128xi32, #tpu.memory_space<vmem>> -> memref<1x128xi32, #tpu.memory_space<vmem>>
      %dma_wait3A_270 = tpu.memref_squeeze %dma_wait3A_269 : memref<1x128xi32, #tpu.memory_space<vmem>> -> memref<128xi32, #tpu.memory_space<vmem>>
      %dma_wait3A_271 = arith.constant 0 : i32
      %dma_wait3A_272 = arith.constant 0 : i32
      %dma_wait3A_273 = tpu.memref_slice %arg2[%dma_wait3A_271, %dma_wait3A_272] : memref<10000x128xf32, #tpu.memory_space<hbm>> -> memref<10000x128xf32, #tpu.memory_space<hbm>>
      tpu.wait_indirect_dma semaphore(%arg11 : memref<!tpu.dma_semaphore, #tpu.memory_space<semaphore_mem>>) src(%dma_wait3A_273 : memref<10000x128xf32, #tpu.memory_space<hbm>>) dst(%arg8 : memref<128x128xf32, #tpu.memory_space<vmem>>)
      "tpu.region"() ({
        %run_scoped3A_281 = tpu.sem_alloc : memref<!tpu.dma_semaphore, #tpu.memory_space<semaphore_mem>>
        %dma_start3A_282 = arith.constant 0 : i32
        %dma_start3A_283 = tpu.memref_slice %arg6[%add3A_267, %dma_start3A_282] : memref<40x128xi32, #tpu.memory_space<vmem>> -> memref<1x128xi32, #tpu.memory_space<vmem>>
        %dma_start3A_284 = tpu.memref_squeeze %dma_start3A_283 : memref<1x128xi32, #tpu.memory_space<vmem>> -> memref<128xi32, #tpu.memory_space<vmem>>
        %dma_start3A_285 = arith.constant 0 : i32
        %dma_start3A_286 = arith.constant 0 : i32
        %dma_start3A_287 = tpu.memref_slice %arg9[%dma_start3A_285, %dma_start3A_286] : memref<10240x128xf32, #tpu.memory_space<vmem_shared>> -> memref<10240x128xf32, #tpu.memory_space<vmem_shared>>
        tpu.enqueue_indirect_dma source(%arg8 : memref<128x128xf32, #tpu.memory_space<vmem>>) target(%dma_start3A_287 : memref<10240x128xf32, #tpu.memory_space<vmem_shared>>) offsets(%dma_start3A_284 : memref<128xi32, #tpu.memory_space<vmem>>) semaphore(%run_scoped3A_281 : memref<!tpu.dma_semaphore, #tpu.memory_space<semaphore_mem>>) {add = true}
        %dma_wait3A_288 = arith.constant 0 : i32
        %dma_wait3A_289 = tpu.memref_slice %arg6[%add3A_267, %dma_wait3A_288] : memref<40x128xi32, #tpu.memory_space<vmem>> -> memref<1x128xi32, #tpu.memory_space<vmem>>
        %dma_wait3A_290 = tpu.memref_squeeze %dma_wait3A_289 : memref<1x128xi32, #tpu.memory_space<vmem>> -> memref<128xi32, #tpu.memory_space<vmem>>
        %dma_wait3A_291 = arith.constant 0 : i32
        %dma_wait3A_292 = arith.constant 0 : i32
        %dma_wait3A_293 = tpu.memref_slice %arg9[%dma_wait3A_291, %dma_wait3A_292] : memref<10240x128xf32, #tpu.memory_space<vmem_shared>> -> memref<10240x128xf32, #tpu.memory_space<vmem_shared>>
        tpu.wait_indirect_dma semaphore(%run_scoped3A_281 : memref<!tpu.dma_semaphore, #tpu.memory_space<semaphore_mem>>) src(%arg8 : memref<128x128xf32, #tpu.memory_space<vmem>>) dst(%dma_wait3A_293 : memref<10240x128xf32, #tpu.memory_space<vmem_shared>>)
        tpu.yield
      }) : () -> ()
      %add3A_274 = arith.constant 2 : i32
      %add3A_275 = arith.addi %add3A_267, %add3A_274 : i32
      %lt3A_276 = arith.constant 40 : i32
      %lt3A_277 = arith.cmpi slt, %add3A_275, %lt3A_276 : i32
      %convert_element_type3A_278 = arith.extui %lt3A_277 : i1 to i32
      %cond3A_279 = arith.constant 0 : i32
      %cond3A_280 = arith.cmpi ne, %convert_element_type3A_278, %cond3A_279 : i32
      scf.if %cond3A_280 {
        %dma_start3A_281 = arith.constant 0 : i32
        %dma_start3A_282 = tpu.memref_slice %arg5[%add3A_275, %dma_start3A_281] : memref<40x128xi32, #tpu.memory_space<vmem>> -> memref<1x128xi32, #tpu.memory_space<vmem>>
        %dma_start3A_283 = tpu.memref_squeeze %dma_start3A_282 : memref<1x128xi32, #tpu.memory_space<vmem>> -> memref<128xi32, #tpu.memory_space<vmem>>
        %dma_start3A_284 = arith.constant 0 : i32
        %dma_start3A_285 = arith.constant 0 : i32
        %dma_start3A_286 = tpu.memref_slice %arg2[%dma_start3A_284, %dma_start3A_285] : memref<10000x128xf32, #tpu.memory_space<hbm>> -> memref<10000x128xf32, #tpu.memory_space<hbm>>
        tpu.enqueue_indirect_dma source(%dma_start3A_286 : memref<10000x128xf32, #tpu.memory_space<hbm>>) target(%arg8 : memref<128x128xf32, #tpu.memory_space<vmem>>) offsets(%dma_start3A_283 : memref<128xi32, #tpu.memory_space<vmem>>) semaphore(%arg11 : memref<!tpu.dma_semaphore, #tpu.memory_space<semaphore_mem>>)
      } else {
      }
    }
    %scan3A_46 = arith.constant 20 : i32
    %run_scoped3A_47 = arith.constant 0 : i32
    "tpu.region"() ({
      %run_scoped3A_249 = tpu.sem_alloc : memref<!tpu.dma_semaphore, #tpu.memory_space<semaphore_mem>>
      %dma_start3A_250 = arith.constant 40 : i32
      %dma_start3A_251 = arith.constant 0 : i32
      %dma_start3A_252 = tpu.memref_slice %arg3[%run_scoped3A_47, %add3A, %dma_start3A_250, %dma_start3A_251] : memref<2x32x80x128xi32, #tpu.memory_space<hbm>> -> memref<1x1x40x128xi32, #tpu.memory_space<hbm>>
      %dma_start3A_253 = tpu.memref_squeeze %dma_start3A_252 : memref<1x1x40x128xi32, #tpu.memory_space<hbm>> -> memref<40x128xi32, #tpu.memory_space<hbm>>
      %dma_start3A_254 = arith.constant 40 : i32
      %dma_start3A_255 = arith.constant 0 : i32
      %dma_start3A_256 = tpu.memref_slice %arg3[%run_scoped3A_47, %add3A, %dma_start3A_254, %dma_start3A_255] : memref<2x32x80x128xi32, #tpu.memory_space<hbm>> -> memref<1x1x40x128xi32, #tpu.memory_space<hbm>>
      %dma_start3A_257 = tpu.memref_squeeze %dma_start3A_256 : memref<1x1x40x128xi32, #tpu.memory_space<hbm>> -> memref<40x128xi32, #tpu.memory_space<hbm>>
      tpu.enqueue_dma source(%dma_start3A_257 : memref<40x128xi32, #tpu.memory_space<hbm>>) target(%arg5 : memref<40x128xi32, #tpu.memory_space<vmem>>) target_semaphore(%run_scoped3A_249 : memref<!tpu.dma_semaphore, #tpu.memory_space<semaphore_mem>>)
      %dma_wait3A_258 = arith.constant 40 : i32
      %dma_wait3A_259 = arith.constant 0 : i32
      %dma_wait3A_260 = tpu.memref_slice %arg3[%run_scoped3A_47, %add3A, %dma_wait3A_258, %dma_wait3A_259] : memref<2x32x80x128xi32, #tpu.memory_space<hbm>> -> memref<1x1x40x128xi32, #tpu.memory_space<hbm>>
      %dma_wait3A_261 = tpu.memref_squeeze %dma_wait3A_260 : memref<1x1x40x128xi32, #tpu.memory_space<hbm>> -> memref<40x128xi32, #tpu.memory_space<hbm>>
      %dma_wait3A_262 = arith.constant 40 : i32
      %dma_wait3A_263 = arith.constant 0 : i32
      %dma_wait3A_264 = tpu.memref_slice %arg3[%run_scoped3A_47, %add3A, %dma_wait3A_262, %dma_wait3A_263] : memref<2x32x80x128xi32, #tpu.memory_space<hbm>> -> memref<1x1x40x128xi32, #tpu.memory_space<hbm>>
      %dma_wait3A_265 = tpu.memref_squeeze %dma_wait3A_264 : memref<1x1x40x128xi32, #tpu.memory_space<hbm>> -> memref<40x128xi32, #tpu.memory_space<hbm>>
      tpu.wait_dma2 semaphore(%run_scoped3A_249 : memref<!tpu.dma_semaphore, #tpu.memory_space<semaphore_mem>>) src(%dma_wait3A_265 : memref<40x128xi32, #tpu.memory_space<hbm>>) dst(%arg5 : memref<40x128xi32, #tpu.memory_space<vmem>>)
      tpu.yield
    }) : () -> ()
    %run_scoped3A_48 = arith.constant 1 : i32
    "tpu.region"() ({
      %run_scoped3A_249 = tpu.sem_alloc : memref<!tpu.dma_semaphore, #tpu.memory_space<semaphore_mem>>
      %dma_start3A_250 = arith.constant 40 : i32
      %dma_start3A_251 = arith.constant 0 : i32
      %dma_start3A_252 = tpu.memref_slice %arg3[%run_scoped3A_48, %add3A, %dma_start3A_250, %dma_start3A_251] : memref<2x32x80x128xi32, #tpu.memory_space<hbm>> -> memref<1x1x40x128xi32, #tpu.memory_space<hbm>>
      %dma_start3A_253 = tpu.memref_squeeze %dma_start3A_252 : memref<1x1x40x128xi32, #tpu.memory_space<hbm>> -> memref<40x128xi32, #tpu.memory_space<hbm>>
      %dma_start3A_254 = arith.constant 40 : i32
      %dma_start3A_255 = arith.constant 0 : i32
      %dma_start3A_256 = tpu.memref_slice %arg3[%run_scoped3A_48, %add3A, %dma_start3A_254, %dma_start3A_255] : memref<2x32x80x128xi32, #tpu.memory_space<hbm>> -> memref<1x1x40x128xi32, #tpu.memory_space<hbm>>
      %dma_start3A_257 = tpu.memref_squeeze %dma_start3A_256 : memref<1x1x40x128xi32, #tpu.memory_space<hbm>> -> memref<40x128xi32, #tpu.memory_space<hbm>>
      tpu.enqueue_dma source(%dma_start3A_257 : memref<40x128xi32, #tpu.memory_space<hbm>>) target(%arg6 : memref<40x128xi32, #tpu.memory_space<vmem>>) target_semaphore(%run_scoped3A_249 : memref<!tpu.dma_semaphore, #tpu.memory_space<semaphore_mem>>)
      %dma_wait3A_258 = arith.constant 40 : i32
      %dma_wait3A_259 = arith.constant 0 : i32
      %dma_wait3A_260 = tpu.memref_slice %arg3[%run_scoped3A_48, %add3A, %dma_wait3A_258, %dma_wait3A_259] : memref<2x32x80x128xi32, #tpu.memory_space<hbm>> -> memref<1x1x40x128xi32, #tpu.memory_space<hbm>>
      %dma_wait3A_261 = tpu.memref_squeeze %dma_wait3A_260 : memref<1x1x40x128xi32, #tpu.memory_space<hbm>> -> memref<40x128xi32, #tpu.memory_space<hbm>>
      %dma_wait3A_262 = arith.constant 40 : i32
      %dma_wait3A_263 = arith.constant 0 : i32
      %dma_wait3A_264 = tpu.memref_slice %arg3[%run_scoped3A_48, %add3A, %dma_wait3A_262, %dma_wait3A_263] : memref<2x32x80x128xi32, #tpu.memory_space<hbm>> -> memref<1x1x40x128xi32, #tpu.memory_space<hbm>>
      %dma_wait3A_265 = tpu.memref_squeeze %dma_wait3A_264 : memref<1x1x40x128xi32, #tpu.memory_space<hbm>> -> memref<40x128xi32, #tpu.memory_space<hbm>>
      tpu.wait_dma2 semaphore(%run_scoped3A_249 : memref<!tpu.dma_semaphore, #tpu.memory_space<semaphore_mem>>) src(%dma_wait3A_265 : memref<40x128xi32, #tpu.memory_space<hbm>>) dst(%arg6 : memref<40x128xi32, #tpu.memory_space<vmem>>)
      tpu.yield
    }) : () -> ()
    %dma_start3A_49 = arith.constant 0 : i32
    %dma_start3A_50 = arith.constant 0 : i32
    %dma_start3A_51 = tpu.memref_slice %arg5[%dma_start3A_49, %dma_start3A_50] : memref<40x128xi32, #tpu.memory_space<vmem>> -> memref<1x128xi32, #tpu.memory_space<vmem>>
    %dma_start3A_52 = tpu.memref_squeeze %dma_start3A_51 : memref<1x128xi32, #tpu.memory_space<vmem>> -> memref<128xi32, #tpu.memory_space<vmem>>
    %dma_start3A_53 = arith.constant 0 : i32
    %dma_start3A_54 = arith.constant 0 : i32
    %dma_start3A_55 = tpu.memref_slice %arg2[%dma_start3A_53, %dma_start3A_54] : memref<10000x128xf32, #tpu.memory_space<hbm>> -> memref<10000x128xf32, #tpu.memory_space<hbm>>
    tpu.enqueue_indirect_dma source(%dma_start3A_55 : memref<10000x128xf32, #tpu.memory_space<hbm>>) target(%arg7 : memref<128x128xf32, #tpu.memory_space<vmem>>) offsets(%dma_start3A_52 : memref<128xi32, #tpu.memory_space<vmem>>) semaphore(%arg10 : memref<!tpu.dma_semaphore, #tpu.memory_space<semaphore_mem>>)
    %dma_start3A_56 = arith.constant 1 : i32
    %dma_start3A_57 = arith.constant 0 : i32
    %dma_start3A_58 = tpu.memref_slice %arg5[%dma_start3A_56, %dma_start3A_57] : memref<40x128xi32, #tpu.memory_space<vmem>> -> memref<1x128xi32, #tpu.memory_space<vmem>>
    %dma_start3A_59 = tpu.memref_squeeze %dma_start3A_58 : memref<1x128xi32, #tpu.memory_space<vmem>> -> memref<128xi32, #tpu.memory_space<vmem>>
    %dma_start3A_60 = arith.constant 0 : i32
    %dma_start3A_61 = arith.constant 0 : i32
    %dma_start3A_62 = tpu.memref_slice %arg2[%dma_start3A_60, %dma_start3A_61] : memref<10000x128xf32, #tpu.memory_space<hbm>> -> memref<10000x128xf32, #tpu.memory_space<hbm>>
    tpu.enqueue_indirect_dma source(%dma_start3A_62 : memref<10000x128xf32, #tpu.memory_space<hbm>>) target(%arg8 : memref<128x128xf32, #tpu.memory_space<vmem>>) offsets(%dma_start3A_59 : memref<128xi32, #tpu.memory_space<vmem>>) semaphore(%arg11 : memref<!tpu.dma_semaphore, #tpu.memory_space<semaphore_mem>>)
    %scan3A_63 = arith.constant 0 : i32
    %scan3A_64 = arith.constant 0 : i32
    %scan3A_65 = arith.constant 20 : i32
    %scan3A_66 = arith.addi %scan3A_64, %scan3A_65 : i32
    %scan3A_67 = arith.constant 1 : i32
    scf.for %scan3A_249 = %scan3A_64 to %scan3A_66 step %scan3A_67  : i32 {
      %mul3A_250 = arith.constant 2 : i32
      %mul3A_251 = arith.muli %scan3A_249, %mul3A_250 : i32
      %add3A_252 = arith.constant 0 : i32
      %add3A_253 = arith.addi %mul3A_251, %add3A_252 : i32
      %dma_wait3A_254 = arith.constant 0 : i32
      %dma_wait3A_255 = tpu.memref_slice %arg5[%add3A_253, %dma_wait3A_254] : memref<40x128xi32, #tpu.memory_space<vmem>> -> memref<1x128xi32, #tpu.memory_space<vmem>>
      %dma_wait3A_256 = tpu.memref_squeeze %dma_wait3A_255 : memref<1x128xi32, #tpu.memory_space<vmem>> -> memref<128xi32, #tpu.memory_space<vmem>>
      %dma_wait3A_257 = arith.constant 0 : i32
      %dma_wait3A_258 = arith.constant 0 : i32
      %dma_wait3A_259 = tpu.memref_slice %arg2[%dma_wait3A_257, %dma_wait3A_258] : memref<10000x128xf32, #tpu.memory_space<hbm>> -> memref<10000x128xf32, #tpu.memory_space<hbm>>
      tpu.wait_indirect_dma semaphore(%arg10 : memref<!tpu.dma_semaphore, #tpu.memory_space<semaphore_mem>>) src(%dma_wait3A_259 : memref<10000x128xf32, #tpu.memory_space<hbm>>) dst(%arg7 : memref<128x128xf32, #tpu.memory_space<vmem>>)
      "tpu.region"() ({
        %run_scoped3A_281 = tpu.sem_alloc : memref<!tpu.dma_semaphore, #tpu.memory_space<semaphore_mem>>
        %dma_start3A_282 = arith.constant 0 : i32
        %dma_start3A_283 = tpu.memref_slice %arg6[%add3A_253, %dma_start3A_282] : memref<40x128xi32, #tpu.memory_space<vmem>> -> memref<1x128xi32, #tpu.memory_space<vmem>>
        %dma_start3A_284 = tpu.memref_squeeze %dma_start3A_283 : memref<1x128xi32, #tpu.memory_space<vmem>> -> memref<128xi32, #tpu.memory_space<vmem>>
        %dma_start3A_285 = arith.constant 0 : i32
        %dma_start3A_286 = arith.constant 0 : i32
        %dma_start3A_287 = tpu.memref_slice %arg9[%dma_start3A_285, %dma_start3A_286] : memref<10240x128xf32, #tpu.memory_space<vmem_shared>> -> memref<10240x128xf32, #tpu.memory_space<vmem_shared>>
        tpu.enqueue_indirect_dma source(%arg7 : memref<128x128xf32, #tpu.memory_space<vmem>>) target(%dma_start3A_287 : memref<10240x128xf32, #tpu.memory_space<vmem_shared>>) offsets(%dma_start3A_284 : memref<128xi32, #tpu.memory_space<vmem>>) semaphore(%run_scoped3A_281 : memref<!tpu.dma_semaphore, #tpu.memory_space<semaphore_mem>>) {add = true}
        %dma_wait3A_288 = arith.constant 0 : i32
        %dma_wait3A_289 = tpu.memref_slice %arg6[%add3A_253, %dma_wait3A_288] : memref<40x128xi32, #tpu.memory_space<vmem>> -> memref<1x128xi32, #tpu.memory_space<vmem>>
        %dma_wait3A_290 = tpu.memref_squeeze %dma_wait3A_289 : memref<1x128xi32, #tpu.memory_space<vmem>> -> memref<128xi32, #tpu.memory_space<vmem>>
        %dma_wait3A_291 = arith.constant 0 : i32
        %dma_wait3A_292 = arith.constant 0 : i32
        %dma_wait3A_293 = tpu.memref_slice %arg9[%dma_wait3A_291, %dma_wait3A_292] : memref<10240x128xf32, #tpu.memory_space<vmem_shared>> -> memref<10240x128xf32, #tpu.memory_space<vmem_shared>>
        tpu.wait_indirect_dma semaphore(%run_scoped3A_281 : memref<!tpu.dma_semaphore, #tpu.memory_space<semaphore_mem>>) src(%arg7 : memref<128x128xf32, #tpu.memory_space<vmem>>) dst(%dma_wait3A_293 : memref<10240x128xf32, #tpu.memory_space<vmem_shared>>)
        tpu.yield
      }) : () -> ()
      %add3A_260 = arith.constant 2 : i32
      %add3A_261 = arith.addi %add3A_253, %add3A_260 : i32
      %lt3A = arith.constant 40 : i32
      %lt3A_262 = arith.cmpi slt, %add3A_261, %lt3A : i32
      %convert_element_type3A = arith.extui %lt3A_262 : i1 to i32
      %cond3A = arith.constant 0 : i32
      %cond3A_263 = arith.cmpi ne, %convert_element_type3A, %cond3A : i32
      scf.if %cond3A_263 {
        %dma_start3A_281 = arith.constant 0 : i32
        %dma_start3A_282 = tpu.memref_slice %arg5[%add3A_261, %dma_start3A_281] : memref<40x128xi32, #tpu.memory_space<vmem>> -> memref<1x128xi32, #tpu.memory_space<vmem>>
        %dma_start3A_283 = tpu.memref_squeeze %dma_start3A_282 : memref<1x128xi32, #tpu.memory_space<vmem>> -> memref<128xi32, #tpu.memory_space<vmem>>
        %dma_start3A_284 = arith.constant 0 : i32
        %dma_start3A_285 = arith.constant 0 : i32
        %dma_start3A_286 = tpu.memref_slice %arg2[%dma_start3A_284, %dma_start3A_285] : memref<10000x128xf32, #tpu.memory_space<hbm>> -> memref<10000x128xf32, #tpu.memory_space<hbm>>
        tpu.enqueue_indirect_dma source(%dma_start3A_286 : memref<10000x128xf32, #tpu.memory_space<hbm>>) target(%arg7 : memref<128x128xf32, #tpu.memory_space<vmem>>) offsets(%dma_start3A_283 : memref<128xi32, #tpu.memory_space<vmem>>) semaphore(%arg10 : memref<!tpu.dma_semaphore, #tpu.memory_space<semaphore_mem>>)
      } else {
      }
      %mul3A_264 = arith.constant 2 : i32
      %mul3A_265 = arith.muli %scan3A_249, %mul3A_264 : i32
      %add3A_266 = arith.constant 1 : i32
      %add3A_267 = arith.addi %mul3A_265, %add3A_266 : i32
      %dma_wait3A_268 = arith.constant 0 : i32
      %dma_wait3A_269 = tpu.memref_slice %arg5[%add3A_267, %dma_wait3A_268] : memref<40x128xi32, #tpu.memory_space<vmem>> -> memref<1x128xi32, #tpu.memory_space<vmem>>
      %dma_wait3A_270 = tpu.memref_squeeze %dma_wait3A_269 : memref<1x128xi32, #tpu.memory_space<vmem>> -> memref<128xi32, #tpu.memory_space<vmem>>
      %dma_wait3A_271 = arith.constant 0 : i32
      %dma_wait3A_272 = arith.constant 0 : i32
      %dma_wait3A_273 = tpu.memref_slice %arg2[%dma_wait3A_271, %dma_wait3A_272] : memref<10000x128xf32, #tpu.memory_space<hbm>> -> memref<10000x128xf32, #tpu.memory_space<hbm>>
      tpu.wait_indirect_dma semaphore(%arg11 : memref<!tpu.dma_semaphore, #tpu.memory_space<semaphore_mem>>) src(%dma_wait3A_273 : memref<10000x128xf32, #tpu.memory_space<hbm>>) dst(%arg8 : memref<128x128xf32, #tpu.memory_space<vmem>>)
      "tpu.region"() ({
        %run_scoped3A_281 = tpu.sem_alloc : memref<!tpu.dma_semaphore, #tpu.memory_space<semaphore_mem>>
        %dma_start3A_282 = arith.constant 0 : i32
        %dma_start3A_283 = tpu.memref_slice %arg6[%add3A_267, %dma_start3A_282] : memref<40x128xi32, #tpu.memory_space<vmem>> -> memref<1x128xi32, #tpu.memory_space<vmem>>
        %dma_start3A_284 = tpu.memref_squeeze %dma_start3A_283 : memref<1x128xi32, #tpu.memory_space<vmem>> -> memref<128xi32, #tpu.memory_space<vmem>>
        %dma_start3A_285 = arith.constant 0 : i32
        %dma_start3A_286 = arith.constant 0 : i32
        %dma_start3A_287 = tpu.memref_slice %arg9[%dma_start3A_285, %dma_start3A_286] : memref<10240x128xf32, #tpu.memory_space<vmem_shared>> -> memref<10240x128xf32, #tpu.memory_space<vmem_shared>>
        tpu.enqueue_indirect_dma source(%arg8 : memref<128x128xf32, #tpu.memory_space<vmem>>) target(%dma_start3A_287 : memref<10240x128xf32, #tpu.memory_space<vmem_shared>>) offsets(%dma_start3A_284 : memref<128xi32, #tpu.memory_space<vmem>>) semaphore(%run_scoped3A_281 : memref<!tpu.dma_semaphore, #tpu.memory_space<semaphore_mem>>) {add = true}
        %dma_wait3A_288 = arith.constant 0 : i32
        %dma_wait3A_289 = tpu.memref_slice %arg6[%add3A_267, %dma_wait3A_288] : memref<40x128xi32, #tpu.memory_space<vmem>> -> memref<1x128xi32, #tpu.memory_space<vmem>>
        %dma_wait3A_290 = tpu.memref_squeeze %dma_wait3A_289 : memref<1x128xi32, #tpu.memory_space<vmem>> -> memref<128xi32, #tpu.memory_space<vmem>>
        %dma_wait3A_291 = arith.constant 0 : i32
        %dma_wait3A_292 = arith.constant 0 : i32
        %dma_wait3A_293 = tpu.memref_slice %arg9[%dma_wait3A_291, %dma_wait3A_292] : memref<10240x128xf32, #tpu.memory_space<vmem_shared>> -> memref<10240x128xf32, #tpu.memory_space<vmem_shared>>
        tpu.wait_indirect_dma semaphore(%run_scoped3A_281 : memref<!tpu.dma_semaphore, #tpu.memory_space<semaphore_mem>>) src(%arg8 : memref<128x128xf32, #tpu.memory_space<vmem>>) dst(%dma_wait3A_293 : memref<10240x128xf32, #tpu.memory_space<vmem_shared>>)
        tpu.yield
      }) : () -> ()
      %add3A_274 = arith.constant 2 : i32
      %add3A_275 = arith.addi %add3A_267, %add3A_274 : i32
      %lt3A_276 = arith.constant 40 : i32
      %lt3A_277 = arith.cmpi slt, %add3A_275, %lt3A_276 : i32
      %convert_element_type3A_278 = arith.extui %lt3A_277 : i1 to i32
      %cond3A_279 = arith.constant 0 : i32
      %cond3A_280 = arith.cmpi ne, %convert_element_type3A_278, %cond3A_279 : i32
      scf.if %cond3A_280 {
        %dma_start3A_281 = arith.constant 0 : i32
        %dma_start3A_282 = tpu.memref_slice %arg5[%add3A_275, %dma_start3A_281] : memref<40x128xi32, #tpu.memory_space<vmem>> -> memref<1x128xi32, #tpu.memory_space<vmem>>
        %dma_start3A_283 = tpu.memref_squeeze %dma_start3A_282 : memref<1x128xi32, #tpu.memory_space<vmem>> -> memref<128xi32, #tpu.memory_space<vmem>>
        %dma_start3A_284 = arith.constant 0 : i32
        %dma_start3A_285 = arith.constant 0 : i32
        %dma_start3A_286 = tpu.memref_slice %arg2[%dma_start3A_284, %dma_start3A_285] : memref<10000x128xf32, #tpu.memory_space<hbm>> -> memref<10000x128xf32, #tpu.memory_space<hbm>>
        tpu.enqueue_indirect_dma source(%dma_start3A_286 : memref<10000x128xf32, #tpu.memory_space<hbm>>) target(%arg8 : memref<128x128xf32, #tpu.memory_space<vmem>>) offsets(%dma_start3A_283 : memref<128xi32, #tpu.memory_space<vmem>>) semaphore(%arg11 : memref<!tpu.dma_semaphore, #tpu.memory_space<semaphore_mem>>)
      } else {
      }
    }
    %scan3A_68 = arith.constant 20 : i32
    %barrier3A_69 = arith.constant 0 : index
    tpu.barrier barrier_id(%barrier3A_69)
    %mul3A_70 = arith.constant 640 : i32
    %mul3A_71 = arith.muli %arg1, %mul3A_70 : i32
    %add3A_72 = arith.constant 0 : i32
    %add3A_73 = arith.addi %mul3A_71, %add3A_72 : i32
    %dma_start3A_74 = arith.constant 0 : i32
    %dma_start3A_75 = tpu.memref_slice %arg9[%add3A_73, %dma_start3A_74] : memref<10240x128xf32, #tpu.memory_space<vmem_shared>> -> memref<128x128xf32, #tpu.memory_space<vmem_shared>>
    %dma_start3A_76 = arith.constant 0 : i32
    %dma_start3A_77 = tpu.memref_slice %arg9[%add3A_73, %dma_start3A_76] : memref<10240x128xf32, #tpu.memory_space<vmem_shared>> -> memref<128x128xf32, #tpu.memory_space<vmem_shared>>
    tpu.enqueue_dma source(%dma_start3A_77 : memref<128x128xf32, #tpu.memory_space<vmem_shared>>) target(%arg7 : memref<128x128xf32, #tpu.memory_space<vmem>>) target_semaphore(%arg10 : memref<!tpu.dma_semaphore, #tpu.memory_space<semaphore_mem>>)
    %mul3A_78 = arith.constant 640 : i32
    %mul3A_79 = arith.muli %arg1, %mul3A_78 : i32
    %add3A_80 = arith.constant 128 : i32
    %add3A_81 = arith.addi %mul3A_79, %add3A_80 : i32
    %dma_start3A_82 = arith.constant 0 : i32
    %dma_start3A_83 = tpu.memref_slice %arg9[%add3A_81, %dma_start3A_82] : memref<10240x128xf32, #tpu.memory_space<vmem_shared>> -> memref<128x128xf32, #tpu.memory_space<vmem_shared>>
    %dma_start3A_84 = arith.constant 0 : i32
    %dma_start3A_85 = tpu.memref_slice %arg9[%add3A_81, %dma_start3A_84] : memref<10240x128xf32, #tpu.memory_space<vmem_shared>> -> memref<128x128xf32, #tpu.memory_space<vmem_shared>>
    tpu.enqueue_dma source(%dma_start3A_85 : memref<128x128xf32, #tpu.memory_space<vmem_shared>>) target(%arg8 : memref<128x128xf32, #tpu.memory_space<vmem>>) target_semaphore(%arg11 : memref<!tpu.dma_semaphore, #tpu.memory_space<semaphore_mem>>)
    %mul3A_86 = arith.constant 640 : i32
    %mul3A_87 = arith.muli %arg1, %mul3A_86 : i32
    %add3A_88 = arith.constant 0 : i32
    %add3A_89 = arith.addi %mul3A_87, %add3A_88 : i32
    %dma_wait3A = arith.constant 0 : i32
    %dma_wait3A_90 = tpu.memref_slice %arg9[%add3A_89, %dma_wait3A] : memref<10240x128xf32, #tpu.memory_space<vmem_shared>> -> memref<128x128xf32, #tpu.memory_space<vmem_shared>>
    %dma_wait3A_91 = arith.constant 0 : i32
    %dma_wait3A_92 = tpu.memref_slice %arg9[%add3A_89, %dma_wait3A_91] : memref<10240x128xf32, #tpu.memory_space<vmem_shared>> -> memref<128x128xf32, #tpu.memory_space<vmem_shared>>
    tpu.wait_dma2 semaphore(%arg10 : memref<!tpu.dma_semaphore, #tpu.memory_space<semaphore_mem>>) src(%dma_wait3A_92 : memref<128x128xf32, #tpu.memory_space<vmem_shared>>) dst(%arg7 : memref<128x128xf32, #tpu.memory_space<vmem>>)
    %mul3A_93 = arith.constant 640 : i32
    %mul3A_94 = arith.muli %arg1, %mul3A_93 : i32
    %add3A_95 = arith.constant 0 : i32
    %add3A_96 = arith.addi %mul3A_94, %add3A_95 : i32
    %dma_start3A_97 = arith.constant 0 : i32
    %dma_start3A_98 = tpu.memref_slice %arg4[%arg0, %add3A_96, %dma_start3A_97] : memref<2x10240x128xf32, #tpu.memory_space<hbm>> -> memref<1x128x128xf32, #tpu.memory_space<hbm>>
    %dma_start3A_99 = tpu.memref_squeeze %dma_start3A_98 : memref<1x128x128xf32, #tpu.memory_space<hbm>> -> memref<128x128xf32, #tpu.memory_space<hbm>>
    %dma_start3A_100 = arith.constant 0 : i32
    %dma_start3A_101 = tpu.memref_slice %arg4[%arg0, %add3A_96, %dma_start3A_100] : memref<2x10240x128xf32, #tpu.memory_space<hbm>> -> memref<1x128x128xf32, #tpu.memory_space<hbm>>
    %dma_start3A_102 = tpu.memref_squeeze %dma_start3A_101 : memref<1x128x128xf32, #tpu.memory_space<hbm>> -> memref<128x128xf32, #tpu.memory_space<hbm>>
    tpu.enqueue_dma source(%arg7 : memref<128x128xf32, #tpu.memory_space<vmem>>) target(%dma_start3A_102 : memref<128x128xf32, #tpu.memory_space<hbm>>) target_semaphore(%arg12 : memref<!tpu.dma_semaphore, #tpu.memory_space<semaphore_mem>>)
    %mul3A_103 = arith.constant 640 : i32
    %mul3A_104 = arith.muli %arg1, %mul3A_103 : i32
    %add3A_105 = arith.constant 128 : i32
    %add3A_106 = arith.addi %mul3A_104, %add3A_105 : i32
    %dma_wait3A_107 = arith.constant 0 : i32
    %dma_wait3A_108 = tpu.memref_slice %arg9[%add3A_106, %dma_wait3A_107] : memref<10240x128xf32, #tpu.memory_space<vmem_shared>> -> memref<128x128xf32, #tpu.memory_space<vmem_shared>>
    %dma_wait3A_109 = arith.constant 0 : i32
    %dma_wait3A_110 = tpu.memref_slice %arg9[%add3A_106, %dma_wait3A_109] : memref<10240x128xf32, #tpu.memory_space<vmem_shared>> -> memref<128x128xf32, #tpu.memory_space<vmem_shared>>
    tpu.wait_dma2 semaphore(%arg11 : memref<!tpu.dma_semaphore, #tpu.memory_space<semaphore_mem>>) src(%dma_wait3A_110 : memref<128x128xf32, #tpu.memory_space<vmem_shared>>) dst(%arg8 : memref<128x128xf32, #tpu.memory_space<vmem>>)
    %mul3A_111 = arith.constant 640 : i32
    %mul3A_112 = arith.muli %arg1, %mul3A_111 : i32
    %add3A_113 = arith.constant 128 : i32
    %add3A_114 = arith.addi %mul3A_112, %add3A_113 : i32
    %dma_start3A_115 = arith.constant 0 : i32
    %dma_start3A_116 = tpu.memref_slice %arg4[%arg0, %add3A_114, %dma_start3A_115] : memref<2x10240x128xf32, #tpu.memory_space<hbm>> -> memref<1x128x128xf32, #tpu.memory_space<hbm>>
    %dma_start3A_117 = tpu.memref_squeeze %dma_start3A_116 : memref<1x128x128xf32, #tpu.memory_space<hbm>> -> memref<128x128xf32, #tpu.memory_space<hbm>>
    %dma_start3A_118 = arith.constant 0 : i32
    %dma_start3A_119 = tpu.memref_slice %arg4[%arg0, %add3A_114, %dma_start3A_118] : memref<2x10240x128xf32, #tpu.memory_space<hbm>> -> memref<1x128x128xf32, #tpu.memory_space<hbm>>
    %dma_start3A_120 = tpu.memref_squeeze %dma_start3A_119 : memref<1x128x128xf32, #tpu.memory_space<hbm>> -> memref<128x128xf32, #tpu.memory_space<hbm>>
    tpu.enqueue_dma source(%arg8 : memref<128x128xf32, #tpu.memory_space<vmem>>) target(%dma_start3A_120 : memref<128x128xf32, #tpu.memory_space<hbm>>) target_semaphore(%arg13 : memref<!tpu.dma_semaphore, #tpu.memory_space<semaphore_mem>>)
    %mul3A_121 = arith.constant 640 : i32
    %mul3A_122 = arith.muli %arg1, %mul3A_121 : i32
    %add3A_123 = arith.constant 0 : i32
    %add3A_124 = arith.addi %mul3A_122, %add3A_123 : i32
    %dma_wait3A_125 = arith.constant 0 : i32
    %dma_wait3A_126 = tpu.memref_slice %arg4[%arg0, %add3A_124, %dma_wait3A_125] : memref<2x10240x128xf32, #tpu.memory_space<hbm>> -> memref<1x128x128xf32, #tpu.memory_space<hbm>>
    %dma_wait3A_127 = tpu.memref_squeeze %dma_wait3A_126 : memref<1x128x128xf32, #tpu.memory_space<hbm>> -> memref<128x128xf32, #tpu.memory_space<hbm>>
    %dma_wait3A_128 = arith.constant 0 : i32
    %dma_wait3A_129 = tpu.memref_slice %arg4[%arg0, %add3A_124, %dma_wait3A_128] : memref<2x10240x128xf32, #tpu.memory_space<hbm>> -> memref<1x128x128xf32, #tpu.memory_space<hbm>>
    %dma_wait3A_130 = tpu.memref_squeeze %dma_wait3A_129 : memref<1x128x128xf32, #tpu.memory_space<hbm>> -> memref<128x128xf32, #tpu.memory_space<hbm>>
    tpu.wait_dma2 semaphore(%arg12 : memref<!tpu.dma_semaphore, #tpu.memory_space<semaphore_mem>>) src(%arg7 : memref<128x128xf32, #tpu.memory_space<vmem>>) dst(%dma_wait3A_130 : memref<128x128xf32, #tpu.memory_space<hbm>>)
    %mul3A_131 = arith.constant 640 : i32
    %mul3A_132 = arith.muli %arg1, %mul3A_131 : i32
    %add3A_133 = arith.constant 256 : i32
    %add3A_134 = arith.addi %mul3A_132, %add3A_133 : i32
    %dma_start3A_135 = arith.constant 0 : i32
    %dma_start3A_136 = tpu.memref_slice %arg9[%add3A_134, %dma_start3A_135] : memref<10240x128xf32, #tpu.memory_space<vmem_shared>> -> memref<128x128xf32, #tpu.memory_space<vmem_shared>>
    %dma_start3A_137 = arith.constant 0 : i32
    %dma_start3A_138 = tpu.memref_slice %arg9[%add3A_134, %dma_start3A_137] : memref<10240x128xf32, #tpu.memory_space<vmem_shared>> -> memref<128x128xf32, #tpu.memory_space<vmem_shared>>
    tpu.enqueue_dma source(%dma_start3A_138 : memref<128x128xf32, #tpu.memory_space<vmem_shared>>) target(%arg7 : memref<128x128xf32, #tpu.memory_space<vmem>>) target_semaphore(%arg10 : memref<!tpu.dma_semaphore, #tpu.memory_space<semaphore_mem>>)
    %mul3A_139 = arith.constant 640 : i32
    %mul3A_140 = arith.muli %arg1, %mul3A_139 : i32
    %add3A_141 = arith.constant 256 : i32
    %add3A_142 = arith.addi %mul3A_140, %add3A_141 : i32
    %dma_wait3A_143 = arith.constant 0 : i32
    %dma_wait3A_144 = tpu.memref_slice %arg9[%add3A_142, %dma_wait3A_143] : memref<10240x128xf32, #tpu.memory_space<vmem_shared>> -> memref<128x128xf32, #tpu.memory_space<vmem_shared>>
    %dma_wait3A_145 = arith.constant 0 : i32
    %dma_wait3A_146 = tpu.memref_slice %arg9[%add3A_142, %dma_wait3A_145] : memref<10240x128xf32, #tpu.memory_space<vmem_shared>> -> memref<128x128xf32, #tpu.memory_space<vmem_shared>>
    tpu.wait_dma2 semaphore(%arg10 : memref<!tpu.dma_semaphore, #tpu.memory_space<semaphore_mem>>) src(%dma_wait3A_146 : memref<128x128xf32, #tpu.memory_space<vmem_shared>>) dst(%arg7 : memref<128x128xf32, #tpu.memory_space<vmem>>)
    %mul3A_147 = arith.constant 640 : i32
    %mul3A_148 = arith.muli %arg1, %mul3A_147 : i32
    %add3A_149 = arith.constant 256 : i32
    %add3A_150 = arith.addi %mul3A_148, %add3A_149 : i32
    %dma_start3A_151 = arith.constant 0 : i32
    %dma_start3A_152 = tpu.memref_slice %arg4[%arg0, %add3A_150, %dma_start3A_151] : memref<2x10240x128xf32, #tpu.memory_space<hbm>> -> memref<1x128x128xf32, #tpu.memory_space<hbm>>
    %dma_start3A_153 = tpu.memref_squeeze %dma_start3A_152 : memref<1x128x128xf32, #tpu.memory_space<hbm>> -> memref<128x128xf32, #tpu.memory_space<hbm>>
    %dma_start3A_154 = arith.constant 0 : i32
    %dma_start3A_155 = tpu.memref_slice %arg4[%arg0, %add3A_150, %dma_start3A_154] : memref<2x10240x128xf32, #tpu.memory_space<hbm>> -> memref<1x128x128xf32, #tpu.memory_space<hbm>>
    %dma_start3A_156 = tpu.memref_squeeze %dma_start3A_155 : memref<1x128x128xf32, #tpu.memory_space<hbm>> -> memref<128x128xf32, #tpu.memory_space<hbm>>
    tpu.enqueue_dma source(%arg7 : memref<128x128xf32, #tpu.memory_space<vmem>>) target(%dma_start3A_156 : memref<128x128xf32, #tpu.memory_space<hbm>>) target_semaphore(%arg12 : memref<!tpu.dma_semaphore, #tpu.memory_space<semaphore_mem>>)
    %mul3A_157 = arith.constant 640 : i32
    %mul3A_158 = arith.muli %arg1, %mul3A_157 : i32
    %add3A_159 = arith.constant 128 : i32
    %add3A_160 = arith.addi %mul3A_158, %add3A_159 : i32
    %dma_wait3A_161 = arith.constant 0 : i32
    %dma_wait3A_162 = tpu.memref_slice %arg4[%arg0, %add3A_160, %dma_wait3A_161] : memref<2x10240x128xf32, #tpu.memory_space<hbm>> -> memref<1x128x128xf32, #tpu.memory_space<hbm>>
    %dma_wait3A_163 = tpu.memref_squeeze %dma_wait3A_162 : memref<1x128x128xf32, #tpu.memory_space<hbm>> -> memref<128x128xf32, #tpu.memory_space<hbm>>
    %dma_wait3A_164 = arith.constant 0 : i32
    %dma_wait3A_165 = tpu.memref_slice %arg4[%arg0, %add3A_160, %dma_wait3A_164] : memref<2x10240x128xf32, #tpu.memory_space<hbm>> -> memref<1x128x128xf32, #tpu.memory_space<hbm>>
    %dma_wait3A_166 = tpu.memref_squeeze %dma_wait3A_165 : memref<1x128x128xf32, #tpu.memory_space<hbm>> -> memref<128x128xf32, #tpu.memory_space<hbm>>
    tpu.wait_dma2 semaphore(%arg13 : memref<!tpu.dma_semaphore, #tpu.memory_space<semaphore_mem>>) src(%arg8 : memref<128x128xf32, #tpu.memory_space<vmem>>) dst(%dma_wait3A_166 : memref<128x128xf32, #tpu.memory_space<hbm>>)
    %mul3A_167 = arith.constant 640 : i32
    %mul3A_168 = arith.muli %arg1, %mul3A_167 : i32
    %add3A_169 = arith.constant 384 : i32
    %add3A_170 = arith.addi %mul3A_168, %add3A_169 : i32
    %dma_start3A_171 = arith.constant 0 : i32
    %dma_start3A_172 = tpu.memref_slice %arg9[%add3A_170, %dma_start3A_171] : memref<10240x128xf32, #tpu.memory_space<vmem_shared>> -> memref<128x128xf32, #tpu.memory_space<vmem_shared>>
    %dma_start3A_173 = arith.constant 0 : i32
    %dma_start3A_174 = tpu.memref_slice %arg9[%add3A_170, %dma_start3A_173] : memref<10240x128xf32, #tpu.memory_space<vmem_shared>> -> memref<128x128xf32, #tpu.memory_space<vmem_shared>>
    tpu.enqueue_dma source(%dma_start3A_174 : memref<128x128xf32, #tpu.memory_space<vmem_shared>>) target(%arg8 : memref<128x128xf32, #tpu.memory_space<vmem>>) target_semaphore(%arg11 : memref<!tpu.dma_semaphore, #tpu.memory_space<semaphore_mem>>)
    %mul3A_175 = arith.constant 640 : i32
    %mul3A_176 = arith.muli %arg1, %mul3A_175 : i32
    %add3A_177 = arith.constant 384 : i32
    %add3A_178 = arith.addi %mul3A_176, %add3A_177 : i32
    %dma_wait3A_179 = arith.constant 0 : i32
    %dma_wait3A_180 = tpu.memref_slice %arg9[%add3A_178, %dma_wait3A_179] : memref<10240x128xf32, #tpu.memory_space<vmem_shared>> -> memref<128x128xf32, #tpu.memory_space<vmem_shared>>
    %dma_wait3A_181 = arith.constant 0 : i32
    %dma_wait3A_182 = tpu.memref_slice %arg9[%add3A_178, %dma_wait3A_181] : memref<10240x128xf32, #tpu.memory_space<vmem_shared>> -> memref<128x128xf32, #tpu.memory_space<vmem_shared>>
    tpu.wait_dma2 semaphore(%arg11 : memref<!tpu.dma_semaphore, #tpu.memory_space<semaphore_mem>>) src(%dma_wait3A_182 : memref<128x128xf32, #tpu.memory_space<vmem_shared>>) dst(%arg8 : memref<128x128xf32, #tpu.memory_space<vmem>>)
    %mul3A_183 = arith.constant 640 : i32
    %mul3A_184 = arith.muli %arg1, %mul3A_183 : i32
    %add3A_185 = arith.constant 384 : i32
    %add3A_186 = arith.addi %mul3A_184, %add3A_185 : i32
    %dma_start3A_187 = arith.constant 0 : i32
    %dma_start3A_188 = tpu.memref_slice %arg4[%arg0, %add3A_186, %dma_start3A_187] : memref<2x10240x128xf32, #tpu.memory_space<hbm>> -> memref<1x128x128xf32, #tpu.memory_space<hbm>>
    %dma_start3A_189 = tpu.memref_squeeze %dma_start3A_188 : memref<1x128x128xf32, #tpu.memory_space<hbm>> -> memref<128x128xf32, #tpu.memory_space<hbm>>
    %dma_start3A_190 = arith.constant 0 : i32
    %dma_start3A_191 = tpu.memref_slice %arg4[%arg0, %add3A_186, %dma_start3A_190] : memref<2x10240x128xf32, #tpu.memory_space<hbm>> -> memref<1x128x128xf32, #tpu.memory_space<hbm>>
    %dma_start3A_192 = tpu.memref_squeeze %dma_start3A_191 : memref<1x128x128xf32, #tpu.memory_space<hbm>> -> memref<128x128xf32, #tpu.memory_space<hbm>>
    tpu.enqueue_dma source(%arg8 : memref<128x128xf32, #tpu.memory_space<vmem>>) target(%dma_start3A_192 : memref<128x128xf32, #tpu.memory_space<hbm>>) target_semaphore(%arg13 : memref<!tpu.dma_semaphore, #tpu.memory_space<semaphore_mem>>)
    %mul3A_193 = arith.constant 640 : i32
    %mul3A_194 = arith.muli %arg1, %mul3A_193 : i32
    %add3A_195 = arith.constant 256 : i32
    %add3A_196 = arith.addi %mul3A_194, %add3A_195 : i32
    %dma_wait3A_197 = arith.constant 0 : i32
    %dma_wait3A_198 = tpu.memref_slice %arg4[%arg0, %add3A_196, %dma_wait3A_197] : memref<2x10240x128xf32, #tpu.memory_space<hbm>> -> memref<1x128x128xf32, #tpu.memory_space<hbm>>
    %dma_wait3A_199 = tpu.memref_squeeze %dma_wait3A_198 : memref<1x128x128xf32, #tpu.memory_space<hbm>> -> memref<128x128xf32, #tpu.memory_space<hbm>>
    %dma_wait3A_200 = arith.constant 0 : i32
    %dma_wait3A_201 = tpu.memref_slice %arg4[%arg0, %add3A_196, %dma_wait3A_200] : memref<2x10240x128xf32, #tpu.memory_space<hbm>> -> memref<1x128x128xf32, #tpu.memory_space<hbm>>
    %dma_wait3A_202 = tpu.memref_squeeze %dma_wait3A_201 : memref<1x128x128xf32, #tpu.memory_space<hbm>> -> memref<128x128xf32, #tpu.memory_space<hbm>>
    tpu.wait_dma2 semaphore(%arg12 : memref<!tpu.dma_semaphore, #tpu.memory_space<semaphore_mem>>) src(%arg7 : memref<128x128xf32, #tpu.memory_space<vmem>>) dst(%dma_wait3A_202 : memref<128x128xf32, #tpu.memory_space<hbm>>)
    %mul3A_203 = arith.constant 640 : i32
    %mul3A_204 = arith.muli %arg1, %mul3A_203 : i32
    %add3A_205 = arith.constant 512 : i32
    %add3A_206 = arith.addi %mul3A_204, %add3A_205 : i32
    %dma_start3A_207 = arith.constant 0 : i32
    %dma_start3A_208 = tpu.memref_slice %arg9[%add3A_206, %dma_start3A_207] : memref<10240x128xf32, #tpu.memory_space<vmem_shared>> -> memref<128x128xf32, #tpu.memory_space<vmem_shared>>
    %dma_start3A_209 = arith.constant 0 : i32
    %dma_start3A_210 = tpu.memref_slice %arg9[%add3A_206, %dma_start3A_209] : memref<10240x128xf32, #tpu.memory_space<vmem_shared>> -> memref<128x128xf32, #tpu.memory_space<vmem_shared>>
    tpu.enqueue_dma source(%dma_start3A_210 : memref<128x128xf32, #tpu.memory_space<vmem_shared>>) target(%arg7 : memref<128x128xf32, #tpu.memory_space<vmem>>) target_semaphore(%arg10 : memref<!tpu.dma_semaphore, #tpu.memory_space<semaphore_mem>>)
    %mul3A_211 = arith.constant 640 : i32
    %mul3A_212 = arith.muli %arg1, %mul3A_211 : i32
    %add3A_213 = arith.constant 512 : i32
    %add3A_214 = arith.addi %mul3A_212, %add3A_213 : i32
    %dma_wait3A_215 = arith.constant 0 : i32
    %dma_wait3A_216 = tpu.memref_slice %arg9[%add3A_214, %dma_wait3A_215] : memref<10240x128xf32, #tpu.memory_space<vmem_shared>> -> memref<128x128xf32, #tpu.memory_space<vmem_shared>>
    %dma_wait3A_217 = arith.constant 0 : i32
    %dma_wait3A_218 = tpu.memref_slice %arg9[%add3A_214, %dma_wait3A_217] : memref<10240x128xf32, #tpu.memory_space<vmem_shared>> -> memref<128x128xf32, #tpu.memory_space<vmem_shared>>
    tpu.wait_dma2 semaphore(%arg10 : memref<!tpu.dma_semaphore, #tpu.memory_space<semaphore_mem>>) src(%dma_wait3A_218 : memref<128x128xf32, #tpu.memory_space<vmem_shared>>) dst(%arg7 : memref<128x128xf32, #tpu.memory_space<vmem>>)
    %mul3A_219 = arith.constant 640 : i32
    %mul3A_220 = arith.muli %arg1, %mul3A_219 : i32
    %add3A_221 = arith.constant 512 : i32
    %add3A_222 = arith.addi %mul3A_220, %add3A_221 : i32
    %dma_start3A_223 = arith.constant 0 : i32
    %dma_start3A_224 = tpu.memref_slice %arg4[%arg0, %add3A_222, %dma_start3A_223] : memref<2x10240x128xf32, #tpu.memory_space<hbm>> -> memref<1x128x128xf32, #tpu.memory_space<hbm>>
    %dma_start3A_225 = tpu.memref_squeeze %dma_start3A_224 : memref<1x128x128xf32, #tpu.memory_space<hbm>> -> memref<128x128xf32, #tpu.memory_space<hbm>>
    %dma_start3A_226 = arith.constant 0 : i32
    %dma_start3A_227 = tpu.memref_slice %arg4[%arg0, %add3A_222, %dma_start3A_226] : memref<2x10240x128xf32, #tpu.memory_space<hbm>> -> memref<1x128x128xf32, #tpu.memory_space<hbm>>
    %dma_start3A_228 = tpu.memref_squeeze %dma_start3A_227 : memref<1x128x128xf32, #tpu.memory_space<hbm>> -> memref<128x128xf32, #tpu.memory_space<hbm>>
    tpu.enqueue_dma source(%arg7 : memref<128x128xf32, #tpu.memory_space<vmem>>) target(%dma_start3A_228 : memref<128x128xf32, #tpu.memory_space<hbm>>) target_semaphore(%arg12 : memref<!tpu.dma_semaphore, #tpu.memory_space<semaphore_mem>>)
    %mul3A_229 = arith.constant 640 : i32
    %mul3A_230 = arith.muli %arg1, %mul3A_229 : i32
    %add3A_231 = arith.constant 384 : i32
    %add3A_232 = arith.addi %mul3A_230, %add3A_231 : i32
    %dma_wait3A_233 = arith.constant 0 : i32
    %dma_wait3A_234 = tpu.memref_slice %arg4[%arg0, %add3A_232, %dma_wait3A_233] : memref<2x10240x128xf32, #tpu.memory_space<hbm>> -> memref<1x128x128xf32, #tpu.memory_space<hbm>>
    %dma_wait3A_235 = tpu.memref_squeeze %dma_wait3A_234 : memref<1x128x128xf32, #tpu.memory_space<hbm>> -> memref<128x128xf32, #tpu.memory_space<hbm>>
    %dma_wait3A_236 = arith.constant 0 : i32
    %dma_wait3A_237 = tpu.memref_slice %arg4[%arg0, %add3A_232, %dma_wait3A_236] : memref<2x10240x128xf32, #tpu.memory_space<hbm>> -> memref<1x128x128xf32, #tpu.memory_space<hbm>>
    %dma_wait3A_238 = tpu.memref_squeeze %dma_wait3A_237 : memref<1x128x128xf32, #tpu.memory_space<hbm>> -> memref<128x128xf32, #tpu.memory_space<hbm>>
    tpu.wait_dma2 semaphore(%arg13 : memref<!tpu.dma_semaphore, #tpu.memory_space<semaphore_mem>>) src(%arg8 : memref<128x128xf32, #tpu.memory_space<vmem>>) dst(%dma_wait3A_238 : memref<128x128xf32, #tpu.memory_space<hbm>>)
    %mul3A_239 = arith.constant 640 : i32
    %mul3A_240 = arith.muli %arg1, %mul3A_239 : i32
    %add3A_241 = arith.constant 512 : i32
    %add3A_242 = arith.addi %mul3A_240, %add3A_241 : i32
    %dma_wait3A_243 = arith.constant 0 : i32
    %dma_wait3A_244 = tpu.memref_slice %arg4[%arg0, %add3A_242, %dma_wait3A_243] : memref<2x10240x128xf32, #tpu.memory_space<hbm>> -> memref<1x128x128xf32, #tpu.memory_space<hbm>>
    %dma_wait3A_245 = tpu.memref_squeeze %dma_wait3A_244 : memref<1x128x128xf32, #tpu.memory_space<hbm>> -> memref<128x128xf32, #tpu.memory_space<hbm>>
    %dma_wait3A_246 = arith.constant 0 : i32
    %dma_wait3A_247 = tpu.memref_slice %arg4[%arg0, %add3A_242, %dma_wait3A_246] : memref<2x10240x128xf32, #tpu.memory_space<hbm>> -> memref<1x128x128xf32, #tpu.memory_space<hbm>>
    %dma_wait3A_248 = tpu.memref_squeeze %dma_wait3A_247 : memref<1x128x128xf32, #tpu.memory_space<hbm>> -> memref<128x128xf32, #tpu.memory_space<hbm>>
    tpu.wait_dma2 semaphore(%arg12 : memref<!tpu.dma_semaphore, #tpu.memory_space<semaphore_mem>>) src(%arg7 : memref<128x128xf32, #tpu.memory_space<vmem>>) dst(%dma_wait3A_248 : memref<128x128xf32, #tpu.memory_space<hbm>>)
    return
  }
}

module attributes {stable_mosaic.version = 14 : i64} {
  func.func @_mm1_body(%arg0: i32, %arg1: memref<1000x128xf32, #tpu.memory_space<vmem>>, %arg2: memref<128x128xf32, #tpu.memory_space<vmem>>, %arg3: memref<1000x1xf32, #tpu.memory_space<vmem>>, %arg4: memref<1000x128xf32, #tpu.memory_space<vmem>>) attributes {dimension_semantics = [#tpu.dimension_semantics<arbitrary>], iteration_bounds = array<i64: 10>, scalar_prefetch = 0 : i64, scratch_operands = 0 : i64, tpu.core_type = #tpu.core_type<tc>, window_params = [{transform_indices = @transform_0, window_bounds = array<i64: 1000, 128>}, {pipeline_mode = #tpu.pipeline_mode<synchronous>, transform_indices = @transform_1, window_bounds = array<i64: 128, 128>}, {transform_indices = @transform_2, window_bounds = array<i64: 1000, 1>}, {transform_indices = @transform_3, window_bounds = array<i64: 1000, 128>}]} {
    %get3A = arith.constant 0 : index
    %get3A_0 = arith.constant 0 : index
    %get3A_1 = vector.load %arg3[%get3A, %get3A_0] : memref<1000x1xf32, #tpu.memory_space<vmem>>, vector<1000x1xf32>
    %rsqrt3A = math.rsqrt %get3A_1 : vector<1000x1xf32>
    %get3A_2 = arith.constant 0 : index
    %get3A_3 = arith.constant 0 : index
    %get3A_4 = vector.load %arg1[%get3A_2, %get3A_3] : memref<1000x128xf32, #tpu.memory_space<vmem>>, vector<1000x128xf32>
    %get3A_5 = arith.constant 0 : index
    %get3A_6 = arith.constant 0 : index
    %get3A_7 = vector.load %arg2[%get3A_5, %get3A_6] : memref<128x128xf32, #tpu.memory_space<vmem>>, vector<128x128xf32>
    %convert_element_type3A = arith.truncf %get3A_4 : vector<1000x128xf32> to vector<1000x128xbf16>
    %convert_element_type3A_8 = arith.truncf %get3A_7 : vector<128x128xf32> to vector<128x128xbf16>
    %dot_general3A = arith.constant dense<0.000000e+00> : vector<1000x128xf32>
    %dot_general3A_9 = tpu.matmul %convert_element_type3A, %convert_element_type3A_8, %dot_general3A {dimension_numbers = #tpu.dot_dimension_numbers<[1], [0], [0], [1], [0, 0, 1, 1], [], []>, transpose_lhs_hint = false} : vector<1000x128xbf16>, vector<128x128xbf16>, vector<1000x128xf32> -> vector<1000x128xf32>
    %mul3A = vector.broadcast %rsqrt3A : vector<1000x1xf32> to vector<1000x128xf32>
    %mul3A_10 = arith.mulf %dot_general3A_9, %mul3A : vector<1000x128xf32>
    %swap3A = arith.constant 0 : index
    %swap3A_11 = arith.constant 0 : index
    %swap3A_12 = vector.load %arg4[%swap3A, %swap3A_11] : memref<1000x128xf32, #tpu.memory_space<vmem>>, vector<1000x128xf32>
    tpu.vector_store %arg4[%swap3A, %swap3A_11], %mul3A_10 {strides = array<i32>} : memref<1000x128xf32, #tpu.memory_space<vmem>>, vector<1000x128xf32>,
    return
  }
  func.func @transform_0(%arg0: i32) -> (i32, i32) {
    %c0_i32 = arith.constant 0 : i32
    %c0_i32_0 = arith.constant 0 : i32
    return %arg0, %c0_i32 : i32, i32
  }
  func.func @transform_1(%arg0: i32) -> (i32, i32) {
    %c0_i32 = arith.constant 0 : i32
    %c0_i32_0 = arith.constant 0 : i32
    %c0_i32_1 = arith.constant 0 : i32
    return %c0_i32, %c0_i32_0 : i32, i32
  }
  func.func @transform_2(%arg0: i32) -> (i32, i32) {
    %c0_i32 = arith.constant 0 : i32
    %c0_i32_0 = arith.constant 0 : i32
    return %arg0, %c0_i32 : i32, i32
  }
  func.func @transform_3(%arg0: i32) -> (i32, i32) {
    %c0_i32 = arith.constant 0 : i32
    %c0_i32_0 = arith.constant 0 : i32
    return %arg0, %c0_i32 : i32, i32
  }
}

module attributes {stable_mosaic.version = 14 : i64} {
  func.func @_mid_body(%arg0: i32, %arg1: memref<2x1000x128xf32, #tpu.memory_space<vmem>>, %arg2: memref<1000x128xf32, #tpu.memory_space<vmem>>, %arg3: memref<1000x1xf32, #tpu.memory_space<vmem>>, %arg4: memref<1x128xf32, #tpu.memory_space<vmem>>, %arg5: memref<128x128xf32, #tpu.memory_space<vmem>>, %arg6: memref<1000x128xf32, #tpu.memory_space<vmem>>) attributes {dimension_semantics = [#tpu.dimension_semantics<arbitrary>], iteration_bounds = array<i64: 10>, scalar_prefetch = 0 : i64, scratch_operands = 0 : i64, tpu.core_type = #tpu.core_type<tc>, window_params = [{transform_indices = @transform_0, window_bounds = array<i64: 2, 1000, 128>}, {transform_indices = @transform_1, window_bounds = array<i64: 1000, 128>}, {transform_indices = @transform_2, window_bounds = array<i64: 1000, 1>}, {pipeline_mode = #tpu.pipeline_mode<synchronous>, transform_indices = @transform_3, window_bounds = array<i64: 1, 128>}, {pipeline_mode = #tpu.pipeline_mode<synchronous>, transform_indices = @transform_4, window_bounds = array<i64: 128, 128>}, {transform_indices = @transform_5, window_bounds = array<i64: 1000, 128>}]} {
    %get3A = arith.constant 0 : index
    %get3A_0 = arith.constant 0 : index
    %get3A_1 = vector.load %arg3[%get3A, %get3A_0] : memref<1000x1xf32, #tpu.memory_space<vmem>>, vector<1000x1xf32>
    %rsqrt3A = math.rsqrt %get3A_1 : vector<1000x1xf32>
    %get3A_2 = arith.constant 0 : index
    %get3A_3 = arith.constant 0 : index
    %get3A_4 = arith.constant 0 : index
    %get3A_5 = vector.load %arg1[%get3A_2, %get3A_3, %get3A_4] : memref<2x1000x128xf32, #tpu.memory_space<vmem>>, vector<1x1000x128xf32>
    %get3A_6 = vector.shape_cast %get3A_5 : vector<1x1000x128xf32> to vector<1000x128xf32>
    %get3A_7 = arith.constant 1 : index
    %get3A_8 = arith.constant 0 : index
    %get3A_9 = arith.constant 0 : index
    %get3A_10 = vector.load %arg1[%get3A_7, %get3A_8, %get3A_9] : memref<2x1000x128xf32, #tpu.memory_space<vmem>>, vector<1x1000x128xf32>
    %get3A_11 = vector.shape_cast %get3A_10 : vector<1x1000x128xf32> to vector<1000x128xf32>
    %add3A = arith.addf %get3A_6, %get3A_11 : vector<1000x128xf32>
    %get3A_12 = arith.constant 0 : index
    %get3A_13 = arith.constant 0 : index
    %get3A_14 = vector.load %arg2[%get3A_12, %get3A_13] : memref<1000x128xf32, #tpu.memory_space<vmem>>, vector<1000x128xf32>
    %add3A_15 = arith.addf %add3A, %get3A_14 : vector<1000x128xf32>
    %mul3A = vector.broadcast %rsqrt3A : vector<1000x1xf32> to vector<1000x128xf32>
    %mul3A_16 = arith.mulf %add3A_15, %mul3A : vector<1000x128xf32>
    %get3A_17 = arith.constant 0 : index
    %get3A_18 = arith.constant 0 : index
    %get3A_19 = vector.load %arg4[%get3A_17, %get3A_18] : memref<1x128xf32, #tpu.memory_space<vmem>>, vector<1x128xf32>
    %add3A_20 = vector.broadcast %get3A_19 : vector<1x128xf32> to vector<1000x128xf32>
    %add3A_21 = arith.addf %mul3A_16, %add3A_20 : vector<1000x128xf32>
    %max3A = arith.constant 0.000000e+00 : f32
    %max3A_22 = vector.broadcast %max3A : f32 to vector<1000x128xf32>
    %max3A_23 = arith.maximumf %add3A_21, %max3A_22 : vector<1000x128xf32>
    %get3A_24 = arith.constant 0 : index
    %get3A_25 = arith.constant 0 : index
    %get3A_26 = vector.load %arg5[%get3A_24, %get3A_25] : memref<128x128xf32, #tpu.memory_space<vmem>>, vector<128x128xf32>
    %convert_element_type3A = arith.truncf %max3A_23 : vector<1000x128xf32> to vector<1000x128xbf16>
    %convert_element_type3A_27 = arith.truncf %get3A_26 : vector<128x128xf32> to vector<128x128xbf16>
    %dot_general3A = arith.constant dense<0.000000e+00> : vector<1000x128xf32>
    %dot_general3A_28 = tpu.matmul %convert_element_type3A, %convert_element_type3A_27, %dot_general3A {dimension_numbers = #tpu.dot_dimension_numbers<[1], [0], [0], [1], [0, 0, 1, 1], [], []>, transpose_lhs_hint = false} : vector<1000x128xbf16>, vector<128x128xbf16>, vector<1000x128xf32> -> vector<1000x128xf32>
    %mul3A_29 = vector.broadcast %rsqrt3A : vector<1000x1xf32> to vector<1000x128xf32>
    %mul3A_30 = arith.mulf %dot_general3A_28, %mul3A_29 : vector<1000x128xf32>
    %swap3A = arith.constant 0 : index
    %swap3A_31 = arith.constant 0 : index
    %swap3A_32 = vector.load %arg6[%swap3A, %swap3A_31] : memref<1000x128xf32, #tpu.memory_space<vmem>>, vector<1000x128xf32>
    tpu.vector_store %arg6[%swap3A, %swap3A_31], %mul3A_30 {strides = array<i32>} : memref<1000x128xf32, #tpu.memory_space<vmem>>, vector<1000x128xf32>,
    return
  }
  func.func @transform_0(%arg0: i32) -> (i32, i32, i32) {
    %c0_i32 = arith.constant 0 : i32
    %c0_i32_0 = arith.constant 0 : i32
    %c0_i32_1 = arith.constant 0 : i32
    return %c0_i32, %arg0, %c0_i32_0 : i32, i32, i32
  }
  func.func @transform_1(%arg0: i32) -> (i32, i32) {
    %c0_i32 = arith.constant 0 : i32
    %c0_i32_0 = arith.constant 0 : i32
    return %arg0, %c0_i32 : i32, i32
  }
  func.func @transform_2(%arg0: i32) -> (i32, i32) {
    %c0_i32 = arith.constant 0 : i32
    %c0_i32_0 = arith.constant 0 : i32
    return %arg0, %c0_i32 : i32, i32
  }
  func.func @transform_3(%arg0: i32) -> (i32, i32) {
    %c0_i32 = arith.constant 0 : i32
    %c0_i32_0 = arith.constant 0 : i32
    %c0_i32_1 = arith.constant 0 : i32
    return %c0_i32, %c0_i32_0 : i32, i32
  }
  func.func @transform_4(%arg0: i32) -> (i32, i32) {
    %c0_i32 = arith.constant 0 : i32
    %c0_i32_0 = arith.constant 0 : i32
    %c0_i32_1 = arith.constant 0 : i32
    return %c0_i32, %c0_i32_0 : i32, i32
  }
  func.func @transform_5(%arg0: i32) -> (i32, i32) {
    %c0_i32 = arith.constant 0 : i32
    %c0_i32_0 = arith.constant 0 : i32
    return %arg0, %c0_i32 : i32, i32
  }
}

module attributes {stable_mosaic.version = 14 : i64} {
  func.func @_final_body(%arg0: i32, %arg1: memref<2x1000x128xf32, #tpu.memory_space<vmem>>, %arg2: memref<1000x128xf32, #tpu.memory_space<vmem>>, %arg3: memref<1000x1xf32, #tpu.memory_space<vmem>>, %arg4: memref<1x128xf32, #tpu.memory_space<vmem>>, %arg5: memref<1x1x1000xi32, #tpu.memory_space<vmem>>, %arg6: memref<128x10xf32, #tpu.memory_space<vmem>>, %arg7: memref<1x10xf32, #tpu.memory_space<vmem>>, %arg8: memref<64x10xf32, #tpu.memory_space<vmem>>, %arg9: memref<64x128xf32, #tpu.memory_space<vmem>>) attributes {dimension_semantics = [#tpu.dimension_semantics<arbitrary>], iteration_bounds = array<i64: 10>, scalar_prefetch = 0 : i64, scratch_operands = 1 : i64, tpu.core_type = #tpu.core_type<tc>, window_params = [{transform_indices = @transform_0, window_bounds = array<i64: 2, 1000, 128>}, {transform_indices = @transform_1, window_bounds = array<i64: 1000, 128>}, {transform_indices = @transform_2, window_bounds = array<i64: 1000, 1>}, {pipeline_mode = #tpu.pipeline_mode<synchronous>, transform_indices = @transform_3, window_bounds = array<i64: 1, 128>}, {transform_indices = @transform_4, window_bounds = array<i64: 1, 1, 1000>}, {pipeline_mode = #tpu.pipeline_mode<synchronous>, transform_indices = @transform_5, window_bounds = array<i64: 128, 10>}, {pipeline_mode = #tpu.pipeline_mode<synchronous>, transform_indices = @transform_6, window_bounds = array<i64: 1, 10>}, {pipeline_mode = #tpu.pipeline_mode<synchronous>, transform_indices = @transform_7, window_bounds = array<i64: 64, 10>}]} {
    %get3A = arith.constant 0 : index
    %get3A_0 = arith.constant 0 : index
    %get3A_1 = vector.load %arg3[%get3A, %get3A_0] : memref<1000x1xf32, #tpu.memory_space<vmem>>, vector<1000x1xf32>
    %rsqrt3A = math.rsqrt %get3A_1 : vector<1000x1xf32>
    %get3A_2 = arith.constant 0 : index
    %get3A_3 = arith.constant 0 : index
    %get3A_4 = arith.constant 0 : index
    %get3A_5 = vector.load %arg1[%get3A_2, %get3A_3, %get3A_4] : memref<2x1000x128xf32, #tpu.memory_space<vmem>>, vector<1x1000x128xf32>
    %get3A_6 = vector.shape_cast %get3A_5 : vector<1x1000x128xf32> to vector<1000x128xf32>
    %get3A_7 = arith.constant 1 : index
    %get3A_8 = arith.constant 0 : index
    %get3A_9 = arith.constant 0 : index
    %get3A_10 = vector.load %arg1[%get3A_7, %get3A_8, %get3A_9] : memref<2x1000x128xf32, #tpu.memory_space<vmem>>, vector<1x1000x128xf32>
    %get3A_11 = vector.shape_cast %get3A_10 : vector<1x1000x128xf32> to vector<1000x128xf32>
    %add3A = arith.addf %get3A_6, %get3A_11 : vector<1000x128xf32>
    %get3A_12 = arith.constant 0 : index
    %get3A_13 = arith.constant 0 : index
    %get3A_14 = vector.load %arg2[%get3A_12, %get3A_13] : memref<1000x128xf32, #tpu.memory_space<vmem>>, vector<1000x128xf32>
    %add3A_15 = arith.addf %add3A, %get3A_14 : vector<1000x128xf32>
    %mul3A = vector.broadcast %rsqrt3A : vector<1000x1xf32> to vector<1000x128xf32>
    %mul3A_16 = arith.mulf %add3A_15, %mul3A : vector<1000x128xf32>
    %get3A_17 = arith.constant 0 : index
    %get3A_18 = arith.constant 0 : index
    %get3A_19 = vector.load %arg4[%get3A_17, %get3A_18] : memref<1x128xf32, #tpu.memory_space<vmem>>, vector<1x128xf32>
    %add3A_20 = vector.broadcast %get3A_19 : vector<1x128xf32> to vector<1000x128xf32>
    %add3A_21 = arith.addf %mul3A_16, %add3A_20 : vector<1000x128xf32>
    %iota3A = tpu.iota {dimensions = array<i32: 0>} : vector<64x1000xi32>
    %get3A_22 = arith.constant 0 : index
    %get3A_23 = arith.constant 0 : index
    %get3A_24 = arith.constant 0 : index
    %get3A_25 = vector.load %arg5[%get3A_22, %get3A_23, %get3A_24] : memref<1x1x1000xi32, #tpu.memory_space<vmem>>, vector<1x1x1000xi32>
    %get3A_26 = vector.shape_cast %get3A_25 : vector<1x1x1000xi32> to vector<1x1000xi32>
    %eq3A = vector.broadcast %get3A_26 : vector<1x1000xi32> to vector<64x1000xi32>
    %eq3A_27 = arith.cmpi eq, %eq3A, %iota3A : vector<64x1000xi32>
    %jit3A = arith.constant 1.000000e+00 : f32
    %jit3A_28 = arith.constant 0.000000e+00 : f32
    %broadcast_in_dim3A = vector.broadcast %jit3A : f32 to vector<64x1000xf32>
    %broadcast_in_dim3A_29 = vector.broadcast %jit3A_28 : f32 to vector<64x1000xf32>
    %select_n3A = arith.select %eq3A_27, %broadcast_in_dim3A, %broadcast_in_dim3A_29 : vector<64x1000xi1>, vector<64x1000xf32>
    %convert_element_type3A = arith.truncf %select_n3A : vector<64x1000xf32> to vector<64x1000xbf16>
    %convert_element_type3A_30 = arith.truncf %add3A_21 : vector<1000x128xf32> to vector<1000x128xbf16>
    %dot_general3A = arith.constant dense<0.000000e+00> : vector<64x128xf32>
    %dot_general3A_31 = tpu.matmul %convert_element_type3A, %convert_element_type3A_30, %dot_general3A {dimension_numbers = #tpu.dot_dimension_numbers<[1], [0], [0], [1], [0, 0, 1, 1], [], []>, transpose_lhs_hint = false} : vector<64x1000xbf16>, vector<1000x128xbf16>, vector<64x128xf32> -> vector<64x128xf32>
    %eq3A_32 = arith.constant 0 : i32
    %eq3A_33 = arith.cmpi eq, %arg0, %eq3A_32 : i32
    %convert_element_type3A_34 = arith.extui %eq3A_33 : i1 to i32
    %cond3A = arith.constant 0 : i32
    %cond3A_35 = arith.cmpi ne, %convert_element_type3A_34, %cond3A : i32
    scf.if %cond3A_35 {
      %swap3A = arith.constant 0 : index
      %swap3A_45 = arith.constant 0 : index
      %swap3A_46 = vector.load %arg9[%swap3A, %swap3A_45] : memref<64x128xf32, #tpu.memory_space<vmem>>, vector<64x128xf32>
      tpu.vector_store %arg9[%swap3A, %swap3A_45], %dot_general3A_31 {strides = array<i32>} : memref<64x128xf32, #tpu.memory_space<vmem>>, vector<64x128xf32>,
    } else {
    }
    %gt3A = arith.constant 0 : i32
    %gt3A_36 = arith.cmpi sgt, %arg0, %gt3A : i32
    %convert_element_type3A_37 = arith.extui %gt3A_36 : i1 to i32
    %cond3A_38 = arith.constant 0 : i32
    %cond3A_39 = arith.cmpi ne, %convert_element_type3A_37, %cond3A_38 : i32
    scf.if %cond3A_39 {
      %get3A_45 = arith.constant 0 : index
      %get3A_46 = arith.constant 0 : index
      %get3A_47 = vector.load %arg9[%get3A_45, %get3A_46] : memref<64x128xf32, #tpu.memory_space<vmem>>, vector<64x128xf32>
      %add3A_48 = arith.addf %get3A_47, %dot_general3A_31 : vector<64x128xf32>
      %swap3A = arith.constant 0 : index
      %swap3A_49 = arith.constant 0 : index
      %swap3A_50 = vector.load %arg9[%swap3A, %swap3A_49] : memref<64x128xf32, #tpu.memory_space<vmem>>, vector<64x128xf32>
      tpu.vector_store %arg9[%swap3A, %swap3A_49], %add3A_48 {strides = array<i32>} : memref<64x128xf32, #tpu.memory_space<vmem>>, vector<64x128xf32>,
    } else {
    }
    %eq3A_40 = arith.constant 9 : i32
    %eq3A_41 = arith.cmpi eq, %arg0, %eq3A_40 : i32
    %convert_element_type3A_42 = arith.extui %eq3A_41 : i1 to i32
    %cond3A_43 = arith.constant 0 : i32
    %cond3A_44 = arith.cmpi ne, %convert_element_type3A_42, %cond3A_43 : i32
    scf.if %cond3A_44 {
      %get3A_45 = arith.constant 0 : index
      %get3A_46 = arith.constant 0 : index
      %get3A_47 = vector.load %arg9[%get3A_45, %get3A_46] : memref<64x128xf32, #tpu.memory_space<vmem>>, vector<64x128xf32>
      %get3A_48 = arith.constant 0 : index
      %get3A_49 = arith.constant 0 : index
      %get3A_50 = vector.load %arg6[%get3A_48, %get3A_49] : memref<128x10xf32, #tpu.memory_space<vmem>>, vector<128x10xf32>
      %dot_general3A_51 = arith.constant dense<0.000000e+00> : vector<64x10xf32>
      %dot_general3A_52 = tpu.matmul %get3A_47, %get3A_50, %dot_general3A_51 {dimension_numbers = #tpu.dot_dimension_numbers<[1], [0], [0], [1], [0, 0, 1, 1], [], []>, transpose_lhs_hint = false} : vector<64x128xf32>, vector<128x10xf32>, vector<64x10xf32> -> vector<64x10xf32>
      %get3A_53 = arith.constant 0 : index
      %get3A_54 = arith.constant 0 : index
      %get3A_55 = vector.load %arg7[%get3A_53, %get3A_54] : memref<1x10xf32, #tpu.memory_space<vmem>>, vector<1x10xf32>
      %add3A_56 = vector.broadcast %get3A_55 : vector<1x10xf32> to vector<64x10xf32>
      %add3A_57 = arith.addf %dot_general3A_52, %add3A_56 : vector<64x10xf32>
      %reduce_max3A = arith.constant dense<0xFF800000> : vector<64xf32>
      %reduce_max3A_58 = vector.multi_reduction <maximumf>, %add3A_57, %reduce_max3A [1] : vector<64x10xf32> to vector<64xf32>
      %broadcast_in_dim3A_59 = vector.shape_cast %reduce_max3A_58 : vector<64xf32> to vector<64x1xf32>
      %sub3A = vector.broadcast %broadcast_in_dim3A_59 : vector<64x1xf32> to vector<64x10xf32>
      %sub3A_60 = arith.subf %add3A_57, %sub3A : vector<64x10xf32>
      %exp3A = math.exp %sub3A_60 : vector<64x10xf32>
      %reduce_sum3A = arith.constant dense<0.000000e+00> : vector<64xf32>
      %reduce_sum3A_61 = vector.multi_reduction <add>, %exp3A, %reduce_sum3A [1] : vector<64x10xf32> to vector<64xf32>
      %broadcast_in_dim3A_62 = vector.shape_cast %reduce_sum3A_61 : vector<64xf32> to vector<64x1xf32>
      %log3A = math.log %broadcast_in_dim3A_62 : vector<64x1xf32>
      %sub3A_63 = vector.broadcast %log3A : vector<64x1xf32> to vector<64x10xf32>
      %sub3A_64 = arith.subf %sub3A_60, %sub3A_63 : vector<64x10xf32>
      %swap3A = arith.constant 0 : index
      %swap3A_65 = arith.constant 0 : index
      %swap3A_66 = vector.load %arg8[%swap3A, %swap3A_65] : memref<64x10xf32, #tpu.memory_space<vmem>>, vector<64x10xf32>
      tpu.vector_store %arg8[%swap3A, %swap3A_65], %sub3A_64 {strides = array<i32>} : memref<64x10xf32, #tpu.memory_space<vmem>>, vector<64x10xf32>,
    } else {
    }
    return
  }
  func.func @transform_0(%arg0: i32) -> (i32, i32, i32) {
    %c0_i32 = arith.constant 0 : i32
    %c0_i32_0 = arith.constant 0 : i32
    %c0_i32_1 = arith.constant 0 : i32
    return %c0_i32, %arg0, %c0_i32_0 : i32, i32, i32
  }
  func.func @transform_1(%arg0: i32) -> (i32, i32) {
    %c0_i32 = arith.constant 0 : i32
    %c0_i32_0 = arith.constant 0 : i32
    return %arg0, %c0_i32 : i32, i32
  }
  func.func @transform_2(%arg0: i32) -> (i32, i32) {
    %c0_i32 = arith.constant 0 : i32
    %c0_i32_0 = arith.constant 0 : i32
    return %arg0, %c0_i32 : i32, i32
  }
  func.func @transform_3(%arg0: i32) -> (i32, i32) {
    %c0_i32 = arith.constant 0 : i32
    %c0_i32_0 = arith.constant 0 : i32
    %c0_i32_1 = arith.constant 0 : i32
    return %c0_i32, %c0_i32_0 : i32, i32
  }
  func.func @transform_4(%arg0: i32) -> (i32, i32, i32) {
    %c0_i32 = arith.constant 0 : i32
    %c0_i32_0 = arith.constant 0 : i32
    %c0_i32_1 = arith.constant 0 : i32
    return %arg0, %c0_i32, %c0_i32_0 : i32, i32, i32
  }
  func.func @transform_5(%arg0: i32) -> (i32, i32) {
    %c0_i32 = arith.constant 0 : i32
    %c0_i32_0 = arith.constant 0 : i32
    %c0_i32_1 = arith.constant 0 : i32
    return %c0_i32, %c0_i32_0 : i32, i32
  }
  func.func @transform_6(%arg0: i32) -> (i32, i32) {
    %c0_i32 = arith.constant 0 : i32
    %c0_i32_0 = arith.constant 0 : i32
    %c0_i32_1 = arith.constant 0 : i32
    return %c0_i32, %c0_i32_0 : i32, i32
  }
  func.func @transform_7(%arg0: i32) -> (i32, i32) {
    %c0_i32 = arith.constant 0 : i32
    %c0_i32_0 = arith.constant 0 : i32
    %c0_i32_1 = arith.constant 0 : i32
    return %c0_i32, %c0_i32_0 : i32, i32
  }
}

</mosaic_0001>

<sc_bundles>
// kernel: kernel.11.cloned.1.call-start
scs
__scs_entry_jumppad:
0x0: {  	(pc) =	sbr.rel $0x88, $3  }
0x1: {  	(tag) =	ssettag $0x0;
	lr =	simm.s32 $0x1  }
0x2: {  	[smem:$0x3F98] =	sst lr;
	_ =	strace $0xD0000000  }
0x3: {  	_ = 	snop  }
0x4: {  	_ = 	snop  }
0x5: {  	_ = 	snop  }
0x6: {  	_ = 	snop  }
0x7: {  	_ = 	snop  }
__scs_overlays_trampoline_lowered:
0x8: {  	[smem:$0x3FA7] =	sst s0  }
0x9: {  	[smem:$0x3FA8] =	sst s1  }
0xa: {  	[smem:$0x3FA9] =	sst s2  }
0xb: {  	[smem:$0x3FAA] =	sst s3  }
0xc: {  	[smem:$0x3FAB] =	sst s4  }
0xd: {  	[smem:$0x3FAC] =	sst s5  }
0xe: {  	[smem:$0x3FAD] =	sst s6  }
0xf: {  	[smem:$0x3FAE] =	sst s7  }
0x10: {  	[smem:$0x3FAF] =	sst s8  }
0x11: {  	[smem:$0x3FB0] =	sst s9;
	s0 =	simm.s32 @!p0 $0x0  }
0x12: {  	s1 =	sld [smem:$0x3F96];
	s0 =	simm.s32 @p0 $0x1  }
0x13: {  	[smem:$0x3FB1] =	sst s0;
	s0 =	simm.s32 @!p1 $0x0  }
0x14: {  	s2 =	sld [smem:$0x3F95];
	s0 =	simm.s32 @p1 $0x1  }
0x15: {  	[smem:$0x3FB2] =	sst s0;
	s0 =	simm.s32 @!p2 $0x0  }
0x16: {  	s3 =	sld [smem:$0x3FDB];
	s0 =	simm.s32 @p2 $0x1  }
0x17: {  	s4 =	simm.s32 $0x1BF5;
	[smem:$0x3FB4] =	sst s0  }
0x18: {  	s0 =	sld [smem:$0x3F97];
	_ =	swait.ge [sflag:s4], $0x0  }
0x19: {  	s7 =	sld [smem:$0x3F98]  }
0x1a: {  	s8 =	sadd.s32 $0xFFFFE003, lr  }
0x1b: {  	s9 =	sadd.s32 $0xFFFFFEF7, lr;
	s5 =	simm.s32 $0xFFFFFFFF;
	p2 =	slt.u32 s8, $0xFFFFF086  }
0x1c: {  	p1 =	slt.u32 s9, $0xF7A;
	s5 =	simm.s32 @!p2 $0x0  }
0x1d: {  	s5 =	simm.s32 @p1 $0x1;
	p0 =	seq.s32 s7, s2  }
0x1e: {  	s7 =	smul.u32 @!p0 $0xF7A, s2;
	p2 =	seq.s32 @!p0 s5, $0x0  }
0x1f: {  	s9 =	smul.u32 $0xF7A, s1;
	s8 =	simm.s32 @!p0 $0x1BF5;
	p2 =	por !p2, p0  }
0x20: {  	[sflag:s8] =	ssyncset.s32 @!p0 $0xFFFFF086;
	s6 =	sadd.s32 @!p0 s3, s7;
	s7 =	simm.s32 @!p0 $0x108  }
0x21: {  	s3 =	sadd.s32 s3, s9;
	s6 =	sadd.s32 @!p0 $0x88, s6;
	s7 =	simm.s32 @p2 $0x1082  }
0x22: {  	[simem:s7], [sflag:s8] =	dma.local @!p0 [hbm:s6], $0xF7A  }
0x23: {  	s9 =	sor.u32 $0xD0000000, s2;
	s6 =	simm.s32 $0x108;
	_ =	swait.ge @!p0 [sflag:s8], $0x0  }
0x24: {  	s3 =	sadd.s32 $0x88, s3;
	s6 =	simm.s32 @!p1 $0x1082;
	[sflag:s4] =	ssyncset.s32 $0xFFFFF086  }
0x25: {  	[simem:s6], [sflag:s4] =	dma.local [hbm:s3], $0xF7A  }
0x26: {  	[smem:$0x3F98] =	sst s1;
	(tag) =	ssettag s2;
	_ =	strace s9  }
0x27: {  	s1 =	sld [smem:$0x3FA8]  }
0x28: {  	s2 =	sld [smem:$0x3FA9]  }
0x29: {  	s4 =	sld [smem:$0x3FAB]  }
0x2a: {  	p0 =	seq.s32 s5, $0x0;
	s5 =	sld [smem:$0x3FAC]  }
0x2b: {  	s6 =	sld [smem:$0x3FAD]  }
0x2c: {  	s7 =	sld [smem:$0x3FAE]  }
0x2d: {  	s3 =	simm.s32 $0x108;
	s8 =	sld [smem:$0x3FAF]  }
0x2e: {  	s3 =	simm.s32 @!p0 $0x1082;
	s9 =	sld [smem:$0x3FB0]  }
0x2f: {  	lr =	sadd.s32 s0, s3;
	s0 =	sld [smem:$0x3FA7]  }
0x30: {  	s3 =	sld [smem:$0x3FAA]  }
0x31: {  	[smem:$0x3FB3] =	sst s10  }
0x32: {  	s10 =	sld [smem:$0x3FB1];
	_ =	sdelay $0x3  }
0x33: {  	p0 =	seq.s32 s10, $0x1;
	s10 =	sld [smem:$0x3FB3];
	_ =	sdelay $0x3  }
0x34: {  	[smem:$0x3FB3] =	sst s10  }
0x35: {  	s10 =	sld [smem:$0x3FB2];
	_ =	sdelay $0x3  }
0x36: {  	p1 =	seq.s32 s10, $0x1;
	s10 =	sld [smem:$0x3FB3];
	_ =	sdelay $0x3  }
0x37: {  	[smem:$0x3FB3] =	sst s10  }
0x38: {  	s10 =	sld [smem:$0x3FB4]  }
0x39: {  	_ = 	snop;
	(pc) =	sbr.ind lr, $3  }
0x3a: {  	_ = 	snop  }
0x3b: {  	_ = 	snop  }
0x3c: {  	p2 =	seq.s32 s10, $0x1;
	s10 =	sld [smem:$0x3FB3]  }
0x3d: {  	_ =	shalt  }
0x3e: {  	_ =	shalt  }
0x3f: {  	_ =	shalt  }
0x40: {  	_ =	shalt  }
0x41: {  	_ =	shalt  }
0x42: {  	_ =	shalt  }
0x43: {  	_ =	shalt  }
0x44: {  	_ =	shalt  }
0x45: {  	_ =	shalt  }
0x46: {  	_ =	shalt  }
0x47: {  	_ =	shalt  }
0x48: {  	_ =	shalt  }
0x49: {  	_ =	shalt  }
0x4a: {  	_ =	shalt  }
0x4b: {  	_ =	shalt  }
0x4c: {  	_ =	shalt  }
0x4d: {  	_ =	shalt  }
0x4e: {  	_ =	shalt  }
0x4f: {  	_ =	shalt  }
0x50: {  	_ =	shalt  }
0x51: {  	_ =	shalt  }
0x52: {  	_ =	shalt  }
0x53: {  	_ =	shalt  }
0x54: {  	_ =	shalt  }
0x55: {  	_ =	shalt  }
0x56: {  	_ =	shalt  }
0x57: {  	_ =	shalt  }
0x58: {  	_ =	shalt  }
0x59: {  	_ =	shalt  }
0x5a: {  	_ =	shalt  }
0x5b: {  	_ =	shalt  }
0x5c: {  	_ =	shalt  }
0x5d: {  	_ =	shalt  }
0x5e: {  	_ =	shalt  }
0x5f: {  	_ =	shalt  }
0x60: {  	_ =	shalt  }
0x61: {  	_ =	shalt  }
0x62: {  	_ =	shalt  }
0x63: {  	_ =	shalt  }
0x64: {  	_ =	shalt  }
0x65: {  	_ =	shalt  }
0x66: {  	_ =	shalt  }
0x67: {  	_ =	shalt  }
0x68: {  	_ =	shalt  }
0x69: {  	_ =	shalt  }
0x6a: {  	_ =	shalt  }
0x6b: {  	_ =	shalt  }
0x6c: {  	_ =	shalt  }
0x6d: {  	_ =	shalt  }
0x6e: {  	_ =	shalt  }
0x6f: {  	_ =	shalt  }
0x70: {  	_ =	shalt  }
0x71: {  	_ =	shalt  }
0x72: {  	_ =	shalt  }
0x73: {  	_ =	shalt  }
0x74: {  	_ =	shalt  }
0x75: {  	_ =	shalt  }
0x76: {  	_ =	shalt  }
0x77: {  	_ =	shalt  }
0x78: {  	_ =	shalt  }
0x79: {  	_ =	shalt  }
0x7a: {  	_ =	shalt  }
0x7b: {  	_ =	shalt  }
0x7c: {  	_ =	shalt  }
0x7d: {  	_ =	shalt  }
0x7e: {  	_ =	shalt  }
0x7f: {  	_ =	shalt  }
0x80: {  	_ =	shalt  }
0x81: {  	_ =	shalt  }
0x82: {  	_ =	shalt  }
0x83: {  	_ =	shalt  }
0x84: {  	_ =	shalt  }
0x85: {  	_ =	shalt  }
0x86: {  	_ =	shalt  }
0x87: {  	_ =	shalt  }
.Lfunc_end0:
.L_simem_size_0:
called_computation.1_lowered:
.L_overlay_start_0:
0x88: {  	s2 =	sld [smem:$0x3FD9]  }
0x89: {  	s3 =	sld [smem:$0x3FFE];
	_ =	sdelay $0x1  }
0x8a: {  	s1 =	srdreg.scid  }
0x8b: {  	s0 =	sand.u32 $0x1, s1  }
0x8c: {  	s16 =	sshll.u32 s0, $0xA;
	s2 =	sadd.s32 s3, s2  }
0x8d: {  	s2 =	sadd.s32 s2, s16  }
0x8e: {  	[smem:$0x3FBF] =	sst s2  }
0x8f: {  	_ = 	snop  }
0x90: {  	(tm) =	ssettm $0x1  }
0x91: {  	s17 =	sld [smem:$0x3FFB];
	_ =	sdelay $0x3  }
0x92: {  	_ =	strace s17  }
0x93: {  	s2 =	sld [smem:$0x3FFC];
	_ =	sdelay $0x3  }
0x94: {  	_ =	strace s2  }
0x95: {  	s2 =	sld [smem:$0x3FFD];
	_ =	sdelay $0x3  }
0x96: {  	_ =	strace s2  }
0x97: {  	_ =	strace $0x8FFFFFFF  }
0x98: {  	s18 =	sld [smem:$0x3FDB];
	_ =	sdelay $0x1  }
0x99: {  	s19 =	simm.s32 $_scs_section_size  }
0x9a: {  	s4 =	simm.s32 $_size__tile_overlayer_lowered;
	s5 =	simm.s32 $_tile_overlayer_lowered  }
0x9b: {  	s22 =	simm.s32 $0x1BFF;
	s21 =	sshll.u32 s5, $0x1;
	s2 =	sadd.s32 s19, s18  }
0x9c: {  	s6 =	simm.s32 $0x0;
	s20 =	sshll.u32 s4, $0x1;
	s4 =	sadd.s32 s21, s2  }
0x9d: {  	[timem:s6], [sflag:s22] =	dma.local [hbm:s4], s20  }
0x9e: {  	_ =	swait.ge [sflag:s22], s20  }
0x9f: {  	s3 =	ssub.s32 $0x0, s20;
	[sflag:s22] =	ssyncset.done $0x0  }
0xa0: {  	[sflag:s22] =	ssyncadd.s32 s3;
	_ =	sdelay $0x1  }
0xa1: {  	s23 =	simm.s32 $0x1B8B  }
0xa2: {  	_ =	swait.ge [sflag:s23], $0x1  }
0xa3: {  	[sflag:s23] =	ssyncset.done $0x0  }
0xa4: {  	s25 =	simm.s32 $0x1B8E;
	s24 =	sld [smem:$0x3FFE];
	[sflag:s23] =	ssyncadd.s32 $0xFFFFFFFF  }
0xa5: {  	s26 =	simm.s32 $execute0_lowered;
	[smem:$0x3FD2] =	sst s25  }
0xa6: {  	s4 =	sshll.u32 s26, $0x1;
	_ =	strace $0x80000049;
	[dreg:$0x1] =	wrdreg $0xFFFFFFFF  }
0xa7: {  	s28 =	simm.s32 $_size_execute0_lowered;
	s2 =	sadd.s32 s2, s4;
	[dreg:$0x0] =	wrdreg $0x0  }
0xa8: {  	s4 =	sshll.u32 s28, $0x1;
	[dreg:$0x2] =	wrdreg s2  }
0xa9: {  	[dreg:$0x3] =	wrdreg s4  }
0xaa: {  	[dreg:$0x4] =	wrdreg $0xC0  }
0xab: {  	_ =	task [dreg:s6], $0x5FFFF  }
0xac: {  	[dreg:$0x1] =	wrdreg $0xFFFFFFFF  }
0xad: {  	[dreg:$0x0] =	wrdreg $0x60  }
0xae: {  	[dreg:$0x2] =	wrdreg s24  }
0xaf: {  	[dreg:$0x3] =	wrdreg $0xA8000  }
0xb0: {  	[dreg:$0x4] =	wrdreg $0x9  }
0xb1: {  	_ =	task.clear_ibuf [dreg:s6], $0x5FFFF;
	_ =	strace $0x90000049  }
0xb2: {  	s29 =	simm.s32 $0x9;
	_ =	strace $0x8000004B  }
0xb3: {  	_ =	swait.ge [sflag:s29], $0x1  }
0xb4: {  	[sflag:s29] =	ssyncadd.s32 $0xFFFFFFFF  }
0xb5: {  	_ =	strace $0x9000004B  }
0xb6: {  	_ =	sfence  }
0xb7: {  	s30 =	sld [smem:$0x0];
	_ =	sdelay $0x2  }
0xb8: {  	s31 =	sshll.u32 s1, $0xD;
	s1 =	sshrl.u32 s1, $0x2  }
0xb9: {  	s3 =	sand.u32 $0x4000, s31;
	s1 =	sadd.s32 s1, s30  }
0xba: {  	s0 =	sor.u32 s3, s0;
	s1 =	sshll.u32 s1, $0x11  }
0xbb: {  	s0 =	sor.u32 s1, s0  }
0xbc: {  	s0 =	sadd.s32 $0x8F2B, s0  }
0xbd: {  	[sflag:s0] =	ssyncadd.remote.s32 $0x1  }
0xbe: {  	_ =	sfence.sel $0xFFFF  }
0xbf: {  	[dreg:$0x0] =	wrdreg $0xFFFFFFFF;
	(pc) =	sbr.abs _section_cstart, $3  }
0xc0: {  	[dreg:$0x1] =	wrdreg $0xFFFFFFFF  }
0xc1: {  	_ =	task.clear_ibuf [dreg:s6], $0x2FFFF;
	_ =	strace $0x9FFFFFFF  }
0xc2: {  	(tm) =	ssettm $0x7FFFFFFF  }
0xc3: {  	_ =	shalt  }
tec
execute0_lowered:
.L_overlay_start_1:
0x0: {  	(tag) =	ssettag $0x1  }
0x1: {  	s0 =	rddreg [dreg:$0x0];
	s1 =	srdreg.scid  }
0x2: {  	s8 =	stileid.u32;
	s2 =	rddreg [dreg:$0x1];
	s3 =	simm.s32 $0x0  }
0x3: {  	s28 =	simm.s32 $0x2700;
	s29 =	simm.s32 $0x2780;
	s30 =	simm.s32 $0x3  }
0x4: {  	s31 =	simm.s32 $0x4;
	s1 =	sand.u32 $0x1, s1;
	s7 =	smul.u32 $0x50000, s8  }
0x5: {  	s4 =	sshll.u32 s8, $0x1;
	[smem:$0x7FF] =	sst s3;
	s13 =	smul.u32 $0x14000, s8  }
0x6: {  	s4 =	sor.u32 s1, s4;
	s6 =	ssub.s32 $0x2, s1;
	s1 =	smul.u32 $0x140000, s1  }
0x7: {  	_ =	strace $0x8000004A;
	s5 =	smul.u32 $0x2800, s4;
	s4 =	sadd.s32 $0x16C00, s0  }
0x8: {  	s20 =	sshrl.u32 s6, $0x1;
	s21 =	sshrl.u32 s7, $0x2;
	s14 =	sadd.s32 $0x4000, s13  }
0x9: {  	s16 =	sadd.s32 $0x8000, s13;
	s17 =	sadd.s32 $0xC000, s13;
	s18 =	sadd.s32 $0x10000, s13  }
0xa: {  	s19 =	ssub.s32 s6, s20;
	s6 =	sadd.s32 s14, s2;
	s7 =	sadd.s32 s16, s2  }
0xb: {  	s8 =	sadd.s32 s17, s2;
	s9 =	sadd.s32 s18, s2;
	s15 =	sadd.s32 s13, s1  }
0xc: {  	s14 =	sadd.s32 s1, s14;
	s25 =	sadd.s32 s1, s16;
	s17 =	sadd.s32 s1, s17  }
0xd: {  	s1 =	sadd.s32 s1, s18;
	s20 =	simm.s32 $0x2800;
	s5 =	sshrl.u32 s5, $0x3  }
0xe: {  	s23 =	sshrl.u32 s15, $0x3;
	s24 =	sshrl.u32 s14, $0x3;
	s26 =	sshrl.u32 s17, $0x3  }
0xf: {  	s1 =	sshrl.u32 s1, $0x3;
	s19 =	smax.u32 s19, $0x1;
	s10 =	sadd.s32 s5, s0  }
0x10: {  	s0 =	sadd.s32 $0x3DE00, s0;
	s5 =	sadd.s32 s21, s2;
	s21 =	simm.s32 $0x5  }
0x11: {  	s11 =	sadd.s32 $0x2C00, s10;
	s22 =	sadd.s32 $0xCC00, s10;
	s12 =	sadd.s32 $0x2E80, s10  }
0x12: {  	s13 =	sadd.s32 $0xCE80, s10;
	s14 =	sadd.s32 s0, s23;
	s15 =	sadd.s32 s0, s24  }
0x13: {  	s10 =	sshrl.u32 s25, $0x3;
	s17 =	sadd.s32 s0, s26;
	s18 =	sadd.s32 s0, s1  }
0x14: {  	s23 =	simm.s32 $0x80;
	s24 =	simm.s32 $0x6800;
	s25 =	simm.s32 $0x1  }
0x15: {  	s26 =	simm.s32 $0x2;
	s1 =	simm.s32 $0x0;
	[dreg:$0x3] =	wrdreg s11  }
0x16: {  	v0 =	vimm.f32 $0.0e+00;
	[dreg:$0x4] =	wrdreg s22;
	s16 =	sadd.s32 s0, s10;
	s22 =	simm.s32 $0x1400  }
.LBB2_1:
0x17: {  	s0 =	simm.s32 $0x0;
	s10 =	simm.s32 $0x200  }
.LBB2_2:
0x18: {  	p0 =	sne.s32 s10, $0xFE00;
	[tilespmem:s0+$0x2870] =	vst v0  }
0x19: {  	[tilespmem:s0+$0x2800] =	vst v0  }
0x1a: {  	[tilespmem:s0+$0x2810] =	vst v0  }
.Ltmp0:
0x1b: {  	[tilespmem:s0+$0x2820] =	vst v0;
	(pc) =	sbr.rel @p0 .LBB2_2-.Ltmp0, $4  }
0x1c: {  	[tilespmem:s0+$0x2830] =	vst v0  }
0x1d: {  	[tilespmem:s0+$0x2840] =	vst v0  }
0x1e: {  	[tilespmem:s0+$0x2850] =	vst v0  }
0x1f: {  	[tilespmem:s0+$0x2860] =	vst v0;
	s0 =	sshra.s32 s10, $0x2;
	s10 =	sadd.s32 $0x200, s10  }
0x20: {  	[tilespmem:s0+$0x2870] =	vst v0  }
0x21: {  	[tilespmem:s0+$0x2800] =	vst v0  }
0x22: {  	[tilespmem:s0+$0x2810] =	vst v0  }
0x23: {  	[tilespmem:s0+$0x2820] =	vst v0  }
0x24: {  	[tilespmem:s0+$0x2830] =	vst v0  }
0x25: {  	[tilespmem:s0+$0x2840] =	vst v0  }
0x26: {  	[tilespmem:s0+$0x2850] =	vst v0  }
0x27: {  	[tilespmem:s0+$0x2860] =	vst v0  }
0x28: {  	[spmem:s5] =	stream.linear.scatter [tilespmem:s20], [sflag:$0x5], $0x4000, $0x38;
	[tilespmem:$0x1E800] =	vst v63  }
0x29: {  	_ =	swait.ge [sflag:s21], $0x4000  }
0x2a: {  	[sflag:s21] =	ssyncset.done $0x0  }
0x2b: {  	[sflag:s21] =	ssyncadd.s32 $0xFFFFC000  }
0x2c: {  	[spmem:s6] =	stream.linear.scatter [tilespmem:s20], [sflag:$0x5], $0x4000, $0x38;
	[tilespmem:$0x1E800] =	vst v63  }
0x2d: {  	_ =	swait.ge [sflag:s21], $0x4000  }
0x2e: {  	[sflag:s21] =	ssyncset.done $0x0  }
0x2f: {  	[sflag:s21] =	ssyncadd.s32 $0xFFFFC000  }
0x30: {  	[spmem:s7] =	stream.linear.scatter [tilespmem:s20], [sflag:$0x5], $0x4000, $0x38;
	[tilespmem:$0x1E800] =	vst v63  }
0x31: {  	_ =	swait.ge [sflag:s21], $0x4000  }
0x32: {  	[sflag:s21] =	ssyncset.done $0x0  }
0x33: {  	[sflag:s21] =	ssyncadd.s32 $0xFFFFC000  }
0x34: {  	[spmem:s8] =	stream.linear.scatter [tilespmem:s20], [sflag:$0x5], $0x4000, $0x38;
	[tilespmem:$0x1E800] =	vst v63  }
0x35: {  	_ =	swait.ge [sflag:s21], $0x4000  }
0x36: {  	[sflag:s21] =	ssyncset.done $0x0  }
0x37: {  	[sflag:s21] =	ssyncadd.s32 $0xFFFFC000  }
0x38: {  	[spmem:s9] =	stream.linear.scatter [tilespmem:s20], [sflag:$0x5], $0x4000, $0x38;
	[tilespmem:$0x1E800] =	vst v63  }
0x39: {  	_ =	swait.ge [sflag:s21], $0x4000  }
0x3a: {  	[sflag:s21] =	ssyncset.done $0x0  }
0x3b: {  	s0 =	simm.s32 $0x0;
	s10 =	rddreg [dreg:$0x3];
	[sflag:s21] =	ssyncadd.s32 $0xFFFFC000  }
0x3c: {  	[tilespmem:s0], [sflag:$0x5] =	stream.linear.gather [hbm4b:s10+s0], $0x1400, $0x38;
	[tilespmem:$0x1E800] =	vst v63  }
0x3d: {  	_ =	swait.ge [sflag:s21], $0x1400  }
0x3e: {  	[sflag:s21] =	ssyncset.done $0x0  }
0x3f: {  	s11 =	rddreg [dreg:$0x4];
	[sflag:s21] =	ssyncadd.s32 $0xFFFFEC00  }
0x40: {  	[tilespmem:s22], [sflag:$0x5] =	stream.linear.gather [hbm4b:s11+s0], $0x1400, $0x38;
	[tilespmem:$0x1E800] =	vst v63  }
0x41: {  	_ =	swait.ge [sflag:s21], $0x1400  }
0x42: {  	[sflag:s21] =	ssyncset.done $0x0  }
0x43: {  	[sflag:s21] =	ssyncadd.s32 $0xFFFFEC00  }
0x44: {  	[tilespmem:s20], [sflag:$0x1] =	stream.indirect.gather [hbm4b:s4+s23], $0x80, s0, s23, $0xb8;
	[tilespmem:$0x1E800] =	vst v63  }
0x45: {  	_ = 	snop  }
0x46: {  	[tilespmem:s24], [sflag:$0x2] =	stream.indirect.gather [hbm4b:s4+s23], $0x80, s23, s23, $0xb8;
	[tilespmem:$0x1E800] =	vst v63  }
0x47: {  	[bflag:$0x0] =	sbarrier.arrive $0xFFFF  }
0x48: {  	_ =	swait.ge [sflag:s25], $0x4000  }
0x49: {  	[sflag:s25] =	ssyncset.done $0x0  }
0x4a: {  	s11 =	simm.s32 $0x1400;
	[sflag:s25] =	ssyncadd.s32 $0xFFFFC000  }
0x4b: {  	[spmem:s2] =	stream.indirect.scatter.add.f32 [tilespmem:s20], [sflag:$0x5], $0x80, s11, s23, $0xb8;
	[tilespmem:$0x1E800] =	vst v63  }
0x4c: {  	_ =	swait.ge [sflag:s21], $0x4000  }
0x4d: {  	[sflag:s21] =	ssyncset.done $0x0  }
0x4e: {  	s10 =	simm.s32 $0x100;
	[sflag:s21] =	ssyncadd.s32 $0xFFFFC000  }
0x4f: {  	[tilespmem:s20], [sflag:$0x1] =	stream.indirect.gather [hbm4b:s4+s23], $0x80, s10, s23, $0xb8;
	[tilespmem:$0x1E800] =	vst v63  }
0x50: {  	_ =	swait.ge [sflag:s26], $0x4000  }
0x51: {  	[sflag:s26] =	ssyncset.done $0x0  }
0x52: {  	s11 =	simm.s32 $0x1480;
	[sflag:s26] =	ssyncadd.s32 $0xFFFFC000  }
0x53: {  	[spmem:s2] =	stream.indirect.scatter.add.f32 [tilespmem:s24], [sflag:$0x5], $0x80, s11, s23, $0xb8;
	[tilespmem:$0x1E800] =	vst v63  }
0x54: {  	_ =	swait.ge [sflag:s21], $0x4000  }
0x55: {  	[sflag:s21] =	ssyncset.done $0x0  }
0x56: {  	s0 =	simm.s32 $0x400;
	s10 =	simm.s32 $0x180;
	[sflag:s21] =	ssyncadd.s32 $0xFFFFC000  }
.LBB2_4:
0x57: {  	[tilespmem:s24], [sflag:$0x2] =	stream.indirect.gather [hbm4b:s4+s23], $0x80, s10, s23, $0xb8;
	[tilespmem:$0x1E800] =	vst v63  }
0x58: {  	s10 =	smov.u32 s0  }
0x59: {  	p0 =	sne.s32 s0, $0x4800;
	s0 =	sadd.s32 $0x400, s0;
	_ =	swait.ge [sflag:s25], $0x4000  }
0x5a: {  	s10 =	sshra.s32 s10, $0x2;
	[sflag:s25] =	ssyncset.done $0x0  }
0x5b: {  	s11 =	sadd.s32 $0x1400, s10;
	[sflag:s25] =	ssyncadd.s32 $0xFFFFC000  }
0x5c: {  	[spmem:s2] =	stream.indirect.scatter.add.f32 [tilespmem:s20], [sflag:$0x5], $0x80, s11, s23, $0xb8;
	[tilespmem:$0x1E800] =	vst v63  }
0x5d: {  	_ =	swait.ge [sflag:s21], $0x4000  }
0x5e: {  	[sflag:s21] =	ssyncset.done $0x0  }
0x5f: {  	s11 =	sadd.s32 $0x100, s10;
	[sflag:s21] =	ssyncadd.s32 $0xFFFFC000  }
0x60: {  	[tilespmem:s20], [sflag:$0x1] =	stream.indirect.gather [hbm4b:s4+s23], $0x80, s11, s23, $0xb8;
	[tilespmem:$0x1E800] =	vst v63  }
0x61: {  	_ =	swait.ge [sflag:s26], $0x4000  }
0x62: {  	[sflag:s26] =	ssyncset.done $0x0  }
.Ltmp1:
0x63: {  	s11 =	sadd.s32 $0x1480, s10;
	[sflag:s26] =	ssyncadd.s32 $0xFFFFC000;
	(pc) =	sbr.rel @p0 .LBB2_4-.Ltmp1, $4  }
0x64: {  	[spmem:s2] =	stream.indirect.scatter.add.f32 [tilespmem:s24], [sflag:$0x5], $0x80, s11, s23, $0xb8;
	[tilespmem:$0x1E800] =	vst v63  }
0x65: {  	_ =	swait.ge [sflag:s21], $0x4000  }
0x66: {  	[sflag:s21] =	ssyncset.done $0x0  }
0x67: {  	s10 =	sadd.s32 $0x180, s10;
	[sflag:s21] =	ssyncadd.s32 $0xFFFFC000  }
0x68: {  	[tilespmem:s24], [sflag:$0x2] =	stream.indirect.gather [hbm4b:s4+s23], $0x80, s10, s23, $0xb8;
	[tilespmem:$0x1E800] =	vst v63  }
0x69: {  	_ =	swait.ge [sflag:s25], $0x4000  }
0x6a: {  	[sflag:s25] =	ssyncset.done $0x0  }
0x6b: {  	[sflag:s25] =	ssyncadd.s32 $0xFFFFC000  }
0x6c: {  	[spmem:s2] =	stream.indirect.scatter.add.f32 [tilespmem:s20], [sflag:$0x5], $0x80, s28, s23, $0xb8;
	[tilespmem:$0x1E800] =	vst v63  }
0x6d: {  	_ =	swait.ge [sflag:s21], $0x4000  }
0x6e: {  	[sflag:s21] =	ssyncset.done $0x0  }
0x6f: {  	[sflag:s21] =	ssyncadd.s32 $0xFFFFC000  }
0x70: {  	_ =	swait.ge [sflag:s26], $0x4000  }
0x71: {  	[sflag:s26] =	ssyncset.done $0x0  }
0x72: {  	[sflag:s26] =	ssyncadd.s32 $0xFFFFC000  }
0x73: {  	[spmem:s2] =	stream.indirect.scatter.add.f32 [tilespmem:s24], [sflag:$0x5], $0x80, s29, s23, $0xb8;
	[tilespmem:$0x1E800] =	vst v63  }
0x74: {  	_ =	swait.ge [sflag:s21], $0x4000  }
0x75: {  	[sflag:s21] =	ssyncset.done $0x0  }
0x76: {  	s0 =	simm.s32 $0x0;
	[sflag:s21] =	ssyncadd.s32 $0xFFFFC000  }
0x77: {  	[tilespmem:s0], [sflag:$0x5] =	stream.linear.gather [hbm4b:s12+s0], $0x1400, $0x38;
	[tilespmem:$0x1E800] =	vst v63  }
0x78: {  	_ =	swait.ge [sflag:s21], $0x1400  }
0x79: {  	[sflag:s21] =	ssyncset.done $0x0  }
0x7a: {  	[sflag:s21] =	ssyncadd.s32 $0xFFFFEC00  }
0x7b: {  	[tilespmem:s22], [sflag:$0x5] =	stream.linear.gather [hbm4b:s13+s0], $0x1400, $0x38;
	[tilespmem:$0x1E800] =	vst v63  }
0x7c: {  	_ =	swait.ge [sflag:s21], $0x1400  }
0x7d: {  	[sflag:s21] =	ssyncset.done $0x0  }
0x7e: {  	[sflag:s21] =	ssyncadd.s32 $0xFFFFEC00  }
0x7f: {  	[tilespmem:s20], [sflag:$0x1] =	stream.indirect.gather [hbm4b:s4+s23], $0x80, s0, s23, $0xb8;
	[tilespmem:$0x1E800] =	vst v63  }
0x80: {  	_ = 	snop  }
0x81: {  	[tilespmem:s24], [sflag:$0x2] =	stream.indirect.gather [hbm4b:s4+s23], $0x80, s23, s23, $0xb8;
	[tilespmem:$0x1E800] =	vst v63  }
0x82: {  	_ =	swait.ge [sflag:s25], $0x4000  }
0x83: {  	[sflag:s25] =	ssyncset.done $0x0  }
0x84: {  	s11 =	simm.s32 $0x1400;
	[sflag:s25] =	ssyncadd.s32 $0xFFFFC000  }
0x85: {  	[spmem:s2] =	stream.indirect.scatter.add.f32 [tilespmem:s20], [sflag:$0x5], $0x80, s11, s23, $0xb8;
	[tilespmem:$0x1E800] =	vst v63  }
0x86: {  	_ =	swait.ge [sflag:s21], $0x4000  }
0x87: {  	[sflag:s21] =	ssyncset.done $0x0  }
0x88: {  	s10 =	simm.s32 $0x100;
	[sflag:s21] =	ssyncadd.s32 $0xFFFFC000  }
0x89: {  	[tilespmem:s20], [sflag:$0x1] =	stream.indirect.gather [hbm4b:s4+s23], $0x80, s10, s23, $0xb8;
	[tilespmem:$0x1E800] =	vst v63  }
0x8a: {  	_ =	swait.ge [sflag:s26], $0x4000  }
0x8b: {  	[sflag:s26] =	ssyncset.done $0x0  }
0x8c: {  	s11 =	simm.s32 $0x1480;
	[sflag:s26] =	ssyncadd.s32 $0xFFFFC000  }
0x8d: {  	[spmem:s2] =	stream.indirect.scatter.add.f32 [tilespmem:s24], [sflag:$0x5], $0x80, s11, s23, $0xb8;
	[tilespmem:$0x1E800] =	vst v63  }
0x8e: {  	_ =	swait.ge [sflag:s21], $0x4000  }
0x8f: {  	[sflag:s21] =	ssyncset.done $0x0  }
0x90: {  	s0 =	simm.s32 $0x400;
	s10 =	simm.s32 $0x180;
	[sflag:s21] =	ssyncadd.s32 $0xFFFFC000  }
.LBB2_6:
0x91: {  	[tilespmem:s24], [sflag:$0x2] =	stream.indirect.gather [hbm4b:s4+s23], $0x80, s10, s23, $0xb8;
	[tilespmem:$0x1E800] =	vst v63  }
0x92: {  	s10 =	smov.u32 s0  }
0x93: {  	p0 =	sne.s32 s0, $0x4800;
	s0 =	sadd.s32 $0x400, s0;
	_ =	swait.ge [sflag:s25], $0x4000  }
0x94: {  	s10 =	sshra.s32 s10, $0x2;
	[sflag:s25] =	ssyncset.done $0x0  }
0x95: {  	s11 =	sadd.s32 $0x1400, s10;
	[sflag:s25] =	ssyncadd.s32 $0xFFFFC000  }
0x96: {  	[spmem:s2] =	stream.indirect.scatter.add.f32 [tilespmem:s20], [sflag:$0x5], $0x80, s11, s23, $0xb8;
	[tilespmem:$0x1E800] =	vst v63  }
0x97: {  	_ =	swait.ge [sflag:s21], $0x4000  }
0x98: {  	[sflag:s21] =	ssyncset.done $0x0  }
0x99: {  	s11 =	sadd.s32 $0x100, s10;
	[sflag:s21] =	ssyncadd.s32 $0xFFFFC000  }
0x9a: {  	[tilespmem:s20], [sflag:$0x1] =	stream.indirect.gather [hbm4b:s4+s23], $0x80, s11, s23, $0xb8;
	[tilespmem:$0x1E800] =	vst v63  }
0x9b: {  	_ =	swait.ge [sflag:s26], $0x4000  }
0x9c: {  	[sflag:s26] =	ssyncset.done $0x0  }
.Ltmp2:
0x9d: {  	s11 =	sadd.s32 $0x1480, s10;
	[sflag:s26] =	ssyncadd.s32 $0xFFFFC000;
	(pc) =	sbr.rel @p0 .LBB2_6-.Ltmp2, $4  }
0x9e: {  	[spmem:s2] =	stream.indirect.scatter.add.f32 [tilespmem:s24], [sflag:$0x5], $0x80, s11, s23, $0xb8;
	[tilespmem:$0x1E800] =	vst v63  }
0x9f: {  	_ =	swait.ge [sflag:s21], $0x4000  }
0xa0: {  	[sflag:s21] =	ssyncset.done $0x0  }
0xa1: {  	s10 =	sadd.s32 $0x180, s10;
	[sflag:s21] =	ssyncadd.s32 $0xFFFFC000  }
0xa2: {  	[tilespmem:s24], [sflag:$0x2] =	stream.indirect.gather [hbm4b:s4+s23], $0x80, s10, s23, $0xb8;
	[tilespmem:$0x1E800] =	vst v63  }
0xa3: {  	_ =	swait.ge [sflag:s25], $0x4000  }
0xa4: {  	[sflag:s25] =	ssyncset.done $0x0  }
0xa5: {  	[sflag:s25] =	ssyncadd.s32 $0xFFFFC000  }
0xa6: {  	[spmem:s2] =	stream.indirect.scatter.add.f32 [tilespmem:s20], [sflag:$0x5], $0x80, s28, s23, $0xb8;
	[tilespmem:$0x1E800] =	vst v63  }
0xa7: {  	_ =	swait.ge [sflag:s21], $0x4000  }
0xa8: {  	[sflag:s21] =	ssyncset.done $0x0  }
0xa9: {  	[sflag:s21] =	ssyncadd.s32 $0xFFFFC000  }
0xaa: {  	_ =	swait.ge [sflag:s26], $0x4000  }
0xab: {  	[sflag:s26] =	ssyncset.done $0x0  }
0xac: {  	[sflag:s26] =	ssyncadd.s32 $0xFFFFC000  }
0xad: {  	[spmem:s2] =	stream.indirect.scatter.add.f32 [tilespmem:s24], [sflag:$0x5], $0x80, s29, s23, $0xb8;
	[tilespmem:$0x1E800] =	vst v63  }
0xae: {  	_ =	swait.ge [sflag:s21], $0x4000  }
0xaf: {  	[sflag:s21] =	ssyncset.done $0x0  }
0xb0: {  	[sflag:s21] =	ssyncadd.s32 $0xFFFFC000  }
0xb1: {  	[bflag:$0x0] =	sbarrier.arrive $0xFFFF  }
0xb2: {  	[tilespmem:s20], [sflag:$0x1] =	stream.linear.gather [spmem:s5], $0x4000, $0x38;
	[tilespmem:$0x1E800] =	vst v63  }
0xb3: {  	_ = 	snop  }
0xb4: {  	[tilespmem:s24], [sflag:$0x2] =	stream.linear.gather [spmem:s6], $0x4000, $0x38;
	[tilespmem:$0x1E800] =	vst v63  }
0xb5: {  	_ =	swait.ge [sflag:s25], $0x4000  }
0xb6: {  	[sflag:s25] =	ssyncset.done $0x0  }
0xb7: {  	[sflag:s25] =	ssyncadd.s32 $0xFFFFC000  }
0xb8: {  	[hbm4b:s14+s3] =	stream.linear.scatter [tilespmem:s20], [sflag:$0x3], $0x4000, $0x38;
	[tilespmem:$0x1E800] =	vst v63  }
0xb9: {  	_ =	swait.ge [sflag:s26], $0x4000  }
0xba: {  	[sflag:s26] =	ssyncset.done $0x0  }
0xbb: {  	[sflag:s26] =	ssyncadd.s32 $0xFFFFC000  }
0xbc: {  	[hbm4b:s15+s3] =	stream.linear.scatter [tilespmem:s24], [sflag:$0x4], $0x4000, $0x38;
	[tilespmem:$0x1E800] =	vst v63  }
0xbd: {  	_ =	swait.ge [sflag:s30], $0x4000  }
0xbe: {  	[sflag:s30] =	ssyncset.done $0x0  }
0xbf: {  	[sflag:s30] =	ssyncadd.s32 $0xFFFFC000  }
0xc0: {  	[tilespmem:s20], [sflag:$0x1] =	stream.linear.gather [spmem:s7], $0x4000, $0x38;
	[tilespmem:$0x1E800] =	vst v63  }
0xc1: {  	_ =	swait.ge [sflag:s25], $0x4000  }
0xc2: {  	[sflag:s25] =	ssyncset.done $0x0  }
0xc3: {  	[sflag:s25] =	ssyncadd.s32 $0xFFFFC000  }
0xc4: {  	[hbm4b:s16+s3] =	stream.linear.scatter [tilespmem:s20], [sflag:$0x3], $0x4000, $0x38;
	[tilespmem:$0x1E800] =	vst v63  }
0xc5: {  	_ =	swait.ge [sflag:s31], $0x4000  }
0xc6: {  	[sflag:s31] =	ssyncset.done $0x0  }
0xc7: {  	[sflag:s31] =	ssyncadd.s32 $0xFFFFC000  }
0xc8: {  	[tilespmem:s24], [sflag:$0x2] =	stream.linear.gather [spmem:s8], $0x4000, $0x38;
	[tilespmem:$0x1E800] =	vst v63  }
0xc9: {  	_ =	swait.ge [sflag:s26], $0x4000  }
0xca: {  	[sflag:s26] =	ssyncset.done $0x0  }
0xcb: {  	[sflag:s26] =	ssyncadd.s32 $0xFFFFC000  }
0xcc: {  	[hbm4b:s17+s3] =	stream.linear.scatter [tilespmem:s24], [sflag:$0x4], $0x4000, $0x38;
	[tilespmem:$0x1E800] =	vst v63  }
0xcd: {  	_ =	swait.ge [sflag:s30], $0x4000  }
0xce: {  	[sflag:s30] =	ssyncset.done $0x0  }
0xcf: {  	[sflag:s30] =	ssyncadd.s32 $0xFFFFC000  }
0xd0: {  	[tilespmem:s20], [sflag:$0x1] =	stream.linear.gather [spmem:s9], $0x4000, $0x38;
	[tilespmem:$0x1E800] =	vst v63  }
0xd1: {  	_ =	swait.ge [sflag:s25], $0x4000  }
0xd2: {  	[sflag:s25] =	ssyncset.done $0x0  }
0xd3: {  	s1 =	sadd.s32 $0x1, s1;
	[sflag:s25] =	ssyncadd.s32 $0xFFFFC000  }
0xd4: {  	[hbm4b:s18+s3] =	stream.linear.scatter [tilespmem:s20], [sflag:$0x3], $0x4000, $0x38;
	[tilespmem:$0x1E800] =	vst v63  }
0xd5: {  	p0 =	sne.s32 s1, s19;
	_ =	swait.ge [sflag:s31], $0x4000  }
.Ltmp3:
0xd6: {  	[sflag:s31] =	ssyncset.done $0x0;
	(pc) =	sbr.rel @p0 .LBB2_1-.Ltmp3, $4  }
0xd7: {  	[sflag:s31] =	ssyncadd.s32 $0xFFFFC000  }
0xd8: {  	_ =	swait.ge [sflag:s30], $0x4000  }
0xd9: {  	[sflag:s30] =	ssyncset.done $0x0  }
0xda: {  	[sflag:s30] =	ssyncadd.s32 $0xFFFFC000  }
0xdb: {  	_ =	sfence.sel $0x180000  }
0xdc: {  	[bflag:$0x0] =	sbarrier.arrive $0xFFFF  }
0xdd: {  	_ =	strace $0x9000004A  }
0xde: {  	s0 =	stileid.u32;
	[bflag:$0x2] =	sbarrier.arrive $0xFFFF  }
0xdf: {  	p0 =	sne.s32 s0, $0x0;
	s0 =	rddreg [dreg:$0x2]  }
0xe0: {  	s0 =	sadd.s32 @!p0 $0x100000, s0  }
0xe1: {  	[sflag:s0] =	ssyncadd.tile.s32 @!p0 $0x1;
	_ =	shalt  }
.Lfunc_end2:
_tile_overlayer_lowered:
.L_overlay_start_2:
0xe2: {  	(tag) =	ssettag $0x2  }
0xe3: {  	s0 =	rddreg [dreg:$0x0];
	s2 =	stileid.u32  }
0xe4: {  	s1 =	rddreg [dreg:$0x1];
	p0 =	sne.s32 s2, $0x0  }
0xe5: {  	s3 =	rddreg [dreg:$0x2];
	[bflag:$0x3] =	sbarrier.arrive $0xFFFF;
	s2 =	simm.s32 @!p0 $0x1C05  }
0xe6: {  	[timem:s3], [sflag:s2] =	dma.local @!p0 [hbm:s0], s1  }
0xe7: {  	s0 =	simm.s32 @!p0 $0x5  }
0xe8: {  	_ =	swait.ge @!p0 [sflag:s0], s1  }
0xe9: {  	s1 =	ssub.s32 @!p0 $0x0, s1;
	[sflag:s0] =	ssyncset.done @!p0 $0x0  }
0xea: {  	[sflag:s0] =	ssyncadd.s32 @!p0 s1  }
0xeb: {  	[bflag:$0x3] =	sbarrier.arrive $0xFFFF  }
0xec: {  	_ =	shalt  }

// kernel: kernel.14.cloned.1.call-start
scs
__scs_entry_jumppad:
0x0: {  	(pc) =	sbr.rel $0x88, $3  }
0x1: {  	(tag) =	ssettag $0x0;
	lr =	simm.s32 $0x1  }
0x2: {  	[smem:$0x3F98] =	sst lr;
	_ =	strace $0xD0000000  }
0x3: {  	_ = 	snop  }
0x4: {  	_ = 	snop  }
0x5: {  	_ = 	snop  }
0x6: {  	_ = 	snop  }
0x7: {  	_ = 	snop  }
__scs_overlays_trampoline_lowered:
0x8: {  	[smem:$0x3FA7] =	sst s0  }
0x9: {  	[smem:$0x3FA8] =	sst s1  }
0xa: {  	[smem:$0x3FA9] =	sst s2  }
0xb: {  	[smem:$0x3FAA] =	sst s3  }
0xc: {  	[smem:$0x3FAB] =	sst s4  }
0xd: {  	[smem:$0x3FAC] =	sst s5  }
0xe: {  	[smem:$0x3FAD] =	sst s6  }
0xf: {  	[smem:$0x3FAE] =	sst s7  }
0x10: {  	[smem:$0x3FAF] =	sst s8  }
0x11: {  	[smem:$0x3FB0] =	sst s9;
	s0 =	simm.s32 @!p0 $0x0  }
0x12: {  	s1 =	sld [smem:$0x3F96];
	s0 =	simm.s32 @p0 $0x1  }
0x13: {  	[smem:$0x3FB1] =	sst s0;
	s0 =	simm.s32 @!p1 $0x0  }
0x14: {  	s2 =	sld [smem:$0x3F95];
	s0 =	simm.s32 @p1 $0x1  }
0x15: {  	[smem:$0x3FB2] =	sst s0;
	s0 =	simm.s32 @!p2 $0x0  }
0x16: {  	s3 =	sld [smem:$0x3FDB];
	s0 =	simm.s32 @p2 $0x1  }
0x17: {  	s4 =	simm.s32 $0x1BF5;
	[smem:$0x3FB4] =	sst s0  }
0x18: {  	s0 =	sld [smem:$0x3F97];
	_ =	swait.ge [sflag:s4], $0x0  }
0x19: {  	s7 =	sld [smem:$0x3F98]  }
0x1a: {  	s8 =	sadd.s32 $0xFFFFE003, lr  }
0x1b: {  	s9 =	sadd.s32 $0xFFFFFEF7, lr;
	s5 =	simm.s32 $0xFFFFFFFF;
	p2 =	slt.u32 s8, $0xFFFFF086  }
0x1c: {  	p1 =	slt.u32 s9, $0xF7A;
	s5 =	simm.s32 @!p2 $0x0  }
0x1d: {  	s5 =	simm.s32 @p1 $0x1;
	p0 =	seq.s32 s7, s2  }
0x1e: {  	s7 =	smul.u32 @!p0 $0xF7A, s2;
	p2 =	seq.s32 @!p0 s5, $0x0  }
0x1f: {  	s9 =	smul.u32 $0xF7A, s1;
	s8 =	simm.s32 @!p0 $0x1BF5;
	p2 =	por !p2, p0  }
0x20: {  	[sflag:s8] =	ssyncset.s32 @!p0 $0xFFFFF086;
	s6 =	sadd.s32 @!p0 s3, s7;
	s7 =	simm.s32 @!p0 $0x108  }
0x21: {  	s3 =	sadd.s32 s3, s9;
	s6 =	sadd.s32 @!p0 $0x88, s6;
	s7 =	simm.s32 @p2 $0x1082  }
0x22: {  	[simem:s7], [sflag:s8] =	dma.local @!p0 [hbm:s6], $0xF7A  }
0x23: {  	s9 =	sor.u32 $0xD0000000, s2;
	s6 =	simm.s32 $0x108;
	_ =	swait.ge @!p0 [sflag:s8], $0x0  }
0x24: {  	s3 =	sadd.s32 $0x88, s3;
	s6 =	simm.s32 @!p1 $0x1082;
	[sflag:s4] =	ssyncset.s32 $0xFFFFF086  }
0x25: {  	[simem:s6], [sflag:s4] =	dma.local [hbm:s3], $0xF7A  }
0x26: {  	[smem:$0x3F98] =	sst s1;
	(tag) =	ssettag s2;
	_ =	strace s9  }
0x27: {  	s1 =	sld [smem:$0x3FA8]  }
0x28: {  	s2 =	sld [smem:$0x3FA9]  }
0x29: {  	s4 =	sld [smem:$0x3FAB]  }
0x2a: {  	p0 =	seq.s32 s5, $0x0;
	s5 =	sld [smem:$0x3FAC]  }
0x2b: {  	s6 =	sld [smem:$0x3FAD]  }
0x2c: {  	s7 =	sld [smem:$0x3FAE]  }
0x2d: {  	s3 =	simm.s32 $0x108;
	s8 =	sld [smem:$0x3FAF]  }
0x2e: {  	s3 =	simm.s32 @!p0 $0x1082;
	s9 =	sld [smem:$0x3FB0]  }
0x2f: {  	lr =	sadd.s32 s0, s3;
	s0 =	sld [smem:$0x3FA7]  }
0x30: {  	s3 =	sld [smem:$0x3FAA]  }
0x31: {  	[smem:$0x3FB3] =	sst s10  }
0x32: {  	s10 =	sld [smem:$0x3FB1];
	_ =	sdelay $0x3  }
0x33: {  	p0 =	seq.s32 s10, $0x1;
	s10 =	sld [smem:$0x3FB3];
	_ =	sdelay $0x3  }
0x34: {  	[smem:$0x3FB3] =	sst s10  }
0x35: {  	s10 =	sld [smem:$0x3FB2];
	_ =	sdelay $0x3  }
0x36: {  	p1 =	seq.s32 s10, $0x1;
	s10 =	sld [smem:$0x3FB3];
	_ =	sdelay $0x3  }
0x37: {  	[smem:$0x3FB3] =	sst s10  }
0x38: {  	s10 =	sld [smem:$0x3FB4]  }
0x39: {  	_ = 	snop;
	(pc) =	sbr.ind lr, $3  }
0x3a: {  	_ = 	snop  }
0x3b: {  	_ = 	snop  }
0x3c: {  	p2 =	seq.s32 s10, $0x1;
	s10 =	sld [smem:$0x3FB3]  }
0x3d: {  	_ =	shalt  }
0x3e: {  	_ =	shalt  }
0x3f: {  	_ =	shalt  }
0x40: {  	_ =	shalt  }
0x41: {  	_ =	shalt  }
0x42: {  	_ =	shalt  }
0x43: {  	_ =	shalt  }
0x44: {  	_ =	shalt  }
0x45: {  	_ =	shalt  }
0x46: {  	_ =	shalt  }
0x47: {  	_ =	shalt  }
0x48: {  	_ =	shalt  }
0x49: {  	_ =	shalt  }
0x4a: {  	_ =	shalt  }
0x4b: {  	_ =	shalt  }
0x4c: {  	_ =	shalt  }
0x4d: {  	_ =	shalt  }
0x4e: {  	_ =	shalt  }
0x4f: {  	_ =	shalt  }
0x50: {  	_ =	shalt  }
0x51: {  	_ =	shalt  }
0x52: {  	_ =	shalt  }
0x53: {  	_ =	shalt  }
0x54: {  	_ =	shalt  }
0x55: {  	_ =	shalt  }
0x56: {  	_ =	shalt  }
0x57: {  	_ =	shalt  }
0x58: {  	_ =	shalt  }
0x59: {  	_ =	shalt  }
0x5a: {  	_ =	shalt  }
0x5b: {  	_ =	shalt  }
0x5c: {  	_ =	shalt  }
0x5d: {  	_ =	shalt  }
0x5e: {  	_ =	shalt  }
0x5f: {  	_ =	shalt  }
0x60: {  	_ =	shalt  }
0x61: {  	_ =	shalt  }
0x62: {  	_ =	shalt  }
0x63: {  	_ =	shalt  }
0x64: {  	_ =	shalt  }
0x65: {  	_ =	shalt  }
0x66: {  	_ =	shalt  }
0x67: {  	_ =	shalt  }
0x68: {  	_ =	shalt  }
0x69: {  	_ =	shalt  }
0x6a: {  	_ =	shalt  }
0x6b: {  	_ =	shalt  }
0x6c: {  	_ =	shalt  }
0x6d: {  	_ =	shalt  }
0x6e: {  	_ =	shalt  }
0x6f: {  	_ =	shalt  }
0x70: {  	_ =	shalt  }
0x71: {  	_ =	shalt  }
0x72: {  	_ =	shalt  }
0x73: {  	_ =	shalt  }
0x74: {  	_ =	shalt  }
0x75: {  	_ =	shalt  }
0x76: {  	_ =	shalt  }
0x77: {  	_ =	shalt  }
0x78: {  	_ =	shalt  }
0x79: {  	_ =	shalt  }
0x7a: {  	_ =	shalt  }
0x7b: {  	_ =	shalt  }
0x7c: {  	_ =	shalt  }
0x7d: {  	_ =	shalt  }
0x7e: {  	_ =	shalt  }
0x7f: {  	_ =	shalt  }
0x80: {  	_ =	shalt  }
0x81: {  	_ =	shalt  }
0x82: {  	_ =	shalt  }
0x83: {  	_ =	shalt  }
0x84: {  	_ =	shalt  }
0x85: {  	_ =	shalt  }
0x86: {  	_ =	shalt  }
0x87: {  	_ =	shalt  }
.Lfunc_end0:
.L_simem_size_0:
called_computation.2_lowered:
.L_overlay_start_0:
0x88: {  	s2 =	sld [smem:$0x3FD9]  }
0x89: {  	s3 =	sld [smem:$0x3FFE];
	_ =	sdelay $0x1  }
0x8a: {  	s1 =	srdreg.scid  }
0x8b: {  	s0 =	sand.u32 $0x1, s1  }
0x8c: {  	s16 =	sshll.u32 s0, $0xA;
	s2 =	sadd.s32 s3, s2  }
0x8d: {  	s2 =	sadd.s32 s2, s16  }
0x8e: {  	[smem:$0x3FBF] =	sst s2  }
0x8f: {  	_ = 	snop  }
0x90: {  	(tm) =	ssettm $0x1  }
0x91: {  	s17 =	sld [smem:$0x3FFB];
	_ =	sdelay $0x3  }
0x92: {  	_ =	strace s17  }
0x93: {  	s2 =	sld [smem:$0x3FFC];
	_ =	sdelay $0x3  }
0x94: {  	_ =	strace s2  }
0x95: {  	s2 =	sld [smem:$0x3FFD];
	_ =	sdelay $0x3  }
0x96: {  	_ =	strace s2  }
0x97: {  	_ =	strace $0x8FFFFFFF  }
0x98: {  	s18 =	sld [smem:$0x3FDB];
	_ =	sdelay $0x1  }
0x99: {  	s19 =	simm.s32 $_scs_section_size  }
0x9a: {  	s4 =	simm.s32 $_size__tile_overlayer_lowered;
	s5 =	simm.s32 $_tile_overlayer_lowered  }
0x9b: {  	s22 =	simm.s32 $0x1BFF;
	s21 =	sshll.u32 s5, $0x1;
	s2 =	sadd.s32 s19, s18  }
0x9c: {  	s6 =	simm.s32 $0x0;
	s20 =	sshll.u32 s4, $0x1;
	s4 =	sadd.s32 s21, s2  }
0x9d: {  	[timem:s6], [sflag:s22] =	dma.local [hbm:s4], s20  }
0x9e: {  	_ =	swait.ge [sflag:s22], s20  }
0x9f: {  	s3 =	ssub.s32 $0x0, s20;
	[sflag:s22] =	ssyncset.done $0x0  }
0xa0: {  	[sflag:s22] =	ssyncadd.s32 s3;
	_ =	sdelay $0x1  }
0xa1: {  	s23 =	simm.s32 $0x1B8B  }
0xa2: {  	_ =	swait.ge [sflag:s23], $0x1  }
0xa3: {  	[sflag:s23] =	ssyncset.done $0x0  }
0xa4: {  	s25 =	simm.s32 $0x1B8E;
	s24 =	sld [smem:$0x3FFE];
	[sflag:s23] =	ssyncadd.s32 $0xFFFFFFFF  }
0xa5: {  	s26 =	simm.s32 $execute0_lowered;
	[smem:$0x3FD2] =	sst s25  }
0xa6: {  	s4 =	sshll.u32 s26, $0x1;
	_ =	strace $0x8000004C;
	[dreg:$0x1] =	wrdreg $0xFFFFFFFF  }
0xa7: {  	s28 =	simm.s32 $_size_execute0_lowered;
	s2 =	sadd.s32 s2, s4;
	[dreg:$0x0] =	wrdreg $0x0  }
0xa8: {  	s4 =	sshll.u32 s28, $0x1;
	[dreg:$0x2] =	wrdreg s2  }
0xa9: {  	[dreg:$0x3] =	wrdreg s4  }
0xaa: {  	[dreg:$0x4] =	wrdreg $0xC0  }
0xab: {  	_ =	task [dreg:s6], $0x5FFFF  }
0xac: {  	[dreg:$0x1] =	wrdreg $0xFFFFFFFF  }
0xad: {  	[dreg:$0x0] =	wrdreg $0x60  }
0xae: {  	[dreg:$0x2] =	wrdreg s24  }
0xaf: {  	[dreg:$0x3] =	wrdreg $0xA8000  }
0xb0: {  	[dreg:$0x4] =	wrdreg $0x9  }
0xb1: {  	_ =	task.clear_ibuf [dreg:s6], $0x5FFFF;
	_ =	strace $0x9000004C  }
0xb2: {  	s29 =	simm.s32 $0x9;
	_ =	strace $0x8000004E  }
0xb3: {  	_ =	swait.ge [sflag:s29], $0x1  }
0xb4: {  	[sflag:s29] =	ssyncadd.s32 $0xFFFFFFFF  }
0xb5: {  	_ =	strace $0x9000004E  }
0xb6: {  	_ =	sfence  }
0xb7: {  	s30 =	sld [smem:$0x0];
	_ =	sdelay $0x2  }
0xb8: {  	s31 =	sshll.u32 s1, $0xD;
	s1 =	sshrl.u32 s1, $0x2  }
0xb9: {  	s3 =	sand.u32 $0x4000, s31;
	s1 =	sadd.s32 s1, s30  }
0xba: {  	s0 =	sor.u32 s3, s0;
	s1 =	sshll.u32 s1, $0x11  }
0xbb: {  	s0 =	sor.u32 s1, s0  }
0xbc: {  	s0 =	sadd.s32 $0x8F2B, s0  }
0xbd: {  	[sflag:s0] =	ssyncadd.remote.s32 $0x1  }
0xbe: {  	_ =	sfence.sel $0xFFFF  }
0xbf: {  	[dreg:$0x0] =	wrdreg $0xFFFFFFFF;
	(pc) =	sbr.abs _section_cstart, $3  }
0xc0: {  	[dreg:$0x1] =	wrdreg $0xFFFFFFFF  }
0xc1: {  	_ =	task.clear_ibuf [dreg:s6], $0x2FFFF;
	_ =	strace $0x9FFFFFFF  }
0xc2: {  	(tm) =	ssettm $0x7FFFFFFF  }
0xc3: {  	_ =	shalt  }
tec
execute0_lowered:
.L_overlay_start_1:
0x0: {  	(tag) =	ssettag $0x1  }
0x1: {  	s0 =	rddreg [dreg:$0x0];
	s1 =	srdreg.scid  }
0x2: {  	s8 =	stileid.u32;
	s2 =	rddreg [dreg:$0x1];
	s3 =	simm.s32 $0x0  }
0x3: {  	s28 =	simm.s32 $0x2700;
	s29 =	simm.s32 $0x2780;
	s30 =	simm.s32 $0x3  }
0x4: {  	s31 =	simm.s32 $0x4;
	s1 =	sand.u32 $0x1, s1;
	s7 =	smul.u32 $0x50000, s8  }
0x5: {  	s4 =	sshll.u32 s8, $0x1;
	[smem:$0x7FF] =	sst s3;
	s13 =	smul.u32 $0x14000, s8  }
0x6: {  	s4 =	sor.u32 s1, s4;
	s6 =	ssub.s32 $0x2, s1;
	s1 =	smul.u32 $0x140000, s1  }
0x7: {  	_ =	strace $0x8000004D;
	s5 =	smul.u32 $0x2800, s4;
	s4 =	sadd.s32 $0x16C00, s0  }
0x8: {  	s20 =	sshrl.u32 s6, $0x1;
	s21 =	sshrl.u32 s7, $0x2;
	s14 =	sadd.s32 $0x4000, s13  }
0x9: {  	s16 =	sadd.s32 $0x8000, s13;
	s17 =	sadd.s32 $0xC000, s13;
	s18 =	sadd.s32 $0x10000, s13  }
0xa: {  	s19 =	ssub.s32 s6, s20;
	s6 =	sadd.s32 s14, s2;
	s7 =	sadd.s32 s16, s2  }
0xb: {  	s8 =	sadd.s32 s17, s2;
	s9 =	sadd.s32 s18, s2;
	s15 =	sadd.s32 s13, s1  }
0xc: {  	s14 =	sadd.s32 s1, s14;
	s25 =	sadd.s32 s1, s16;
	s17 =	sadd.s32 s1, s17  }
0xd: {  	s1 =	sadd.s32 s1, s18;
	s20 =	simm.s32 $0x2800;
	s5 =	sshrl.u32 s5, $0x3  }
0xe: {  	s23 =	sshrl.u32 s15, $0x3;
	s24 =	sshrl.u32 s14, $0x3;
	s26 =	sshrl.u32 s17, $0x3  }
0xf: {  	s1 =	sshrl.u32 s1, $0x3;
	s19 =	smax.u32 s19, $0x1;
	s10 =	sadd.s32 s5, s0  }
0x10: {  	s0 =	sadd.s32 $0x3DE00, s0;
	s5 =	sadd.s32 s21, s2;
	s21 =	simm.s32 $0x5  }
0x11: {  	s11 =	sadd.s32 $0x2C00, s10;
	s22 =	sadd.s32 $0xCC00, s10;
	s12 =	sadd.s32 $0x2E80, s10  }
0x12: {  	s13 =	sadd.s32 $0xCE80, s10;
	s14 =	sadd.s32 s0, s23;
	s15 =	sadd.s32 s0, s24  }
0x13: {  	s10 =	sshrl.u32 s25, $0x3;
	s17 =	sadd.s32 s0, s26;
	s18 =	sadd.s32 s0, s1  }
0x14: {  	s23 =	simm.s32 $0x80;
	s24 =	simm.s32 $0x6800;
	s25 =	simm.s32 $0x1  }
0x15: {  	s26 =	simm.s32 $0x2;
	s1 =	simm.s32 $0x0;
	[dreg:$0x3] =	wrdreg s11  }
0x16: {  	v0 =	vimm.f32 $0.0e+00;
	[dreg:$0x4] =	wrdreg s22;
	s16 =	sadd.s32 s0, s10;
	s22 =	simm.s32 $0x1400  }
.LBB2_1:
0x17: {  	s0 =	simm.s32 $0x0;
	s10 =	simm.s32 $0x200  }
.LBB2_2:
0x18: {  	p0 =	sne.s32 s10, $0xFE00;
	[tilespmem:s0+$0x2870] =	vst v0  }
0x19: {  	[tilespmem:s0+$0x2800] =	vst v0  }
0x1a: {  	[tilespmem:s0+$0x2810] =	vst v0  }
.Ltmp0:
0x1b: {  	[tilespmem:s0+$0x2820] =	vst v0;
	(pc) =	sbr.rel @p0 .LBB2_2-.Ltmp0, $4  }
0x1c: {  	[tilespmem:s0+$0x2830] =	vst v0  }
0x1d: {  	[tilespmem:s0+$0x2840] =	vst v0  }
0x1e: {  	[tilespmem:s0+$0x2850] =	vst v0  }
0x1f: {  	[tilespmem:s0+$0x2860] =	vst v0;
	s0 =	sshra.s32 s10, $0x2;
	s10 =	sadd.s32 $0x200, s10  }
0x20: {  	[tilespmem:s0+$0x2870] =	vst v0  }
0x21: {  	[tilespmem:s0+$0x2800] =	vst v0  }
0x22: {  	[tilespmem:s0+$0x2810] =	vst v0  }
0x23: {  	[tilespmem:s0+$0x2820] =	vst v0  }
0x24: {  	[tilespmem:s0+$0x2830] =	vst v0  }
0x25: {  	[tilespmem:s0+$0x2840] =	vst v0  }
0x26: {  	[tilespmem:s0+$0x2850] =	vst v0  }
0x27: {  	[tilespmem:s0+$0x2860] =	vst v0  }
0x28: {  	[spmem:s5] =	stream.linear.scatter [tilespmem:s20], [sflag:$0x5], $0x4000, $0x38;
	[tilespmem:$0x1E800] =	vst v63  }
0x29: {  	_ =	swait.ge [sflag:s21], $0x4000  }
0x2a: {  	[sflag:s21] =	ssyncset.done $0x0  }
0x2b: {  	[sflag:s21] =	ssyncadd.s32 $0xFFFFC000  }
0x2c: {  	[spmem:s6] =	stream.linear.scatter [tilespmem:s20], [sflag:$0x5], $0x4000, $0x38;
	[tilespmem:$0x1E800] =	vst v63  }
0x2d: {  	_ =	swait.ge [sflag:s21], $0x4000  }
0x2e: {  	[sflag:s21] =	ssyncset.done $0x0  }
0x2f: {  	[sflag:s21] =	ssyncadd.s32 $0xFFFFC000  }
0x30: {  	[spmem:s7] =	stream.linear.scatter [tilespmem:s20], [sflag:$0x5], $0x4000, $0x38;
	[tilespmem:$0x1E800] =	vst v63  }
0x31: {  	_ =	swait.ge [sflag:s21], $0x4000  }
0x32: {  	[sflag:s21] =	ssyncset.done $0x0  }
0x33: {  	[sflag:s21] =	ssyncadd.s32 $0xFFFFC000  }
0x34: {  	[spmem:s8] =	stream.linear.scatter [tilespmem:s20], [sflag:$0x5], $0x4000, $0x38;
	[tilespmem:$0x1E800] =	vst v63  }
0x35: {  	_ =	swait.ge [sflag:s21], $0x4000  }
0x36: {  	[sflag:s21] =	ssyncset.done $0x0  }
0x37: {  	[sflag:s21] =	ssyncadd.s32 $0xFFFFC000  }
0x38: {  	[spmem:s9] =	stream.linear.scatter [tilespmem:s20], [sflag:$0x5], $0x4000, $0x38;
	[tilespmem:$0x1E800] =	vst v63  }
0x39: {  	_ =	swait.ge [sflag:s21], $0x4000  }
0x3a: {  	[sflag:s21] =	ssyncset.done $0x0  }
0x3b: {  	s0 =	simm.s32 $0x0;
	s10 =	rddreg [dreg:$0x3];
	[sflag:s21] =	ssyncadd.s32 $0xFFFFC000  }
0x3c: {  	[tilespmem:s0], [sflag:$0x5] =	stream.linear.gather [hbm4b:s10+s0], $0x1400, $0x38;
	[tilespmem:$0x1E800] =	vst v63  }
0x3d: {  	_ =	swait.ge [sflag:s21], $0x1400  }
0x3e: {  	[sflag:s21] =	ssyncset.done $0x0  }
0x3f: {  	s11 =	rddreg [dreg:$0x4];
	[sflag:s21] =	ssyncadd.s32 $0xFFFFEC00  }
0x40: {  	[tilespmem:s22], [sflag:$0x5] =	stream.linear.gather [hbm4b:s11+s0], $0x1400, $0x38;
	[tilespmem:$0x1E800] =	vst v63  }
0x41: {  	_ =	swait.ge [sflag:s21], $0x1400  }
0x42: {  	[sflag:s21] =	ssyncset.done $0x0  }
0x43: {  	[sflag:s21] =	ssyncadd.s32 $0xFFFFEC00  }
0x44: {  	[tilespmem:s20], [sflag:$0x1] =	stream.indirect.gather [hbm4b:s4+s23], $0x80, s0, s23, $0xb8;
	[tilespmem:$0x1E800] =	vst v63  }
0x45: {  	_ = 	snop  }
0x46: {  	[tilespmem:s24], [sflag:$0x2] =	stream.indirect.gather [hbm4b:s4+s23], $0x80, s23, s23, $0xb8;
	[tilespmem:$0x1E800] =	vst v63  }
0x47: {  	[bflag:$0x0] =	sbarrier.arrive $0xFFFF  }
0x48: {  	_ =	swait.ge [sflag:s25], $0x4000  }
0x49: {  	[sflag:s25] =	ssyncset.done $0x0  }
0x4a: {  	s11 =	simm.s32 $0x1400;
	[sflag:s25] =	ssyncadd.s32 $0xFFFFC000  }
0x4b: {  	[spmem:s2] =	stream.indirect.scatter.add.f32 [tilespmem:s20], [sflag:$0x5], $0x80, s11, s23, $0xb8;
	[tilespmem:$0x1E800] =	vst v63  }
0x4c: {  	_ =	swait.ge [sflag:s21], $0x4000  }
0x4d: {  	[sflag:s21] =	ssyncset.done $0x0  }
0x4e: {  	s10 =	simm.s32 $0x100;
	[sflag:s21] =	ssyncadd.s32 $0xFFFFC000  }
0x4f: {  	[tilespmem:s20], [sflag:$0x1] =	stream.indirect.gather [hbm4b:s4+s23], $0x80, s10, s23, $0xb8;
	[tilespmem:$0x1E800] =	vst v63  }
0x50: {  	_ =	swait.ge [sflag:s26], $0x4000  }
0x51: {  	[sflag:s26] =	ssyncset.done $0x0  }
0x52: {  	s11 =	simm.s32 $0x1480;
	[sflag:s26] =	ssyncadd.s32 $0xFFFFC000  }
0x53: {  	[spmem:s2] =	stream.indirect.scatter.add.f32 [tilespmem:s24], [sflag:$0x5], $0x80, s11, s23, $0xb8;
	[tilespmem:$0x1E800] =	vst v63  }
0x54: {  	_ =	swait.ge [sflag:s21], $0x4000  }
0x55: {  	[sflag:s21] =	ssyncset.done $0x0  }
0x56: {  	s0 =	simm.s32 $0x400;
	s10 =	simm.s32 $0x180;
	[sflag:s21] =	ssyncadd.s32 $0xFFFFC000  }
.LBB2_4:
0x57: {  	[tilespmem:s24], [sflag:$0x2] =	stream.indirect.gather [hbm4b:s4+s23], $0x80, s10, s23, $0xb8;
	[tilespmem:$0x1E800] =	vst v63  }
0x58: {  	s10 =	smov.u32 s0  }
0x59: {  	p0 =	sne.s32 s0, $0x4800;
	s0 =	sadd.s32 $0x400, s0;
	_ =	swait.ge [sflag:s25], $0x4000  }
0x5a: {  	s10 =	sshra.s32 s10, $0x2;
	[sflag:s25] =	ssyncset.done $0x0  }
0x5b: {  	s11 =	sadd.s32 $0x1400, s10;
	[sflag:s25] =	ssyncadd.s32 $0xFFFFC000  }
0x5c: {  	[spmem:s2] =	stream.indirect.scatter.add.f32 [tilespmem:s20], [sflag:$0x5], $0x80, s11, s23, $0xb8;
	[tilespmem:$0x1E800] =	vst v63  }
0x5d: {  	_ =	swait.ge [sflag:s21], $0x4000  }
0x5e: {  	[sflag:s21] =	ssyncset.done $0x0  }
0x5f: {  	s11 =	sadd.s32 $0x100, s10;
	[sflag:s21] =	ssyncadd.s32 $0xFFFFC000  }
0x60: {  	[tilespmem:s20], [sflag:$0x1] =	stream.indirect.gather [hbm4b:s4+s23], $0x80, s11, s23, $0xb8;
	[tilespmem:$0x1E800] =	vst v63  }
0x61: {  	_ =	swait.ge [sflag:s26], $0x4000  }
0x62: {  	[sflag:s26] =	ssyncset.done $0x0  }
.Ltmp1:
0x63: {  	s11 =	sadd.s32 $0x1480, s10;
	[sflag:s26] =	ssyncadd.s32 $0xFFFFC000;
	(pc) =	sbr.rel @p0 .LBB2_4-.Ltmp1, $4  }
0x64: {  	[spmem:s2] =	stream.indirect.scatter.add.f32 [tilespmem:s24], [sflag:$0x5], $0x80, s11, s23, $0xb8;
	[tilespmem:$0x1E800] =	vst v63  }
0x65: {  	_ =	swait.ge [sflag:s21], $0x4000  }
0x66: {  	[sflag:s21] =	ssyncset.done $0x0  }
0x67: {  	s10 =	sadd.s32 $0x180, s10;
	[sflag:s21] =	ssyncadd.s32 $0xFFFFC000  }
0x68: {  	[tilespmem:s24], [sflag:$0x2] =	stream.indirect.gather [hbm4b:s4+s23], $0x80, s10, s23, $0xb8;
	[tilespmem:$0x1E800] =	vst v63  }
0x69: {  	_ =	swait.ge [sflag:s25], $0x4000  }
0x6a: {  	[sflag:s25] =	ssyncset.done $0x0  }
0x6b: {  	[sflag:s25] =	ssyncadd.s32 $0xFFFFC000  }
0x6c: {  	[spmem:s2] =	stream.indirect.scatter.add.f32 [tilespmem:s20], [sflag:$0x5], $0x80, s28, s23, $0xb8;
	[tilespmem:$0x1E800] =	vst v63  }
0x6d: {  	_ =	swait.ge [sflag:s21], $0x4000  }
0x6e: {  	[sflag:s21] =	ssyncset.done $0x0  }
0x6f: {  	[sflag:s21] =	ssyncadd.s32 $0xFFFFC000  }
0x70: {  	_ =	swait.ge [sflag:s26], $0x4000  }
0x71: {  	[sflag:s26] =	ssyncset.done $0x0  }
0x72: {  	[sflag:s26] =	ssyncadd.s32 $0xFFFFC000  }
0x73: {  	[spmem:s2] =	stream.indirect.scatter.add.f32 [tilespmem:s24], [sflag:$0x5], $0x80, s29, s23, $0xb8;
	[tilespmem:$0x1E800] =	vst v63  }
0x74: {  	_ =	swait.ge [sflag:s21], $0x4000  }
0x75: {  	[sflag:s21] =	ssyncset.done $0x0  }
0x76: {  	s0 =	simm.s32 $0x0;
	[sflag:s21] =	ssyncadd.s32 $0xFFFFC000  }
0x77: {  	[tilespmem:s0], [sflag:$0x5] =	stream.linear.gather [hbm4b:s12+s0], $0x1400, $0x38;
	[tilespmem:$0x1E800] =	vst v63  }
0x78: {  	_ =	swait.ge [sflag:s21], $0x1400  }
0x79: {  	[sflag:s21] =	ssyncset.done $0x0  }
0x7a: {  	[sflag:s21] =	ssyncadd.s32 $0xFFFFEC00  }
0x7b: {  	[tilespmem:s22], [sflag:$0x5] =	stream.linear.gather [hbm4b:s13+s0], $0x1400, $0x38;
	[tilespmem:$0x1E800] =	vst v63  }
0x7c: {  	_ =	swait.ge [sflag:s21], $0x1400  }
0x7d: {  	[sflag:s21] =	ssyncset.done $0x0  }
0x7e: {  	[sflag:s21] =	ssyncadd.s32 $0xFFFFEC00  }
0x7f: {  	[tilespmem:s20], [sflag:$0x1] =	stream.indirect.gather [hbm4b:s4+s23], $0x80, s0, s23, $0xb8;
	[tilespmem:$0x1E800] =	vst v63  }
0x80: {  	_ = 	snop  }
0x81: {  	[tilespmem:s24], [sflag:$0x2] =	stream.indirect.gather [hbm4b:s4+s23], $0x80, s23, s23, $0xb8;
	[tilespmem:$0x1E800] =	vst v63  }
0x82: {  	_ =	swait.ge [sflag:s25], $0x4000  }
0x83: {  	[sflag:s25] =	ssyncset.done $0x0  }
0x84: {  	s11 =	simm.s32 $0x1400;
	[sflag:s25] =	ssyncadd.s32 $0xFFFFC000  }
0x85: {  	[spmem:s2] =	stream.indirect.scatter.add.f32 [tilespmem:s20], [sflag:$0x5], $0x80, s11, s23, $0xb8;
	[tilespmem:$0x1E800] =	vst v63  }
0x86: {  	_ =	swait.ge [sflag:s21], $0x4000  }
0x87: {  	[sflag:s21] =	ssyncset.done $0x0  }
0x88: {  	s10 =	simm.s32 $0x100;
	[sflag:s21] =	ssyncadd.s32 $0xFFFFC000  }
0x89: {  	[tilespmem:s20], [sflag:$0x1] =	stream.indirect.gather [hbm4b:s4+s23], $0x80, s10, s23, $0xb8;
	[tilespmem:$0x1E800] =	vst v63  }
0x8a: {  	_ =	swait.ge [sflag:s26], $0x4000  }
0x8b: {  	[sflag:s26] =	ssyncset.done $0x0  }
0x8c: {  	s11 =	simm.s32 $0x1480;
	[sflag:s26] =	ssyncadd.s32 $0xFFFFC000  }
0x8d: {  	[spmem:s2] =	stream.indirect.scatter.add.f32 [tilespmem:s24], [sflag:$0x5], $0x80, s11, s23, $0xb8;
	[tilespmem:$0x1E800] =	vst v63  }
0x8e: {  	_ =	swait.ge [sflag:s21], $0x4000  }
0x8f: {  	[sflag:s21] =	ssyncset.done $0x0  }
0x90: {  	s0 =	simm.s32 $0x400;
	s10 =	simm.s32 $0x180;
	[sflag:s21] =	ssyncadd.s32 $0xFFFFC000  }
.LBB2_6:
0x91: {  	[tilespmem:s24], [sflag:$0x2] =	stream.indirect.gather [hbm4b:s4+s23], $0x80, s10, s23, $0xb8;
	[tilespmem:$0x1E800] =	vst v63  }
0x92: {  	s10 =	smov.u32 s0  }
0x93: {  	p0 =	sne.s32 s0, $0x4800;
	s0 =	sadd.s32 $0x400, s0;
	_ =	swait.ge [sflag:s25], $0x4000  }
0x94: {  	s10 =	sshra.s32 s10, $0x2;
	[sflag:s25] =	ssyncset.done $0x0  }
0x95: {  	s11 =	sadd.s32 $0x1400, s10;
	[sflag:s25] =	ssyncadd.s32 $0xFFFFC000  }
0x96: {  	[spmem:s2] =	stream.indirect.scatter.add.f32 [tilespmem:s20], [sflag:$0x5], $0x80, s11, s23, $0xb8;
	[tilespmem:$0x1E800] =	vst v63  }
0x97: {  	_ =	swait.ge [sflag:s21], $0x4000  }
0x98: {  	[sflag:s21] =	ssyncset.done $0x0  }
0x99: {  	s11 =	sadd.s32 $0x100, s10;
	[sflag:s21] =	ssyncadd.s32 $0xFFFFC000  }
0x9a: {  	[tilespmem:s20], [sflag:$0x1] =	stream.indirect.gather [hbm4b:s4+s23], $0x80, s11, s23, $0xb8;
	[tilespmem:$0x1E800] =	vst v63  }
0x9b: {  	_ =	swait.ge [sflag:s26], $0x4000  }
0x9c: {  	[sflag:s26] =	ssyncset.done $0x0  }
.Ltmp2:
0x9d: {  	s11 =	sadd.s32 $0x1480, s10;
	[sflag:s26] =	ssyncadd.s32 $0xFFFFC000;
	(pc) =	sbr.rel @p0 .LBB2_6-.Ltmp2, $4  }
0x9e: {  	[spmem:s2] =	stream.indirect.scatter.add.f32 [tilespmem:s24], [sflag:$0x5], $0x80, s11, s23, $0xb8;
	[tilespmem:$0x1E800] =	vst v63  }
0x9f: {  	_ =	swait.ge [sflag:s21], $0x4000  }
0xa0: {  	[sflag:s21] =	ssyncset.done $0x0  }
0xa1: {  	s10 =	sadd.s32 $0x180, s10;
	[sflag:s21] =	ssyncadd.s32 $0xFFFFC000  }
0xa2: {  	[tilespmem:s24], [sflag:$0x2] =	stream.indirect.gather [hbm4b:s4+s23], $0x80, s10, s23, $0xb8;
	[tilespmem:$0x1E800] =	vst v63  }
0xa3: {  	_ =	swait.ge [sflag:s25], $0x4000  }
0xa4: {  	[sflag:s25] =	ssyncset.done $0x0  }
0xa5: {  	[sflag:s25] =	ssyncadd.s32 $0xFFFFC000  }
0xa6: {  	[spmem:s2] =	stream.indirect.scatter.add.f32 [tilespmem:s20], [sflag:$0x5], $0x80, s28, s23, $0xb8;
	[tilespmem:$0x1E800] =	vst v63  }
0xa7: {  	_ =	swait.ge [sflag:s21], $0x4000  }
0xa8: {  	[sflag:s21] =	ssyncset.done $0x0  }
0xa9: {  	[sflag:s21] =	ssyncadd.s32 $0xFFFFC000  }
0xaa: {  	_ =	swait.ge [sflag:s26], $0x4000  }
0xab: {  	[sflag:s26] =	ssyncset.done $0x0  }
0xac: {  	[sflag:s26] =	ssyncadd.s32 $0xFFFFC000  }
0xad: {  	[spmem:s2] =	stream.indirect.scatter.add.f32 [tilespmem:s24], [sflag:$0x5], $0x80, s29, s23, $0xb8;
	[tilespmem:$0x1E800] =	vst v63  }
0xae: {  	_ =	swait.ge [sflag:s21], $0x4000  }
0xaf: {  	[sflag:s21] =	ssyncset.done $0x0  }
0xb0: {  	[sflag:s21] =	ssyncadd.s32 $0xFFFFC000  }
0xb1: {  	[bflag:$0x0] =	sbarrier.arrive $0xFFFF  }
0xb2: {  	[tilespmem:s20], [sflag:$0x1] =	stream.linear.gather [spmem:s5], $0x4000, $0x38;
	[tilespmem:$0x1E800] =	vst v63  }
0xb3: {  	_ = 	snop  }
0xb4: {  	[tilespmem:s24], [sflag:$0x2] =	stream.linear.gather [spmem:s6], $0x4000, $0x38;
	[tilespmem:$0x1E800] =	vst v63  }
0xb5: {  	_ =	swait.ge [sflag:s25], $0x4000  }
0xb6: {  	[sflag:s25] =	ssyncset.done $0x0  }
0xb7: {  	[sflag:s25] =	ssyncadd.s32 $0xFFFFC000  }
0xb8: {  	[hbm4b:s14+s3] =	stream.linear.scatter [tilespmem:s20], [sflag:$0x3], $0x4000, $0x38;
	[tilespmem:$0x1E800] =	vst v63  }
0xb9: {  	_ =	swait.ge [sflag:s26], $0x4000  }
0xba: {  	[sflag:s26] =	ssyncset.done $0x0  }
0xbb: {  	[sflag:s26] =	ssyncadd.s32 $0xFFFFC000  }
0xbc: {  	[hbm4b:s15+s3] =	stream.linear.scatter [tilespmem:s24], [sflag:$0x4], $0x4000, $0x38;
	[tilespmem:$0x1E800] =	vst v63  }
0xbd: {  	_ =	swait.ge [sflag:s30], $0x4000  }
0xbe: {  	[sflag:s30] =	ssyncset.done $0x0  }
0xbf: {  	[sflag:s30] =	ssyncadd.s32 $0xFFFFC000  }
0xc0: {  	[tilespmem:s20], [sflag:$0x1] =	stream.linear.gather [spmem:s7], $0x4000, $0x38;
	[tilespmem:$0x1E800] =	vst v63  }
0xc1: {  	_ =	swait.ge [sflag:s25], $0x4000  }
0xc2: {  	[sflag:s25] =	ssyncset.done $0x0  }
0xc3: {  	[sflag:s25] =	ssyncadd.s32 $0xFFFFC000  }
0xc4: {  	[hbm4b:s16+s3] =	stream.linear.scatter [tilespmem:s20], [sflag:$0x3], $0x4000, $0x38;
	[tilespmem:$0x1E800] =	vst v63  }
0xc5: {  	_ =	swait.ge [sflag:s31], $0x4000  }
0xc6: {  	[sflag:s31] =	ssyncset.done $0x0  }
0xc7: {  	[sflag:s31] =	ssyncadd.s32 $0xFFFFC000  }
0xc8: {  	[tilespmem:s24], [sflag:$0x2] =	stream.linear.gather [spmem:s8], $0x4000, $0x38;
	[tilespmem:$0x1E800] =	vst v63  }
0xc9: {  	_ =	swait.ge [sflag:s26], $0x4000  }
0xca: {  	[sflag:s26] =	ssyncset.done $0x0  }
0xcb: {  	[sflag:s26] =	ssyncadd.s32 $0xFFFFC000  }
0xcc: {  	[hbm4b:s17+s3] =	stream.linear.scatter [tilespmem:s24], [sflag:$0x4], $0x4000, $0x38;
	[tilespmem:$0x1E800] =	vst v63  }
0xcd: {  	_ =	swait.ge [sflag:s30], $0x4000  }
0xce: {  	[sflag:s30] =	ssyncset.done $0x0  }
0xcf: {  	[sflag:s30] =	ssyncadd.s32 $0xFFFFC000  }
0xd0: {  	[tilespmem:s20], [sflag:$0x1] =	stream.linear.gather [spmem:s9], $0x4000, $0x38;
	[tilespmem:$0x1E800] =	vst v63  }
0xd1: {  	_ =	swait.ge [sflag:s25], $0x4000  }
0xd2: {  	[sflag:s25] =	ssyncset.done $0x0  }
0xd3: {  	s1 =	sadd.s32 $0x1, s1;
	[sflag:s25] =	ssyncadd.s32 $0xFFFFC000  }
0xd4: {  	[hbm4b:s18+s3] =	stream.linear.scatter [tilespmem:s20], [sflag:$0x3], $0x4000, $0x38;
	[tilespmem:$0x1E800] =	vst v63  }
0xd5: {  	p0 =	sne.s32 s1, s19;
	_ =	swait.ge [sflag:s31], $0x4000  }
.Ltmp3:
0xd6: {  	[sflag:s31] =	ssyncset.done $0x0;
	(pc) =	sbr.rel @p0 .LBB2_1-.Ltmp3, $4  }
0xd7: {  	[sflag:s31] =	ssyncadd.s32 $0xFFFFC000  }
0xd8: {  	_ =	swait.ge [sflag:s30], $0x4000  }
0xd9: {  	[sflag:s30] =	ssyncset.done $0x0  }
0xda: {  	[sflag:s30] =	ssyncadd.s32 $0xFFFFC000  }
0xdb: {  	_ =	sfence.sel $0x180000  }
0xdc: {  	[bflag:$0x0] =	sbarrier.arrive $0xFFFF  }
0xdd: {  	_ =	strace $0x9000004D  }
0xde: {  	s0 =	stileid.u32;
	[bflag:$0x2] =	sbarrier.arrive $0xFFFF  }
0xdf: {  	p0 =	sne.s32 s0, $0x0;
	s0 =	rddreg [dreg:$0x2]  }
0xe0: {  	s0 =	sadd.s32 @!p0 $0x100000, s0  }
0xe1: {  	[sflag:s0] =	ssyncadd.tile.s32 @!p0 $0x1;
	_ =	shalt  }
.Lfunc_end2:
_tile_overlayer_lowered:
.L_overlay_start_2:
0xe2: {  	(tag) =	ssettag $0x2  }
0xe3: {  	s0 =	rddreg [dreg:$0x0];
	s2 =	stileid.u32  }
0xe4: {  	s1 =	rddreg [dreg:$0x1];
	p0 =	sne.s32 s2, $0x0  }
0xe5: {  	s3 =	rddreg [dreg:$0x2];
	[bflag:$0x3] =	sbarrier.arrive $0xFFFF;
	s2 =	simm.s32 @!p0 $0x1C05  }
0xe6: {  	[timem:s3], [sflag:s2] =	dma.local @!p0 [hbm:s0], s1  }
0xe7: {  	s0 =	simm.s32 @!p0 $0x5  }
0xe8: {  	_ =	swait.ge @!p0 [sflag:s0], s1  }
0xe9: {  	s1 =	ssub.s32 @!p0 $0x0, s1;
	[sflag:s0] =	ssyncset.done @!p0 $0x0  }
0xea: {  	[sflag:s0] =	ssyncadd.s32 @!p0 s1  }
0xeb: {  	[bflag:$0x3] =	sbarrier.arrive $0xFFFF  }
0xec: {  	_ =	shalt  }

// kernel: kernel.8.cloned.1.call-start
scs
__scs_entry_jumppad:
0x0: {  	(pc) =	sbr.rel $0x88, $3  }
0x1: {  	(tag) =	ssettag $0x0;
	lr =	simm.s32 $0x1  }
0x2: {  	[smem:$0x3F98] =	sst lr;
	_ =	strace $0xD0000000  }
0x3: {  	_ = 	snop  }
0x4: {  	_ = 	snop  }
0x5: {  	_ = 	snop  }
0x6: {  	_ = 	snop  }
0x7: {  	_ = 	snop  }
__scs_overlays_trampoline_lowered:
0x8: {  	[smem:$0x3FA7] =	sst s0  }
0x9: {  	[smem:$0x3FA8] =	sst s1  }
0xa: {  	[smem:$0x3FA9] =	sst s2  }
0xb: {  	[smem:$0x3FAA] =	sst s3  }
0xc: {  	[smem:$0x3FAB] =	sst s4  }
0xd: {  	[smem:$0x3FAC] =	sst s5  }
0xe: {  	[smem:$0x3FAD] =	sst s6  }
0xf: {  	[smem:$0x3FAE] =	sst s7  }
0x10: {  	[smem:$0x3FAF] =	sst s8  }
0x11: {  	[smem:$0x3FB0] =	sst s9;
	s0 =	simm.s32 @!p0 $0x0  }
0x12: {  	s1 =	sld [smem:$0x3F96];
	s0 =	simm.s32 @p0 $0x1  }
0x13: {  	[smem:$0x3FB1] =	sst s0;
	s0 =	simm.s32 @!p1 $0x0  }
0x14: {  	s2 =	sld [smem:$0x3F95];
	s0 =	simm.s32 @p1 $0x1  }
0x15: {  	[smem:$0x3FB2] =	sst s0;
	s0 =	simm.s32 @!p2 $0x0  }
0x16: {  	s3 =	sld [smem:$0x3FDB];
	s0 =	simm.s32 @p2 $0x1  }
0x17: {  	s4 =	simm.s32 $0x1BF5;
	[smem:$0x3FB4] =	sst s0  }
0x18: {  	s0 =	sld [smem:$0x3F97];
	_ =	swait.ge [sflag:s4], $0x0  }
0x19: {  	s7 =	sld [smem:$0x3F98]  }
0x1a: {  	s8 =	sadd.s32 $0xFFFFE003, lr  }
0x1b: {  	s9 =	sadd.s32 $0xFFFFFEF7, lr;
	s5 =	simm.s32 $0xFFFFFFFF;
	p2 =	slt.u32 s8, $0xFFFFF086  }
0x1c: {  	p1 =	slt.u32 s9, $0xF7A;
	s5 =	simm.s32 @!p2 $0x0  }
0x1d: {  	s5 =	simm.s32 @p1 $0x1;
	p0 =	seq.s32 s7, s2  }
0x1e: {  	s7 =	smul.u32 @!p0 $0xF7A, s2;
	p2 =	seq.s32 @!p0 s5, $0x0  }
0x1f: {  	s9 =	smul.u32 $0xF7A, s1;
	s8 =	simm.s32 @!p0 $0x1BF5;
	p2 =	por !p2, p0  }
0x20: {  	[sflag:s8] =	ssyncset.s32 @!p0 $0xFFFFF086;
	s6 =	sadd.s32 @!p0 s3, s7;
	s7 =	simm.s32 @!p0 $0x108  }
0x21: {  	s3 =	sadd.s32 s3, s9;
	s6 =	sadd.s32 @!p0 $0x88, s6;
	s7 =	simm.s32 @p2 $0x1082  }
0x22: {  	[simem:s7], [sflag:s8] =	dma.local @!p0 [hbm:s6], $0xF7A  }
0x23: {  	s9 =	sor.u32 $0xD0000000, s2;
	s6 =	simm.s32 $0x108;
	_ =	swait.ge @!p0 [sflag:s8], $0x0  }
0x24: {  	s3 =	sadd.s32 $0x88, s3;
	s6 =	simm.s32 @!p1 $0x1082;
	[sflag:s4] =	ssyncset.s32 $0xFFFFF086  }
0x25: {  	[simem:s6], [sflag:s4] =	dma.local [hbm:s3], $0xF7A  }
0x26: {  	[smem:$0x3F98] =	sst s1;
	(tag) =	ssettag s2;
	_ =	strace s9  }
0x27: {  	s1 =	sld [smem:$0x3FA8]  }
0x28: {  	s2 =	sld [smem:$0x3FA9]  }
0x29: {  	s4 =	sld [smem:$0x3FAB]  }
0x2a: {  	p0 =	seq.s32 s5, $0x0;
	s5 =	sld [smem:$0x3FAC]  }
0x2b: {  	s6 =	sld [smem:$0x3FAD]  }
0x2c: {  	s7 =	sld [smem:$0x3FAE]  }
0x2d: {  	s3 =	simm.s32 $0x108;
	s8 =	sld [smem:$0x3FAF]  }
0x2e: {  	s3 =	simm.s32 @!p0 $0x1082;
	s9 =	sld [smem:$0x3FB0]  }
0x2f: {  	lr =	sadd.s32 s0, s3;
	s0 =	sld [smem:$0x3FA7]  }
0x30: {  	s3 =	sld [smem:$0x3FAA]  }
0x31: {  	[smem:$0x3FB3] =	sst s10  }
0x32: {  	s10 =	sld [smem:$0x3FB1];
	_ =	sdelay $0x3  }
0x33: {  	p0 =	seq.s32 s10, $0x1;
	s10 =	sld [smem:$0x3FB3];
	_ =	sdelay $0x3  }
0x34: {  	[smem:$0x3FB3] =	sst s10  }
0x35: {  	s10 =	sld [smem:$0x3FB2];
	_ =	sdelay $0x3  }
0x36: {  	p1 =	seq.s32 s10, $0x1;
	s10 =	sld [smem:$0x3FB3];
	_ =	sdelay $0x3  }
0x37: {  	[smem:$0x3FB3] =	sst s10  }
0x38: {  	s10 =	sld [smem:$0x3FB4]  }
0x39: {  	_ = 	snop;
	(pc) =	sbr.ind lr, $3  }
0x3a: {  	_ = 	snop  }
0x3b: {  	_ = 	snop  }
0x3c: {  	p2 =	seq.s32 s10, $0x1;
	s10 =	sld [smem:$0x3FB3]  }
0x3d: {  	_ =	shalt  }
0x3e: {  	_ =	shalt  }
0x3f: {  	_ =	shalt  }
0x40: {  	_ =	shalt  }
0x41: {  	_ =	shalt  }
0x42: {  	_ =	shalt  }
0x43: {  	_ =	shalt  }
0x44: {  	_ =	shalt  }
0x45: {  	_ =	shalt  }
0x46: {  	_ =	shalt  }
0x47: {  	_ =	shalt  }
0x48: {  	_ =	shalt  }
0x49: {  	_ =	shalt  }
0x4a: {  	_ =	shalt  }
0x4b: {  	_ =	shalt  }
0x4c: {  	_ =	shalt  }
0x4d: {  	_ =	shalt  }
0x4e: {  	_ =	shalt  }
0x4f: {  	_ =	shalt  }
0x50: {  	_ =	shalt  }
0x51: {  	_ =	shalt  }
0x52: {  	_ =	shalt  }
0x53: {  	_ =	shalt  }
0x54: {  	_ =	shalt  }
0x55: {  	_ =	shalt  }
0x56: {  	_ =	shalt  }
0x57: {  	_ =	shalt  }
0x58: {  	_ =	shalt  }
0x59: {  	_ =	shalt  }
0x5a: {  	_ =	shalt  }
0x5b: {  	_ =	shalt  }
0x5c: {  	_ =	shalt  }
0x5d: {  	_ =	shalt  }
0x5e: {  	_ =	shalt  }
0x5f: {  	_ =	shalt  }
0x60: {  	_ =	shalt  }
0x61: {  	_ =	shalt  }
0x62: {  	_ =	shalt  }
0x63: {  	_ =	shalt  }
0x64: {  	_ =	shalt  }
0x65: {  	_ =	shalt  }
0x66: {  	_ =	shalt  }
0x67: {  	_ =	shalt  }
0x68: {  	_ =	shalt  }
0x69: {  	_ =	shalt  }
0x6a: {  	_ =	shalt  }
0x6b: {  	_ =	shalt  }
0x6c: {  	_ =	shalt  }
0x6d: {  	_ =	shalt  }
0x6e: {  	_ =	shalt  }
0x6f: {  	_ =	shalt  }
0x70: {  	_ =	shalt  }
0x71: {  	_ =	shalt  }
0x72: {  	_ =	shalt  }
0x73: {  	_ =	shalt  }
0x74: {  	_ =	shalt  }
0x75: {  	_ =	shalt  }
0x76: {  	_ =	shalt  }
0x77: {  	_ =	shalt  }
0x78: {  	_ =	shalt  }
0x79: {  	_ =	shalt  }
0x7a: {  	_ =	shalt  }
0x7b: {  	_ =	shalt  }
0x7c: {  	_ =	shalt  }
0x7d: {  	_ =	shalt  }
0x7e: {  	_ =	shalt  }
0x7f: {  	_ =	shalt  }
0x80: {  	_ =	shalt  }
0x81: {  	_ =	shalt  }
0x82: {  	_ =	shalt  }
0x83: {  	_ =	shalt  }
0x84: {  	_ =	shalt  }
0x85: {  	_ =	shalt  }
0x86: {  	_ =	shalt  }
0x87: {  	_ =	shalt  }
.Lfunc_end0:
.L_simem_size_0:
called_computation_lowered:
.L_overlay_start_0:
0x88: {  	s2 =	sld [smem:$0x3FD9]  }
0x89: {  	s3 =	sld [smem:$0x3FFE];
	_ =	sdelay $0x1  }
0x8a: {  	s1 =	srdreg.scid  }
0x8b: {  	s0 =	sand.u32 $0x1, s1  }
0x8c: {  	s16 =	sshll.u32 s0, $0xA;
	s2 =	sadd.s32 s3, s2  }
0x8d: {  	s2 =	sadd.s32 s2, s16  }
0x8e: {  	[smem:$0x3FBF] =	sst s2  }
0x8f: {  	_ = 	snop  }
0x90: {  	(tm) =	ssettm $0x1  }
0x91: {  	s17 =	sld [smem:$0x3FFB];
	_ =	sdelay $0x3  }
0x92: {  	_ =	strace s17  }
0x93: {  	s2 =	sld [smem:$0x3FFC];
	_ =	sdelay $0x3  }
0x94: {  	_ =	strace s2  }
0x95: {  	s2 =	sld [smem:$0x3FFD];
	_ =	sdelay $0x3  }
0x96: {  	_ =	strace s2  }
0x97: {  	_ =	strace $0x8FFFFFFF  }
0x98: {  	s18 =	sld [smem:$0x3FDB];
	_ =	sdelay $0x1  }
0x99: {  	s19 =	simm.s32 $_scs_section_size  }
0x9a: {  	s4 =	simm.s32 $_size__tile_overlayer_lowered;
	s5 =	simm.s32 $_tile_overlayer_lowered  }
0x9b: {  	s22 =	simm.s32 $0x1BFF;
	s21 =	sshll.u32 s5, $0x1;
	s2 =	sadd.s32 s19, s18  }
0x9c: {  	s6 =	simm.s32 $0x0;
	s20 =	sshll.u32 s4, $0x1;
	s4 =	sadd.s32 s21, s2  }
0x9d: {  	[timem:s6], [sflag:s22] =	dma.local [hbm:s4], s20  }
0x9e: {  	_ =	swait.ge [sflag:s22], s20  }
0x9f: {  	s3 =	ssub.s32 $0x0, s20;
	[sflag:s22] =	ssyncset.done $0x0  }
0xa0: {  	[sflag:s22] =	ssyncadd.s32 s3;
	_ =	sdelay $0x1  }
0xa1: {  	s23 =	simm.s32 $0x1B8B  }
0xa2: {  	_ =	swait.ge [sflag:s23], $0x1  }
0xa3: {  	[sflag:s23] =	ssyncset.done $0x0  }
0xa4: {  	s25 =	simm.s32 $0x1B8E;
	s24 =	sld [smem:$0x3FFE];
	[sflag:s23] =	ssyncadd.s32 $0xFFFFFFFF  }
0xa5: {  	s26 =	simm.s32 $execute0_lowered;
	[smem:$0x3FD2] =	sst s25  }
0xa6: {  	s4 =	sshll.u32 s26, $0x1;
	_ =	strace $0x80000046;
	[dreg:$0x1] =	wrdreg $0xFFFFFFFF  }
0xa7: {  	s28 =	simm.s32 $_size_execute0_lowered;
	s2 =	sadd.s32 s2, s4;
	[dreg:$0x0] =	wrdreg $0x0  }
0xa8: {  	s4 =	sshll.u32 s28, $0x1;
	[dreg:$0x2] =	wrdreg s2  }
0xa9: {  	[dreg:$0x3] =	wrdreg s4  }
0xaa: {  	[dreg:$0x4] =	wrdreg $0xC0  }
0xab: {  	_ =	task [dreg:s6], $0x5FFFF  }
0xac: {  	[dreg:$0x1] =	wrdreg $0xFFFFFFFF  }
0xad: {  	[dreg:$0x0] =	wrdreg $0x60  }
0xae: {  	[dreg:$0x2] =	wrdreg s24  }
0xaf: {  	[dreg:$0x3] =	wrdreg $0x2B000  }
0xb0: {  	[dreg:$0x4] =	wrdreg $0x9  }
0xb1: {  	_ =	task.clear_ibuf [dreg:s6], $0x5FFFF;
	_ =	strace $0x90000046  }
0xb2: {  	s29 =	simm.s32 $0x9;
	_ =	strace $0x80000048  }
0xb3: {  	_ =	swait.ge [sflag:s29], $0x1  }
0xb4: {  	[sflag:s29] =	ssyncadd.s32 $0xFFFFFFFF  }
0xb5: {  	_ =	strace $0x90000048  }
0xb6: {  	_ =	sfence  }
0xb7: {  	s30 =	sld [smem:$0x0];
	_ =	sdelay $0x2  }
0xb8: {  	s31 =	sshll.u32 s1, $0xD;
	s1 =	sshrl.u32 s1, $0x2  }
0xb9: {  	s3 =	sand.u32 $0x4000, s31;
	s1 =	sadd.s32 s1, s30  }
0xba: {  	s0 =	sor.u32 s3, s0;
	s1 =	sshll.u32 s1, $0x11  }
0xbb: {  	s0 =	sor.u32 s1, s0  }
0xbc: {  	s0 =	sadd.s32 $0x8F2B, s0  }
0xbd: {  	[sflag:s0] =	ssyncadd.remote.s32 $0x1  }
0xbe: {  	_ =	sfence.sel $0xFFFF  }
0xbf: {  	[dreg:$0x0] =	wrdreg $0xFFFFFFFF;
	(pc) =	sbr.abs _section_cstart, $3  }
0xc0: {  	[dreg:$0x1] =	wrdreg $0xFFFFFFFF  }
0xc1: {  	_ =	task.clear_ibuf [dreg:s6], $0x2FFFF;
	_ =	strace $0x9FFFFFFF  }
0xc2: {  	(tm) =	ssettm $0x7FFFFFFF  }
0xc3: {  	_ =	shalt  }
tec
execute0_lowered:
.L_overlay_start_1:
0x0: {  	(tag) =	ssettag $0x1  }
0x1: {  	s4 =	rddreg [dreg:$0x0]  }
0x2: {  	s2 =	rddreg [dreg:$0x1]  }
0x3: {  	s0 =	rddreg [dreg:$0x2];
	s3 =	srdreg.scid  }
0x4: {  	s1 =	stileid.u32;
	s10 =	simm.s32 $0x80;
	s11 =	simm.s32 $0x2800  }
0x5: {  	s14 =	simm.s32 $0x0;
	s5 =	sand.u32 $0x1, s3;
	s6 =	smul.u32 $0x280, s1  }
0x6: {  	s7 =	sshll.u32 s1, $0x1;
	s3 =	simm.s32 $0x0;
	s12 =	sshll.u32 s1, $0x6  }
0x7: {  	s8 =	smul.u32 $0x2800, s5;
	s7 =	sor.u32 s5, s7;
	[smem:$0x7FF] =	sst s3  }
0x8: {  	s5 =	ssub.s32 $0x2, s5;
	s12 =	sor.u32 $0x1C01, s12;
	s7 =	smul.u32 $0x2800, s7  }
0x9: {  	_ =	strace $0x80000047;
	s9 =	sshrl.u32 s5, $0x1;
	s8 =	sadd.s32 s6, s8  }
0xa: {  	s9 =	ssub.s32 s5, s9;
	s8 =	sshrl.u32 s8, $0x3;
	s7 =	sshrl.u32 s7, $0x3  }
0xb: {  	s8 =	sadd.s32 s8, s4;
	s31 =	sadd.s32 s4, s7;
	s4 =	sadd.s32 s6, s2  }
0xc: {  	s7 =	smax.u32 s9, $0x1;
	s9 =	simm.s32 $0x1;
	s5 =	sadd.s32 $0xCC00, s31  }
0xd: {  	v0 =	vimm.f32 $0.0e+00;
	v1 =	vimm.f32 $1.000000000e+00;
	s6 =	sadd.s32 $0x16C00, s8;
	s8 =	simm.s32 $0x2880;
	s13 =	sshrl.u32 s4, $0x3  }
.LBB2_1:
0xe: {  	[tilespmem:$0x2880] =	vst v0  }
0xf: {  	[tilespmem:$0x2890] =	vst v0  }
0x10: {  	[tilespmem:$0x28A0] =	vst v0  }
0x11: {  	[tilespmem:$0x28B0] =	vst v0  }
0x12: {  	[tilespmem:$0x28C0] =	vst v0  }
0x13: {  	[tilespmem:$0x28D0] =	vst v0  }
0x14: {  	[tilespmem:$0x28E0] =	vst v0  }
0x15: {  	[tilespmem:$0x28F0] =	vst v0  }
0x16: {  	[tilespmem:$0x2900] =	vst v0  }
0x17: {  	[tilespmem:$0x2910] =	vst v0  }
0x18: {  	[tilespmem:$0x2920] =	vst v0  }
0x19: {  	[tilespmem:$0x2930] =	vst v0  }
0x1a: {  	[tilespmem:$0x2940] =	vst v0  }
0x1b: {  	[tilespmem:$0x2950] =	vst v0  }
0x1c: {  	[tilespmem:$0x2960] =	vst v0  }
0x1d: {  	[tilespmem:$0x2970] =	vst v0  }
0x1e: {  	[tilespmem:$0x2980] =	vst v0  }
0x1f: {  	[tilespmem:$0x2990] =	vst v0  }
0x20: {  	[tilespmem:$0x29A0] =	vst v0  }
0x21: {  	[tilespmem:$0x29B0] =	vst v0  }
0x22: {  	[tilespmem:$0x29C0] =	vst v0  }
0x23: {  	[tilespmem:$0x29D0] =	vst v0  }
0x24: {  	[tilespmem:$0x29E0] =	vst v0  }
0x25: {  	[tilespmem:$0x29F0] =	vst v0  }
0x26: {  	[tilespmem:$0x2A00] =	vst v0  }
0x27: {  	[tilespmem:$0x2A10] =	vst v0  }
0x28: {  	[tilespmem:$0x2A20] =	vst v0  }
0x29: {  	[tilespmem:$0x2A30] =	vst v0  }
0x2a: {  	[tilespmem:$0x2A40] =	vst v0  }
0x2b: {  	[tilespmem:$0x2A50] =	vst v0  }
0x2c: {  	[tilespmem:$0x2A60] =	vst v0  }
0x2d: {  	[tilespmem:$0x2A70] =	vst v0  }
0x2e: {  	[tilespmem:$0x2A80] =	vst v0  }
0x2f: {  	[tilespmem:$0x2A90] =	vst v0  }
0x30: {  	[tilespmem:$0x2AA0] =	vst v0  }
0x31: {  	[tilespmem:$0x2AB0] =	vst v0  }
0x32: {  	[tilespmem:$0x2AC0] =	vst v0  }
0x33: {  	[tilespmem:$0x2AD0] =	vst v0  }
0x34: {  	[tilespmem:$0x2AE0] =	vst v0  }
0x35: {  	[tilespmem:$0x2AF0] =	vst v0  }
0x36: {  	[tilespmem:$0x2800] =	vst v1  }
0x37: {  	[tilespmem:$0x2810] =	vst v1  }
0x38: {  	[tilespmem:$0x2820] =	vst v1  }
0x39: {  	[tilespmem:$0x2830] =	vst v1  }
0x3a: {  	[tilespmem:$0x2840] =	vst v1  }
0x3b: {  	[tilespmem:$0x2850] =	vst v1  }
0x3c: {  	[tilespmem:$0x2860] =	vst v1  }
0x3d: {  	[tilespmem:$0x2870] =	vst v1  }
0x3e: {  	[spmem:s4] =	stream.linear.scatter [tilespmem:s8], [sflag:$0x1], $0x280, $0x38;
	[tilespmem:$0x2D80] =	vst v63  }
0x3f: {  	_ =	swait.ge [sflag:s9], $0x280  }
0x40: {  	[sflag:s9] =	ssyncset.done $0x0  }
0x41: {  	[sflag:s9] =	ssyncadd.s32 $0xFFFFFD80  }
0x42: {  	[bflag:$0x0] =	sbarrier.arrive $0xFFFF  }
0x43: {  	[tilespmem:s3], [sflag:$0x1] =	stream.linear.gather [hbm4b:s5+s3], $0x2800, $0x38;
	[tilespmem:$0x2D80] =	vst v63  }
0x44: {  	_ =	swait.ge [sflag:s9], $0x2800  }
0x45: {  	[sflag:s9] =	ssyncset.done $0x0  }
0x46: {  	s15 =	simm.s32 $0x0;
	[sflag:s9] =	ssyncadd.s32 $0xFFFFD800  }
0x47: {  	[spmem:s2] =	stream.indirect.scatter.add.f32 [tilespmem:s11], [sflag:$0x1], $0x1, s15, s10, $0xb8;
	[tilespmem:$0x2D80] =	vst v63  }
0x48: {  	_ =	swait.ge [sflag:s9], $0x80  }
0x49: {  	s15 =	simm.s32 $0x200;
	[sflag:s9] =	ssyncset.done $0x0  }
.LBB2_2:
0x4a: {  	s16 =	sshra.s32 s15, $0x2;
	[sflag:s9] =	ssyncadd.s32 $0xFFFFFF80;
	p0 =	sne.s32 s15, $0x9E00  }
0x4b: {  	[spmem:s2] =	stream.indirect.scatter.add.f32 [tilespmem:s11], [sflag:$0x1], $0x1, s16, s10, $0xb8;
	[tilespmem:$0x2D80] =	vst v63  }
.Ltmp0:
0x4c: {  	_ = 	snop;
	(pc) =	sbr.rel @p0 .LBB2_2-.Ltmp0, $4  }
0x4d: {  	_ = 	snop  }
0x4e: {  	s15 =	sadd.s32 $0x200, s15  }
0x4f: {  	_ =	swait.ge [sflag:s9], $0x80  }
0x50: {  	[sflag:s9] =	ssyncset.done $0x0  }
0x51: {  	s14 =	sadd.s32 $0x1, s14  }
0x52: {  	[sflag:s9] =	ssyncadd.s32 $0xFFFFFF80;
	p0 =	sne.s32 s14, s7  }
.Ltmp1:
0x53: {  	[bflag:$0x0] =	sbarrier.arrive $0xFFFF;
	(pc) =	sbr.rel @p0 .LBB2_1-.Ltmp1, $4  }
0x54: {  	[hbm:s6], [sflag:s12] =	dma.local [spmem:s13], $0x50  }
0x55: {  	_ =	swait.ge [sflag:s9], $0x50  }
0x56: {  	[sflag:s9] =	ssyncset.done $0x0  }
0x57: {  	[sflag:s9] =	ssyncadd.s32 $0xFFFFFFB0  }
0x58: {  	_ =	sfence.sel $0x180000  }
0x59: {  	[bflag:$0x0] =	sbarrier.arrive $0xFFFF  }
0x5a: {  	p0 =	sne.s32 s1, $0x0;
	_ =	strace $0x90000047  }
0x5b: {  	s0 =	sadd.s32 @!p0 $0x100000, s0;
	[bflag:$0x2] =	sbarrier.arrive $0xFFFF  }
0x5c: {  	[sflag:s0] =	ssyncadd.tile.s32 @!p0 $0x1;
	_ =	shalt  }
.Lfunc_end2:
_tile_overlayer_lowered:
.L_overlay_start_2:
0x5d: {  	(tag) =	ssettag $0x2  }
0x5e: {  	s0 =	rddreg [dreg:$0x0];
	s2 =	stileid.u32  }
0x5f: {  	s1 =	rddreg [dreg:$0x1];
	p0 =	sne.s32 s2, $0x0  }
0x60: {  	s3 =	rddreg [dreg:$0x2];
	[bflag:$0x3] =	sbarrier.arrive $0xFFFF;
	s2 =	simm.s32 @!p0 $0x1C01  }
0x61: {  	[timem:s3], [sflag:s2] =	dma.local @!p0 [hbm:s0], s1  }
0x62: {  	s0 =	simm.s32 @!p0 $0x1  }
0x63: {  	_ =	swait.ge @!p0 [sflag:s0], s1  }
0x64: {  	s1 =	ssub.s32 @!p0 $0x0, s1;
	[sflag:s0] =	ssyncset.done @!p0 $0x0  }
0x65: {  	[sflag:s0] =	ssyncadd.s32 @!p0 s1  }
0x66: {  	[bflag:$0x3] =	sbarrier.arrive $0xFFFF  }
0x67: {  	_ =	shalt  }

</sc_bundles>
